<compile_context>
chip_gen: v7x
topology: tpu7x:2x2x1
jax: 0.10.2.dev20260603
libtpu: 0.0.44.dev20260713+nightly
codegen_flags: <defaults>
</compile_context>

<pallas_src>
import functools

import jax
import jax.numpy as jnp
from jax import lax
from jax.experimental import pallas as pl
from jax.experimental.pallas import tpu as pltpu
from jax.experimental.pallas import tpu_sc as plsc

B = 1024
OBS_DIM = 256
ACT_DIM = 64
HID = 512
CAP = 65536
K = 32
DELTA = 1e-3
KEY_BLK = 2048
N_KBLK = CAP // KEY_BLK
CHUNK = 128
N_CHUNK = CAP // CHUNK
CHUNKS_PER_BLK = KEY_BLK // CHUNK
CAND = K * CHUNK
ROW_BLK = 128
_PREC = lax.Precision.HIGHEST


def _trunk_kernel(obs_ref, act_ref, w_ref, b_ref, g_ref, be_ref, phi_ref):
    bf = jnp.bfloat16
    x = (lax.dot_general(obs_ref[...].astype(bf), w_ref[:OBS_DIM, :].astype(bf),
                         (((1,), (0,)), ((), ())),
                         preferred_element_type=jnp.float32)
         + lax.dot_general(act_ref[...].astype(bf), w_ref[OBS_DIM:, :].astype(bf),
                           (((1,), (0,)), ((), ())),
                           preferred_element_type=jnp.float32)
         + b_ref[...])
    mu = jnp.mean(x, axis=-1, keepdims=True)
    var = jnp.mean((x - mu) ** 2, axis=-1, keepdims=True)
    x = (x - mu) / jnp.sqrt(var + 1e-5) * g_ref[...] + be_ref[...]
    phi_ref[...] = jnp.tanh(x)


def _dist_kernel(phi_ref, keys_ref, d_ref, m_ref):
    phi = phi_ref[...]
    kb = keys_ref[...]
    pn = jnp.sum(phi * phi, axis=1, keepdims=True)
    kn = jnp.sum(kb * kb, axis=1, keepdims=True)
    g = lax.dot_general(phi.astype(jnp.bfloat16), kb.astype(jnp.bfloat16),
                        (((1,), (1,)), ((), ())),
                        preferred_element_type=jnp.float32)
    d = jnp.maximum(pn - 2.0 * g + kn.T, 0.0)
    d_ref[...] = d
    m_ref[...] = jnp.min(
        d.reshape(B, CHUNKS_PER_BLK, CHUNK), axis=-1)[None]


def _select_kernel(m_ref, g1_ref, g2_ref):
    pid = pl.program_id(0)
    mv = m_ref[...]
    iota = lax.broadcasted_iota(jnp.int32, (ROW_BLK, N_CHUNK), 1)
    big = jnp.int32(1 << 24)
    cols = []
    for _ in range(K):
        m = jnp.min(mv, axis=1, keepdims=True)
        am = jnp.min(jnp.where(mv == m, iota, big), axis=1, keepdims=True)
        mv = jnp.where(iota == am, jnp.inf, mv)
        cols.append(am)
    c32 = jnp.concatenate(cols, axis=1)
    rows = (pid * ROW_BLK
            + lax.broadcasted_iota(jnp.int32, (ROW_BLK, K), 0))
    g1_ref[...] = rows * N_CHUNK + c32
    g2_ref[...] = c32


def _final_kernel(c_ref, v_ref, q_ref):
    c = c_ref[...]
    v = v_ref[...]
    iota = lax.broadcasted_iota(jnp.int32, (ROW_BLK, CAND), 1)
    big = jnp.int32(1 << 24)
    sw = jnp.zeros((ROW_BLK, 1), jnp.float32)
    swv = jnp.zeros((ROW_BLK, 1), jnp.float32)
    for _ in range(K):
        m = jnp.min(c, axis=1, keepdims=True)
        am = jnp.min(jnp.where(c == m, iota, big), axis=1, keepdims=True)
        sel = iota == am
        vm = jnp.sum(jnp.where(sel, v, 0.0), axis=1, keepdims=True)
        w = 1.0 / (m + DELTA)
        sw += w
        swv += w * vm
        c = jnp.where(sel, jnp.inf, c)
    q_ref[...] = swv / sw


def _sc_gather(dc, vc, g1, g2):
    info = plsc.get_sparse_core_info()
    nw = info.num_cores * info.num_subcores
    total = B * K
    per_w = total // nw
    ch = 256
    n_ch = per_w // ch
    mesh = plsc.VectorSubcoreMesh(core_axis_name="c", subcore_axis_name="s")
    out_sd = jax.ShapeDtypeStruct((total, CHUNK), jnp.float32)

    @functools.partial(
        pl.kernel, mesh=mesh, out_type=(out_sd, out_sd),
        scratch_types=[
            pltpu.VMEM((ch,), jnp.int32),
            pltpu.VMEM((ch, CHUNK), jnp.float32),
            pltpu.SemaphoreType.DMA,
        ],
    )
    def k(dc_hbm, vc_hbm, g1_hbm, g2_hbm, cand_hbm, vcand_hbm,
          idx_v, rows_v, sem):
        wid = lax.axis_index("s") * info.num_cores + lax.axis_index("c")
        for c in range(n_ch):
            base = wid * per_w + c * ch
            pltpu.sync_copy(g1_hbm.at[pl.ds(base, ch)], idx_v)
            pltpu.async_copy(dc_hbm.at[idx_v], rows_v, sem).wait()
            pltpu.sync_copy(rows_v, cand_hbm.at[pl.ds(base, ch)])
            pltpu.sync_copy(g2_hbm.at[pl.ds(base, ch)], idx_v)
            pltpu.async_copy(vc_hbm.at[idx_v], rows_v, sem).wait()
            pltpu.sync_copy(rows_v, vcand_hbm.at[pl.ds(base, ch)])

    return k(dc, vc, g1, g2)


def kernel(obs, action, W, b, gamma, beta, keys1, values1, keys2, values2):
    f32 = jnp.float32
    phi = pl.pallas_call(
        _trunk_kernel,
        out_shape=jax.ShapeDtypeStruct((B, HID), f32),
    )(obs, action, W, b.reshape(1, HID), gamma.reshape(1, HID),
      beta.reshape(1, HID))

    d, m3 = pl.pallas_call(
        _dist_kernel,
        grid=(N_KBLK,),
        in_specs=[
            pl.BlockSpec((B, HID), lambda j: (0, 0)),
            pl.BlockSpec((KEY_BLK, HID), lambda j: (j, 0)),
        ],
        out_specs=[
            pl.BlockSpec((B, KEY_BLK), lambda j: (0, j)),
            pl.BlockSpec((1, B, CHUNKS_PER_BLK), lambda j: (j, 0, 0)),
        ],
        out_shape=[
            jax.ShapeDtypeStruct((B, CAP), f32),
            jax.ShapeDtypeStruct((N_KBLK, B, CHUNKS_PER_BLK), f32),
        ],
    )(phi, keys1)

    m = jnp.transpose(m3, (1, 0, 2)).reshape(B, N_CHUNK)

    g1, g2 = pl.pallas_call(
        _select_kernel,
        grid=(B // ROW_BLK,),
        in_specs=[pl.BlockSpec((ROW_BLK, N_CHUNK), lambda i: (i, 0))],
        out_specs=[
            pl.BlockSpec((ROW_BLK, K), lambda i: (i, 0)),
            pl.BlockSpec((ROW_BLK, K), lambda i: (i, 0)),
        ],
        out_shape=[
            jax.ShapeDtypeStruct((B, K), jnp.int32),
            jax.ShapeDtypeStruct((B, K), jnp.int32),
        ],
    )(m)

    cand, vcand = _sc_gather(
        d.reshape(B * N_CHUNK, CHUNK),
        values1.reshape(N_CHUNK, CHUNK),
        g1.reshape(B * K),
        g2.reshape(B * K),
    )

    q = pl.pallas_call(
        _final_kernel,
        grid=(B // ROW_BLK,),
        in_specs=[
            pl.BlockSpec((ROW_BLK, CAND), lambda i: (i, 0)),
            pl.BlockSpec((ROW_BLK, CAND), lambda i: (i, 0)),
        ],
        out_specs=pl.BlockSpec((ROW_BLK, 1), lambda i: (i, 0)),
        out_shape=jax.ShapeDtypeStruct((B, 1), f32),
    )(cand.reshape(B, CAND), vcand.reshape(B, CAND))

    return (q, q)

# --- scband reference (transcript-rebuilt; emitter-appended) ---
"""Pipeline reference for scband-non-parametric-critic-16338055594570 (READ-ONLY COPY).

The authoritative reference and input builder live on the scoring server;
editing this copy changes nothing except your own understanding.
"""

import jax, jax.numpy as jnp
import numpy as np

K_NEIGHBORS = 32
DELTA = 1e-3
CAPACITY = 65536
OBS_DIM = 256
ACT_DIM = 64
HID = 512
VAL_DIM = 1
B = 1024


def _layernorm(x, gamma, beta, eps=1e-5):
    mu = jnp.mean(x, axis=-1, keepdims=True)
    var = jnp.var(x, axis=-1, keepdims=True)
    return (x - mu) / jnp.sqrt(var + eps) * gamma + beta


def _knn_head(phi, keys, values):
    # squared L2 distances: [B, CAPACITY]
    d = (jnp.sum(phi * phi, axis=-1, keepdims=True)
         - 2.0 * phi @ keys.T
         + jnp.sum(keys * keys, axis=-1)[None, :])
    d = jnp.maximum(d, 0.0)
    neg_top, idx = jax.lax.top_k(-d, K_NEIGHBORS)  # nearest = smallest distance
    top_d = -neg_top                               # [B, k]
    w = 1.0 / (top_d + DELTA)                      # NEC inverse-distance kernel
    w = w / jnp.sum(w, axis=-1, keepdims=True)
    v = jnp.take(values, idx, axis=0)              # [B, k, VAL_DIM]
    return jnp.sum(w[..., None] * v, axis=1)       # [B, VAL_DIM]


def setup_inputs(seed: int = 0) -> dict:
    key = jax.random.key(seed)
    ks = jax.random.split(key, 10)
    obs = jax.random.normal(ks[0], (B, OBS_DIM), dtype=jnp.float32)
    action = jax.random.normal(ks[1], (B, ACT_DIM), dtype=jnp.float32)
    in_dim = OBS_DIM + ACT_DIM
    W = jax.random.normal(ks[2], (in_dim, HID), dtype=jnp.float32) / np.sqrt(in_dim)
    b = jnp.zeros((HID,), dtype=jnp.float32)
    gamma = jnp.ones((HID,), dtype=jnp.float32)
    beta = jnp.zeros((HID,), dtype=jnp.float32)
    keys1 = jax.random.normal(ks[3], (CAPACITY, HID), dtype=jnp.float32) * 0.3
    values1 = jax.random.normal(ks[4], (CAPACITY, VAL_DIM), dtype=jnp.float32)
    keys2 = jax.random.normal(ks[5], (CAPACITY, HID), dtype=jnp.float32) * 0.3
    values2 = jax.random.normal(ks[6], (CAPACITY, VAL_DIM), dtype=jnp.float32)
    return {"obs": obs, "action": action, "W": W, "b": b, "gamma": gamma,
            "beta": beta, "keys1": keys1, "values1": values1,
            "keys2": keys2, "values2": values2}


def reference(obs, action, W, b, gamma, beta, keys1, values1, keys2, values2):
    # obs_type == 'states' path: concat obs/action, trunk = Linear + LN + Tanh
    inpt = jnp.concatenate([obs, action], axis=-1)
    h = jnp.tanh(_layernorm(inpt @ W + b, gamma, beta))
    phis_1 = h  # Q1_neck = Identity
    phis_2 = h  # Q2_neck = Identity
    # NOTE: original torch code calls self.Q1_head for BOTH q1 and q2 (faithful)
    q1 = _knn_head(phis_1, keys1, values1)
    q2 = _knn_head(phis_2, keys1, values1)
    return (q1, q2)

if __name__ == "__main__":
    import jax
    _d = setup_inputs()
    print(jax.jit(kernel)(*tuple(_d.values())))

</pallas_src>

<mosaic_0001>
#map = affine_map<(d0, d1) -> (0, 0)>
#map1 = affine_map<(d0, d1) -> (0)>
module attributes {stable_mosaic.version = 14 : i64} {
  func.func @k(%arg0: i32, %arg1: i32, %arg2: memref<524288x128xf32, #tpu.memory_space<hbm>>, %arg3: memref<512x128xf32, #tpu.memory_space<hbm>>, %arg4: memref<32768xi32, #tpu.memory_space<hbm>>, %arg5: memref<32768xi32, #tpu.memory_space<hbm>>, %arg6: memref<32768x128xf32, #tpu.memory_space<hbm>>, %arg7: memref<32768x128xf32, #tpu.memory_space<hbm>>, %arg8: memref<256xi32, #tpu.memory_space<vmem>>, %arg9: memref<256x128xf32, #tpu.memory_space<vmem>>, %arg10: memref<!tpu.dma_semaphore, #tpu.memory_space<semaphore_mem>>) attributes {dimension_semantics = [#tpu.dimension_semantics<core_parallel>, #tpu.dimension_semantics<subcore_parallel>], iteration_bounds = array<i64: 2, 16>, scalar_prefetch = 0 : i64, scratch_operands = 3 : i64, tpu.core_type = #tpu.core_type<sc_vector_subcore>, window_params = [{transform_indices = #map}, {transform_indices = #map}, {transform_indices = #map1}, {transform_indices = #map1}, {transform_indices = #map}, {transform_indices = #map}]} {
    %mul3A = arith.constant 2 : i32
    %mul3A_0 = arith.muli %arg1, %mul3A : i32
    %add3A = arith.addi %mul3A_0, %arg0 : i32
    %mul3A_1 = arith.constant 1024 : i32
    %mul3A_2 = arith.muli %add3A, %mul3A_1 : i32
    %add3A_3 = arith.constant 0 : i32
    %add3A_4 = arith.addi %mul3A_2, %add3A_3 : i32
    "tpu.region"() ({
      %run_scoped3A = tpu.sem_alloc : memref<!tpu.dma_semaphore, #tpu.memory_space<semaphore_mem>>
      %dma_start3A_63 = tpu.memref_slice %arg4[%add3A_4] : memref<32768xi32, #tpu.memory_space<hbm>> -> memref<256xi32, #tpu.memory_space<hbm>>
      %dma_start3A_64 = tpu.memref_slice %arg4[%add3A_4] : memref<32768xi32, #tpu.memory_space<hbm>> -> memref<256xi32, #tpu.memory_space<hbm>>
      tpu.enqueue_dma source(%dma_start3A_64 : memref<256xi32, #tpu.memory_space<hbm>>) target(%arg8 : memref<256xi32, #tpu.memory_space<vmem>>) target_semaphore(%run_scoped3A : memref<!tpu.dma_semaphore, #tpu.memory_space<semaphore_mem>>)
      %dma_wait3A_65 = tpu.memref_slice %arg4[%add3A_4] : memref<32768xi32, #tpu.memory_space<hbm>> -> memref<256xi32, #tpu.memory_space<hbm>>
      %dma_wait3A_66 = tpu.memref_slice %arg4[%add3A_4] : memref<32768xi32, #tpu.memory_space<hbm>> -> memref<256xi32, #tpu.memory_space<hbm>>
      tpu.wait_dma2 semaphore(%run_scoped3A : memref<!tpu.dma_semaphore, #tpu.memory_space<semaphore_mem>>) src(%dma_wait3A_66 : memref<256xi32, #tpu.memory_space<hbm>>) dst(%arg8 : memref<256xi32, #tpu.memory_space<vmem>>)
      tpu.yield
    }) : () -> ()
    %dma_start3A = arith.constant 0 : i32
    %dma_start3A_5 = arith.constant 0 : i32
    %dma_start3A_6 = tpu.memref_slice %arg2[%dma_start3A, %dma_start3A_5] : memref<524288x128xf32, #tpu.memory_space<hbm>> -> memref<524288x128xf32, #tpu.memory_space<hbm>>
    tpu.enqueue_indirect_dma source(%dma_start3A_6 : memref<524288x128xf32, #tpu.memory_space<hbm>>) target(%arg9 : memref<256x128xf32, #tpu.memory_space<vmem>>) offsets(%arg8 : memref<256xi32, #tpu.memory_space<vmem>>) semaphore(%arg10 : memref<!tpu.dma_semaphore, #tpu.memory_space<semaphore_mem>>)
    %dma_wait3A = arith.constant 0 : i32
    %dma_wait3A_7 = arith.constant 0 : i32
    %dma_wait3A_8 = tpu.memref_slice %arg2[%dma_wait3A, %dma_wait3A_7] : memref<524288x128xf32, #tpu.memory_space<hbm>> -> memref<524288x128xf32, #tpu.memory_space<hbm>>
    tpu.wait_indirect_dma semaphore(%arg10 : memref<!tpu.dma_semaphore, #tpu.memory_space<semaphore_mem>>) src(%dma_wait3A_8 : memref<524288x128xf32, #tpu.memory_space<hbm>>) dst(%arg9 : memref<256x128xf32, #tpu.memory_space<vmem>>)
    "tpu.region"() ({
      %run_scoped3A = tpu.sem_alloc : memref<!tpu.dma_semaphore, #tpu.memory_space<semaphore_mem>>
      %dma_start3A_63 = arith.constant 0 : i32
      %dma_start3A_64 = tpu.memref_slice %arg6[%add3A_4, %dma_start3A_63] : memref<32768x128xf32, #tpu.memory_space<hbm>> -> memref<256x128xf32, #tpu.memory_space<hbm>>
      %dma_start3A_65 = arith.constant 0 : i32
      %dma_start3A_66 = tpu.memref_slice %arg6[%add3A_4, %dma_start3A_65] : memref<32768x128xf32, #tpu.memory_space<hbm>> -> memref<256x128xf32, #tpu.memory_space<hbm>>
      tpu.enqueue_dma source(%arg9 : memref<256x128xf32, #tpu.memory_space<vmem>>) target(%dma_start3A_66 : memref<256x128xf32, #tpu.memory_space<hbm>>) target_semaphore(%run_scoped3A : memref<!tpu.dma_semaphore, #tpu.memory_space<semaphore_mem>>)
      %dma_wait3A_67 = arith.constant 0 : i32
      %dma_wait3A_68 = tpu.memref_slice %arg6[%add3A_4, %dma_wait3A_67] : memref<32768x128xf32, #tpu.memory_space<hbm>> -> memref<256x128xf32, #tpu.memory_space<hbm>>
      %dma_wait3A_69 = arith.constant 0 : i32
      %dma_wait3A_70 = tpu.memref_slice %arg6[%add3A_4, %dma_wait3A_69] : memref<32768x128xf32, #tpu.memory_space<hbm>> -> memref<256x128xf32, #tpu.memory_space<hbm>>
      tpu.wait_dma2 semaphore(%run_scoped3A : memref<!tpu.dma_semaphore, #tpu.memory_space<semaphore_mem>>) src(%arg9 : memref<256x128xf32, #tpu.memory_space<vmem>>) dst(%dma_wait3A_70 : memref<256x128xf32, #tpu.memory_space<hbm>>)
      tpu.yield
    }) : () -> ()
    "tpu.region"() ({
      %run_scoped3A = tpu.sem_alloc : memref<!tpu.dma_semaphore, #tpu.memory_space<semaphore_mem>>
      %dma_start3A_63 = tpu.memref_slice %arg5[%add3A_4] : memref<32768xi32, #tpu.memory_space<hbm>> -> memref<256xi32, #tpu.memory_space<hbm>>
      %dma_start3A_64 = tpu.memref_slice %arg5[%add3A_4] : memref<32768xi32, #tpu.memory_space<hbm>> -> memref<256xi32, #tpu.memory_space<hbm>>
      tpu.enqueue_dma source(%dma_start3A_64 : memref<256xi32, #tpu.memory_space<hbm>>) target(%arg8 : memref<256xi32, #tpu.memory_space<vmem>>) target_semaphore(%run_scoped3A : memref<!tpu.dma_semaphore, #tpu.memory_space<semaphore_mem>>)
      %dma_wait3A_65 = tpu.memref_slice %arg5[%add3A_4] : memref<32768xi32, #tpu.memory_space<hbm>> -> memref<256xi32, #tpu.memory_space<hbm>>
      %dma_wait3A_66 = tpu.memref_slice %arg5[%add3A_4] : memref<32768xi32, #tpu.memory_space<hbm>> -> memref<256xi32, #tpu.memory_space<hbm>>
      tpu.wait_dma2 semaphore(%run_scoped3A : memref<!tpu.dma_semaphore, #tpu.memory_space<semaphore_mem>>) src(%dma_wait3A_66 : memref<256xi32, #tpu.memory_space<hbm>>) dst(%arg8 : memref<256xi32, #tpu.memory_space<vmem>>)
      tpu.yield
    }) : () -> ()
    %dma_start3A_9 = arith.constant 0 : i32
    %dma_start3A_10 = arith.constant 0 : i32
    %dma_start3A_11 = tpu.memref_slice %arg3[%dma_start3A_9, %dma_start3A_10] : memref<512x128xf32, #tpu.memory_space<hbm>> -> memref<512x128xf32, #tpu.memory_space<hbm>>
    tpu.enqueue_indirect_dma source(%dma_start3A_11 : memref<512x128xf32, #tpu.memory_space<hbm>>) target(%arg9 : memref<256x128xf32, #tpu.memory_space<vmem>>) offsets(%arg8 : memref<256xi32, #tpu.memory_space<vmem>>) semaphore(%arg10 : memref<!tpu.dma_semaphore, #tpu.memory_space<semaphore_mem>>)
    %dma_wait3A_12 = arith.constant 0 : i32
    %dma_wait3A_13 = arith.constant 0 : i32
    %dma_wait3A_14 = tpu.memref_slice %arg3[%dma_wait3A_12, %dma_wait3A_13] : memref<512x128xf32, #tpu.memory_space<hbm>> -> memref<512x128xf32, #tpu.memory_space<hbm>>
    tpu.wait_indirect_dma semaphore(%arg10 : memref<!tpu.dma_semaphore, #tpu.memory_space<semaphore_mem>>) src(%dma_wait3A_14 : memref<512x128xf32, #tpu.memory_space<hbm>>) dst(%arg9 : memref<256x128xf32, #tpu.memory_space<vmem>>)
    "tpu.region"() ({
      %run_scoped3A = tpu.sem_alloc : memref<!tpu.dma_semaphore, #tpu.memory_space<semaphore_mem>>
      %dma_start3A_63 = arith.constant 0 : i32
      %dma_start3A_64 = tpu.memref_slice %arg7[%add3A_4, %dma_start3A_63] : memref<32768x128xf32, #tpu.memory_space<hbm>> -> memref<256x128xf32, #tpu.memory_space<hbm>>
      %dma_start3A_65 = arith.constant 0 : i32
      %dma_start3A_66 = tpu.memref_slice %arg7[%add3A_4, %dma_start3A_65] : memref<32768x128xf32, #tpu.memory_space<hbm>> -> memref<256x128xf32, #tpu.memory_space<hbm>>
      tpu.enqueue_dma source(%arg9 : memref<256x128xf32, #tpu.memory_space<vmem>>) target(%dma_start3A_66 : memref<256x128xf32, #tpu.memory_space<hbm>>) target_semaphore(%run_scoped3A : memref<!tpu.dma_semaphore, #tpu.memory_space<semaphore_mem>>)
      %dma_wait3A_67 = arith.constant 0 : i32
      %dma_wait3A_68 = tpu.memref_slice %arg7[%add3A_4, %dma_wait3A_67] : memref<32768x128xf32, #tpu.memory_space<hbm>> -> memref<256x128xf32, #tpu.memory_space<hbm>>
      %dma_wait3A_69 = arith.constant 0 : i32
      %dma_wait3A_70 = tpu.memref_slice %arg7[%add3A_4, %dma_wait3A_69] : memref<32768x128xf32, #tpu.memory_space<hbm>> -> memref<256x128xf32, #tpu.memory_space<hbm>>
      tpu.wait_dma2 semaphore(%run_scoped3A : memref<!tpu.dma_semaphore, #tpu.memory_space<semaphore_mem>>) src(%arg9 : memref<256x128xf32, #tpu.memory_space<vmem>>) dst(%dma_wait3A_70 : memref<256x128xf32, #tpu.memory_space<hbm>>)
      tpu.yield
    }) : () -> ()
    %mul3A_15 = arith.constant 1024 : i32
    %mul3A_16 = arith.muli %add3A, %mul3A_15 : i32
    %add3A_17 = arith.constant 256 : i32
    %add3A_18 = arith.addi %mul3A_16, %add3A_17 : i32
    "tpu.region"() ({
      %run_scoped3A = tpu.sem_alloc : memref<!tpu.dma_semaphore, #tpu.memory_space<semaphore_mem>>
      %dma_start3A_63 = tpu.memref_slice %arg4[%add3A_18] : memref<32768xi32, #tpu.memory_space<hbm>> -> memref<256xi32, #tpu.memory_space<hbm>>
      %dma_start3A_64 = tpu.memref_slice %arg4[%add3A_18] : memref<32768xi32, #tpu.memory_space<hbm>> -> memref<256xi32, #tpu.memory_space<hbm>>
      tpu.enqueue_dma source(%dma_start3A_64 : memref<256xi32, #tpu.memory_space<hbm>>) target(%arg8 : memref<256xi32, #tpu.memory_space<vmem>>) target_semaphore(%run_scoped3A : memref<!tpu.dma_semaphore, #tpu.memory_space<semaphore_mem>>)
      %dma_wait3A_65 = tpu.memref_slice %arg4[%add3A_18] : memref<32768xi32, #tpu.memory_space<hbm>> -> memref<256xi32, #tpu.memory_space<hbm>>
      %dma_wait3A_66 = tpu.memref_slice %arg4[%add3A_18] : memref<32768xi32, #tpu.memory_space<hbm>> -> memref<256xi32, #tpu.memory_space<hbm>>
      tpu.wait_dma2 semaphore(%run_scoped3A : memref<!tpu.dma_semaphore, #tpu.memory_space<semaphore_mem>>) src(%dma_wait3A_66 : memref<256xi32, #tpu.memory_space<hbm>>) dst(%arg8 : memref<256xi32, #tpu.memory_space<vmem>>)
      tpu.yield
    }) : () -> ()
    %dma_start3A_19 = arith.constant 0 : i32
    %dma_start3A_20 = arith.constant 0 : i32
    %dma_start3A_21 = tpu.memref_slice %arg2[%dma_start3A_19, %dma_start3A_20] : memref<524288x128xf32, #tpu.memory_space<hbm>> -> memref<524288x128xf32, #tpu.memory_space<hbm>>
    tpu.enqueue_indirect_dma source(%dma_start3A_21 : memref<524288x128xf32, #tpu.memory_space<hbm>>) target(%arg9 : memref<256x128xf32, #tpu.memory_space<vmem>>) offsets(%arg8 : memref<256xi32, #tpu.memory_space<vmem>>) semaphore(%arg10 : memref<!tpu.dma_semaphore, #tpu.memory_space<semaphore_mem>>)
    %dma_wait3A_22 = arith.constant 0 : i32
    %dma_wait3A_23 = arith.constant 0 : i32
    %dma_wait3A_24 = tpu.memref_slice %arg2[%dma_wait3A_22, %dma_wait3A_23] : memref<524288x128xf32, #tpu.memory_space<hbm>> -> memref<524288x128xf32, #tpu.memory_space<hbm>>
    tpu.wait_indirect_dma semaphore(%arg10 : memref<!tpu.dma_semaphore, #tpu.memory_space<semaphore_mem>>) src(%dma_wait3A_24 : memref<524288x128xf32, #tpu.memory_space<hbm>>) dst(%arg9 : memref<256x128xf32, #tpu.memory_space<vmem>>)
    "tpu.region"() ({
      %run_scoped3A = tpu.sem_alloc : memref<!tpu.dma_semaphore, #tpu.memory_space<semaphore_mem>>
      %dma_start3A_63 = arith.constant 0 : i32
      %dma_start3A_64 = tpu.memref_slice %arg6[%add3A_18, %dma_start3A_63] : memref<32768x128xf32, #tpu.memory_space<hbm>> -> memref<256x128xf32, #tpu.memory_space<hbm>>
      %dma_start3A_65 = arith.constant 0 : i32
      %dma_start3A_66 = tpu.memref_slice %arg6[%add3A_18, %dma_start3A_65] : memref<32768x128xf32, #tpu.memory_space<hbm>> -> memref<256x128xf32, #tpu.memory_space<hbm>>
      tpu.enqueue_dma source(%arg9 : memref<256x128xf32, #tpu.memory_space<vmem>>) target(%dma_start3A_66 : memref<256x128xf32, #tpu.memory_space<hbm>>) target_semaphore(%run_scoped3A : memref<!tpu.dma_semaphore, #tpu.memory_space<semaphore_mem>>)
      %dma_wait3A_67 = arith.constant 0 : i32
      %dma_wait3A_68 = tpu.memref_slice %arg6[%add3A_18, %dma_wait3A_67] : memref<32768x128xf32, #tpu.memory_space<hbm>> -> memref<256x128xf32, #tpu.memory_space<hbm>>
      %dma_wait3A_69 = arith.constant 0 : i32
      %dma_wait3A_70 = tpu.memref_slice %arg6[%add3A_18, %dma_wait3A_69] : memref<32768x128xf32, #tpu.memory_space<hbm>> -> memref<256x128xf32, #tpu.memory_space<hbm>>
      tpu.wait_dma2 semaphore(%run_scoped3A : memref<!tpu.dma_semaphore, #tpu.memory_space<semaphore_mem>>) src(%arg9 : memref<256x128xf32, #tpu.memory_space<vmem>>) dst(%dma_wait3A_70 : memref<256x128xf32, #tpu.memory_space<hbm>>)
      tpu.yield
    }) : () -> ()
    "tpu.region"() ({
      %run_scoped3A = tpu.sem_alloc : memref<!tpu.dma_semaphore, #tpu.memory_space<semaphore_mem>>
      %dma_start3A_63 = tpu.memref_slice %arg5[%add3A_18] : memref<32768xi32, #tpu.memory_space<hbm>> -> memref<256xi32, #tpu.memory_space<hbm>>
      %dma_start3A_64 = tpu.memref_slice %arg5[%add3A_18] : memref<32768xi32, #tpu.memory_space<hbm>> -> memref<256xi32, #tpu.memory_space<hbm>>
      tpu.enqueue_dma source(%dma_start3A_64 : memref<256xi32, #tpu.memory_space<hbm>>) target(%arg8 : memref<256xi32, #tpu.memory_space<vmem>>) target_semaphore(%run_scoped3A : memref<!tpu.dma_semaphore, #tpu.memory_space<semaphore_mem>>)
      %dma_wait3A_65 = tpu.memref_slice %arg5[%add3A_18] : memref<32768xi32, #tpu.memory_space<hbm>> -> memref<256xi32, #tpu.memory_space<hbm>>
      %dma_wait3A_66 = tpu.memref_slice %arg5[%add3A_18] : memref<32768xi32, #tpu.memory_space<hbm>> -> memref<256xi32, #tpu.memory_space<hbm>>
      tpu.wait_dma2 semaphore(%run_scoped3A : memref<!tpu.dma_semaphore, #tpu.memory_space<semaphore_mem>>) src(%dma_wait3A_66 : memref<256xi32, #tpu.memory_space<hbm>>) dst(%arg8 : memref<256xi32, #tpu.memory_space<vmem>>)
      tpu.yield
    }) : () -> ()
    %dma_start3A_25 = arith.constant 0 : i32
    %dma_start3A_26 = arith.constant 0 : i32
    %dma_start3A_27 = tpu.memref_slice %arg3[%dma_start3A_25, %dma_start3A_26] : memref<512x128xf32, #tpu.memory_space<hbm>> -> memref<512x128xf32, #tpu.memory_space<hbm>>
    tpu.enqueue_indirect_dma source(%dma_start3A_27 : memref<512x128xf32, #tpu.memory_space<hbm>>) target(%arg9 : memref<256x128xf32, #tpu.memory_space<vmem>>) offsets(%arg8 : memref<256xi32, #tpu.memory_space<vmem>>) semaphore(%arg10 : memref<!tpu.dma_semaphore, #tpu.memory_space<semaphore_mem>>)
    %dma_wait3A_28 = arith.constant 0 : i32
    %dma_wait3A_29 = arith.constant 0 : i32
    %dma_wait3A_30 = tpu.memref_slice %arg3[%dma_wait3A_28, %dma_wait3A_29] : memref<512x128xf32, #tpu.memory_space<hbm>> -> memref<512x128xf32, #tpu.memory_space<hbm>>
    tpu.wait_indirect_dma semaphore(%arg10 : memref<!tpu.dma_semaphore, #tpu.memory_space<semaphore_mem>>) src(%dma_wait3A_30 : memref<512x128xf32, #tpu.memory_space<hbm>>) dst(%arg9 : memref<256x128xf32, #tpu.memory_space<vmem>>)
    "tpu.region"() ({
      %run_scoped3A = tpu.sem_alloc : memref<!tpu.dma_semaphore, #tpu.memory_space<semaphore_mem>>
      %dma_start3A_63 = arith.constant 0 : i32
      %dma_start3A_64 = tpu.memref_slice %arg7[%add3A_18, %dma_start3A_63] : memref<32768x128xf32, #tpu.memory_space<hbm>> -> memref<256x128xf32, #tpu.memory_space<hbm>>
      %dma_start3A_65 = arith.constant 0 : i32
      %dma_start3A_66 = tpu.memref_slice %arg7[%add3A_18, %dma_start3A_65] : memref<32768x128xf32, #tpu.memory_space<hbm>> -> memref<256x128xf32, #tpu.memory_space<hbm>>
      tpu.enqueue_dma source(%arg9 : memref<256x128xf32, #tpu.memory_space<vmem>>) target(%dma_start3A_66 : memref<256x128xf32, #tpu.memory_space<hbm>>) target_semaphore(%run_scoped3A : memref<!tpu.dma_semaphore, #tpu.memory_space<semaphore_mem>>)
      %dma_wait3A_67 = arith.constant 0 : i32
      %dma_wait3A_68 = tpu.memref_slice %arg7[%add3A_18, %dma_wait3A_67] : memref<32768x128xf32, #tpu.memory_space<hbm>> -> memref<256x128xf32, #tpu.memory_space<hbm>>
      %dma_wait3A_69 = arith.constant 0 : i32
      %dma_wait3A_70 = tpu.memref_slice %arg7[%add3A_18, %dma_wait3A_69] : memref<32768x128xf32, #tpu.memory_space<hbm>> -> memref<256x128xf32, #tpu.memory_space<hbm>>
      tpu.wait_dma2 semaphore(%run_scoped3A : memref<!tpu.dma_semaphore, #tpu.memory_space<semaphore_mem>>) src(%arg9 : memref<256x128xf32, #tpu.memory_space<vmem>>) dst(%dma_wait3A_70 : memref<256x128xf32, #tpu.memory_space<hbm>>)
      tpu.yield
    }) : () -> ()
    %mul3A_31 = arith.constant 1024 : i32
    %mul3A_32 = arith.muli %add3A, %mul3A_31 : i32
    %add3A_33 = arith.constant 512 : i32
    %add3A_34 = arith.addi %mul3A_32, %add3A_33 : i32
    "tpu.region"() ({
      %run_scoped3A = tpu.sem_alloc : memref<!tpu.dma_semaphore, #tpu.memory_space<semaphore_mem>>
      %dma_start3A_63 = tpu.memref_slice %arg4[%add3A_34] : memref<32768xi32, #tpu.memory_space<hbm>> -> memref<256xi32, #tpu.memory_space<hbm>>
      %dma_start3A_64 = tpu.memref_slice %arg4[%add3A_34] : memref<32768xi32, #tpu.memory_space<hbm>> -> memref<256xi32, #tpu.memory_space<hbm>>
      tpu.enqueue_dma source(%dma_start3A_64 : memref<256xi32, #tpu.memory_space<hbm>>) target(%arg8 : memref<256xi32, #tpu.memory_space<vmem>>) target_semaphore(%run_scoped3A : memref<!tpu.dma_semaphore, #tpu.memory_space<semaphore_mem>>)
      %dma_wait3A_65 = tpu.memref_slice %arg4[%add3A_34] : memref<32768xi32, #tpu.memory_space<hbm>> -> memref<256xi32, #tpu.memory_space<hbm>>
      %dma_wait3A_66 = tpu.memref_slice %arg4[%add3A_34] : memref<32768xi32, #tpu.memory_space<hbm>> -> memref<256xi32, #tpu.memory_space<hbm>>
      tpu.wait_dma2 semaphore(%run_scoped3A : memref<!tpu.dma_semaphore, #tpu.memory_space<semaphore_mem>>) src(%dma_wait3A_66 : memref<256xi32, #tpu.memory_space<hbm>>) dst(%arg8 : memref<256xi32, #tpu.memory_space<vmem>>)
      tpu.yield
    }) : () -> ()
    %dma_start3A_35 = arith.constant 0 : i32
    %dma_start3A_36 = arith.constant 0 : i32
    %dma_start3A_37 = tpu.memref_slice %arg2[%dma_start3A_35, %dma_start3A_36] : memref<524288x128xf32, #tpu.memory_space<hbm>> -> memref<524288x128xf32, #tpu.memory_space<hbm>>
    tpu.enqueue_indirect_dma source(%dma_start3A_37 : memref<524288x128xf32, #tpu.memory_space<hbm>>) target(%arg9 : memref<256x128xf32, #tpu.memory_space<vmem>>) offsets(%arg8 : memref<256xi32, #tpu.memory_space<vmem>>) semaphore(%arg10 : memref<!tpu.dma_semaphore, #tpu.memory_space<semaphore_mem>>)
    %dma_wait3A_38 = arith.constant 0 : i32
    %dma_wait3A_39 = arith.constant 0 : i32
    %dma_wait3A_40 = tpu.memref_slice %arg2[%dma_wait3A_38, %dma_wait3A_39] : memref<524288x128xf32, #tpu.memory_space<hbm>> -> memref<524288x128xf32, #tpu.memory_space<hbm>>
    tpu.wait_indirect_dma semaphore(%arg10 : memref<!tpu.dma_semaphore, #tpu.memory_space<semaphore_mem>>) src(%dma_wait3A_40 : memref<524288x128xf32, #tpu.memory_space<hbm>>) dst(%arg9 : memref<256x128xf32, #tpu.memory_space<vmem>>)
    "tpu.region"() ({
      %run_scoped3A = tpu.sem_alloc : memref<!tpu.dma_semaphore, #tpu.memory_space<semaphore_mem>>
      %dma_start3A_63 = arith.constant 0 : i32
      %dma_start3A_64 = tpu.memref_slice %arg6[%add3A_34, %dma_start3A_63] : memref<32768x128xf32, #tpu.memory_space<hbm>> -> memref<256x128xf32, #tpu.memory_space<hbm>>
      %dma_start3A_65 = arith.constant 0 : i32
      %dma_start3A_66 = tpu.memref_slice %arg6[%add3A_34, %dma_start3A_65] : memref<32768x128xf32, #tpu.memory_space<hbm>> -> memref<256x128xf32, #tpu.memory_space<hbm>>
      tpu.enqueue_dma source(%arg9 : memref<256x128xf32, #tpu.memory_space<vmem>>) target(%dma_start3A_66 : memref<256x128xf32, #tpu.memory_space<hbm>>) target_semaphore(%run_scoped3A : memref<!tpu.dma_semaphore, #tpu.memory_space<semaphore_mem>>)
      %dma_wait3A_67 = arith.constant 0 : i32
      %dma_wait3A_68 = tpu.memref_slice %arg6[%add3A_34, %dma_wait3A_67] : memref<32768x128xf32, #tpu.memory_space<hbm>> -> memref<256x128xf32, #tpu.memory_space<hbm>>
      %dma_wait3A_69 = arith.constant 0 : i32
      %dma_wait3A_70 = tpu.memref_slice %arg6[%add3A_34, %dma_wait3A_69] : memref<32768x128xf32, #tpu.memory_space<hbm>> -> memref<256x128xf32, #tpu.memory_space<hbm>>
      tpu.wait_dma2 semaphore(%run_scoped3A : memref<!tpu.dma_semaphore, #tpu.memory_space<semaphore_mem>>) src(%arg9 : memref<256x128xf32, #tpu.memory_space<vmem>>) dst(%dma_wait3A_70 : memref<256x128xf32, #tpu.memory_space<hbm>>)
      tpu.yield
    }) : () -> ()
    "tpu.region"() ({
      %run_scoped3A = tpu.sem_alloc : memref<!tpu.dma_semaphore, #tpu.memory_space<semaphore_mem>>
      %dma_start3A_63 = tpu.memref_slice %arg5[%add3A_34] : memref<32768xi32, #tpu.memory_space<hbm>> -> memref<256xi32, #tpu.memory_space<hbm>>
      %dma_start3A_64 = tpu.memref_slice %arg5[%add3A_34] : memref<32768xi32, #tpu.memory_space<hbm>> -> memref<256xi32, #tpu.memory_space<hbm>>
      tpu.enqueue_dma source(%dma_start3A_64 : memref<256xi32, #tpu.memory_space<hbm>>) target(%arg8 : memref<256xi32, #tpu.memory_space<vmem>>) target_semaphore(%run_scoped3A : memref<!tpu.dma_semaphore, #tpu.memory_space<semaphore_mem>>)
      %dma_wait3A_65 = tpu.memref_slice %arg5[%add3A_34] : memref<32768xi32, #tpu.memory_space<hbm>> -> memref<256xi32, #tpu.memory_space<hbm>>
      %dma_wait3A_66 = tpu.memref_slice %arg5[%add3A_34] : memref<32768xi32, #tpu.memory_space<hbm>> -> memref<256xi32, #tpu.memory_space<hbm>>
      tpu.wait_dma2 semaphore(%run_scoped3A : memref<!tpu.dma_semaphore, #tpu.memory_space<semaphore_mem>>) src(%dma_wait3A_66 : memref<256xi32, #tpu.memory_space<hbm>>) dst(%arg8 : memref<256xi32, #tpu.memory_space<vmem>>)
      tpu.yield
    }) : () -> ()
    %dma_start3A_41 = arith.constant 0 : i32
    %dma_start3A_42 = arith.constant 0 : i32
    %dma_start3A_43 = tpu.memref_slice %arg3[%dma_start3A_41, %dma_start3A_42] : memref<512x128xf32, #tpu.memory_space<hbm>> -> memref<512x128xf32, #tpu.memory_space<hbm>>
    tpu.enqueue_indirect_dma source(%dma_start3A_43 : memref<512x128xf32, #tpu.memory_space<hbm>>) target(%arg9 : memref<256x128xf32, #tpu.memory_space<vmem>>) offsets(%arg8 : memref<256xi32, #tpu.memory_space<vmem>>) semaphore(%arg10 : memref<!tpu.dma_semaphore, #tpu.memory_space<semaphore_mem>>)
    %dma_wait3A_44 = arith.constant 0 : i32
    %dma_wait3A_45 = arith.constant 0 : i32
    %dma_wait3A_46 = tpu.memref_slice %arg3[%dma_wait3A_44, %dma_wait3A_45] : memref<512x128xf32, #tpu.memory_space<hbm>> -> memref<512x128xf32, #tpu.memory_space<hbm>>
    tpu.wait_indirect_dma semaphore(%arg10 : memref<!tpu.dma_semaphore, #tpu.memory_space<semaphore_mem>>) src(%dma_wait3A_46 : memref<512x128xf32, #tpu.memory_space<hbm>>) dst(%arg9 : memref<256x128xf32, #tpu.memory_space<vmem>>)
    "tpu.region"() ({
      %run_scoped3A = tpu.sem_alloc : memref<!tpu.dma_semaphore, #tpu.memory_space<semaphore_mem>>
      %dma_start3A_63 = arith.constant 0 : i32
      %dma_start3A_64 = tpu.memref_slice %arg7[%add3A_34, %dma_start3A_63] : memref<32768x128xf32, #tpu.memory_space<hbm>> -> memref<256x128xf32, #tpu.memory_space<hbm>>
      %dma_start3A_65 = arith.constant 0 : i32
      %dma_start3A_66 = tpu.memref_slice %arg7[%add3A_34, %dma_start3A_65] : memref<32768x128xf32, #tpu.memory_space<hbm>> -> memref<256x128xf32, #tpu.memory_space<hbm>>
      tpu.enqueue_dma source(%arg9 : memref<256x128xf32, #tpu.memory_space<vmem>>) target(%dma_start3A_66 : memref<256x128xf32, #tpu.memory_space<hbm>>) target_semaphore(%run_scoped3A : memref<!tpu.dma_semaphore, #tpu.memory_space<semaphore_mem>>)
      %dma_wait3A_67 = arith.constant 0 : i32
      %dma_wait3A_68 = tpu.memref_slice %arg7[%add3A_34, %dma_wait3A_67] : memref<32768x128xf32, #tpu.memory_space<hbm>> -> memref<256x128xf32, #tpu.memory_space<hbm>>
      %dma_wait3A_69 = arith.constant 0 : i32
      %dma_wait3A_70 = tpu.memref_slice %arg7[%add3A_34, %dma_wait3A_69] : memref<32768x128xf32, #tpu.memory_space<hbm>> -> memref<256x128xf32, #tpu.memory_space<hbm>>
      tpu.wait_dma2 semaphore(%run_scoped3A : memref<!tpu.dma_semaphore, #tpu.memory_space<semaphore_mem>>) src(%arg9 : memref<256x128xf32, #tpu.memory_space<vmem>>) dst(%dma_wait3A_70 : memref<256x128xf32, #tpu.memory_space<hbm>>)
      tpu.yield
    }) : () -> ()
    %mul3A_47 = arith.constant 1024 : i32
    %mul3A_48 = arith.muli %add3A, %mul3A_47 : i32
    %add3A_49 = arith.constant 768 : i32
    %add3A_50 = arith.addi %mul3A_48, %add3A_49 : i32
    "tpu.region"() ({
      %run_scoped3A = tpu.sem_alloc : memref<!tpu.dma_semaphore, #tpu.memory_space<semaphore_mem>>
      %dma_start3A_63 = tpu.memref_slice %arg4[%add3A_50] : memref<32768xi32, #tpu.memory_space<hbm>> -> memref<256xi32, #tpu.memory_space<hbm>>
      %dma_start3A_64 = tpu.memref_slice %arg4[%add3A_50] : memref<32768xi32, #tpu.memory_space<hbm>> -> memref<256xi32, #tpu.memory_space<hbm>>
      tpu.enqueue_dma source(%dma_start3A_64 : memref<256xi32, #tpu.memory_space<hbm>>) target(%arg8 : memref<256xi32, #tpu.memory_space<vmem>>) target_semaphore(%run_scoped3A : memref<!tpu.dma_semaphore, #tpu.memory_space<semaphore_mem>>)
      %dma_wait3A_65 = tpu.memref_slice %arg4[%add3A_50] : memref<32768xi32, #tpu.memory_space<hbm>> -> memref<256xi32, #tpu.memory_space<hbm>>
      %dma_wait3A_66 = tpu.memref_slice %arg4[%add3A_50] : memref<32768xi32, #tpu.memory_space<hbm>> -> memref<256xi32, #tpu.memory_space<hbm>>
      tpu.wait_dma2 semaphore(%run_scoped3A : memref<!tpu.dma_semaphore, #tpu.memory_space<semaphore_mem>>) src(%dma_wait3A_66 : memref<256xi32, #tpu.memory_space<hbm>>) dst(%arg8 : memref<256xi32, #tpu.memory_space<vmem>>)
      tpu.yield
    }) : () -> ()
    %dma_start3A_51 = arith.constant 0 : i32
    %dma_start3A_52 = arith.constant 0 : i32
    %dma_start3A_53 = tpu.memref_slice %arg2[%dma_start3A_51, %dma_start3A_52] : memref<524288x128xf32, #tpu.memory_space<hbm>> -> memref<524288x128xf32, #tpu.memory_space<hbm>>
    tpu.enqueue_indirect_dma source(%dma_start3A_53 : memref<524288x128xf32, #tpu.memory_space<hbm>>) target(%arg9 : memref<256x128xf32, #tpu.memory_space<vmem>>) offsets(%arg8 : memref<256xi32, #tpu.memory_space<vmem>>) semaphore(%arg10 : memref<!tpu.dma_semaphore, #tpu.memory_space<semaphore_mem>>)
    %dma_wait3A_54 = arith.constant 0 : i32
    %dma_wait3A_55 = arith.constant 0 : i32
    %dma_wait3A_56 = tpu.memref_slice %arg2[%dma_wait3A_54, %dma_wait3A_55] : memref<524288x128xf32, #tpu.memory_space<hbm>> -> memref<524288x128xf32, #tpu.memory_space<hbm>>
    tpu.wait_indirect_dma semaphore(%arg10 : memref<!tpu.dma_semaphore, #tpu.memory_space<semaphore_mem>>) src(%dma_wait3A_56 : memref<524288x128xf32, #tpu.memory_space<hbm>>) dst(%arg9 : memref<256x128xf32, #tpu.memory_space<vmem>>)
    "tpu.region"() ({
      %run_scoped3A = tpu.sem_alloc : memref<!tpu.dma_semaphore, #tpu.memory_space<semaphore_mem>>
      %dma_start3A_63 = arith.constant 0 : i32
      %dma_start3A_64 = tpu.memref_slice %arg6[%add3A_50, %dma_start3A_63] : memref<32768x128xf32, #tpu.memory_space<hbm>> -> memref<256x128xf32, #tpu.memory_space<hbm>>
      %dma_start3A_65 = arith.constant 0 : i32
      %dma_start3A_66 = tpu.memref_slice %arg6[%add3A_50, %dma_start3A_65] : memref<32768x128xf32, #tpu.memory_space<hbm>> -> memref<256x128xf32, #tpu.memory_space<hbm>>
      tpu.enqueue_dma source(%arg9 : memref<256x128xf32, #tpu.memory_space<vmem>>) target(%dma_start3A_66 : memref<256x128xf32, #tpu.memory_space<hbm>>) target_semaphore(%run_scoped3A : memref<!tpu.dma_semaphore, #tpu.memory_space<semaphore_mem>>)
      %dma_wait3A_67 = arith.constant 0 : i32
      %dma_wait3A_68 = tpu.memref_slice %arg6[%add3A_50, %dma_wait3A_67] : memref<32768x128xf32, #tpu.memory_space<hbm>> -> memref<256x128xf32, #tpu.memory_space<hbm>>
      %dma_wait3A_69 = arith.constant 0 : i32
      %dma_wait3A_70 = tpu.memref_slice %arg6[%add3A_50, %dma_wait3A_69] : memref<32768x128xf32, #tpu.memory_space<hbm>> -> memref<256x128xf32, #tpu.memory_space<hbm>>
      tpu.wait_dma2 semaphore(%run_scoped3A : memref<!tpu.dma_semaphore, #tpu.memory_space<semaphore_mem>>) src(%arg9 : memref<256x128xf32, #tpu.memory_space<vmem>>) dst(%dma_wait3A_70 : memref<256x128xf32, #tpu.memory_space<hbm>>)
      tpu.yield
    }) : () -> ()
    "tpu.region"() ({
      %run_scoped3A = tpu.sem_alloc : memref<!tpu.dma_semaphore, #tpu.memory_space<semaphore_mem>>
      %dma_start3A_63 = tpu.memref_slice %arg5[%add3A_50] : memref<32768xi32, #tpu.memory_space<hbm>> -> memref<256xi32, #tpu.memory_space<hbm>>
      %dma_start3A_64 = tpu.memref_slice %arg5[%add3A_50] : memref<32768xi32, #tpu.memory_space<hbm>> -> memref<256xi32, #tpu.memory_space<hbm>>
      tpu.enqueue_dma source(%dma_start3A_64 : memref<256xi32, #tpu.memory_space<hbm>>) target(%arg8 : memref<256xi32, #tpu.memory_space<vmem>>) target_semaphore(%run_scoped3A : memref<!tpu.dma_semaphore, #tpu.memory_space<semaphore_mem>>)
      %dma_wait3A_65 = tpu.memref_slice %arg5[%add3A_50] : memref<32768xi32, #tpu.memory_space<hbm>> -> memref<256xi32, #tpu.memory_space<hbm>>
      %dma_wait3A_66 = tpu.memref_slice %arg5[%add3A_50] : memref<32768xi32, #tpu.memory_space<hbm>> -> memref<256xi32, #tpu.memory_space<hbm>>
      tpu.wait_dma2 semaphore(%run_scoped3A : memref<!tpu.dma_semaphore, #tpu.memory_space<semaphore_mem>>) src(%dma_wait3A_66 : memref<256xi32, #tpu.memory_space<hbm>>) dst(%arg8 : memref<256xi32, #tpu.memory_space<vmem>>)
      tpu.yield
    }) : () -> ()
    %dma_start3A_57 = arith.constant 0 : i32
    %dma_start3A_58 = arith.constant 0 : i32
    %dma_start3A_59 = tpu.memref_slice %arg3[%dma_start3A_57, %dma_start3A_58] : memref<512x128xf32, #tpu.memory_space<hbm>> -> memref<512x128xf32, #tpu.memory_space<hbm>>
    tpu.enqueue_indirect_dma source(%dma_start3A_59 : memref<512x128xf32, #tpu.memory_space<hbm>>) target(%arg9 : memref<256x128xf32, #tpu.memory_space<vmem>>) offsets(%arg8 : memref<256xi32, #tpu.memory_space<vmem>>) semaphore(%arg10 : memref<!tpu.dma_semaphore, #tpu.memory_space<semaphore_mem>>)
    %dma_wait3A_60 = arith.constant 0 : i32
    %dma_wait3A_61 = arith.constant 0 : i32
    %dma_wait3A_62 = tpu.memref_slice %arg3[%dma_wait3A_60, %dma_wait3A_61] : memref<512x128xf32, #tpu.memory_space<hbm>> -> memref<512x128xf32, #tpu.memory_space<hbm>>
    tpu.wait_indirect_dma semaphore(%arg10 : memref<!tpu.dma_semaphore, #tpu.memory_space<semaphore_mem>>) src(%dma_wait3A_62 : memref<512x128xf32, #tpu.memory_space<hbm>>) dst(%arg9 : memref<256x128xf32, #tpu.memory_space<vmem>>)
    "tpu.region"() ({
      %run_scoped3A = tpu.sem_alloc : memref<!tpu.dma_semaphore, #tpu.memory_space<semaphore_mem>>
      %dma_start3A_63 = arith.constant 0 : i32
      %dma_start3A_64 = tpu.memref_slice %arg7[%add3A_50, %dma_start3A_63] : memref<32768x128xf32, #tpu.memory_space<hbm>> -> memref<256x128xf32, #tpu.memory_space<hbm>>
      %dma_start3A_65 = arith.constant 0 : i32
      %dma_start3A_66 = tpu.memref_slice %arg7[%add3A_50, %dma_start3A_65] : memref<32768x128xf32, #tpu.memory_space<hbm>> -> memref<256x128xf32, #tpu.memory_space<hbm>>
      tpu.enqueue_dma source(%arg9 : memref<256x128xf32, #tpu.memory_space<vmem>>) target(%dma_start3A_66 : memref<256x128xf32, #tpu.memory_space<hbm>>) target_semaphore(%run_scoped3A : memref<!tpu.dma_semaphore, #tpu.memory_space<semaphore_mem>>)
      %dma_wait3A_67 = arith.constant 0 : i32
      %dma_wait3A_68 = tpu.memref_slice %arg7[%add3A_50, %dma_wait3A_67] : memref<32768x128xf32, #tpu.memory_space<hbm>> -> memref<256x128xf32, #tpu.memory_space<hbm>>
      %dma_wait3A_69 = arith.constant 0 : i32
      %dma_wait3A_70 = tpu.memref_slice %arg7[%add3A_50, %dma_wait3A_69] : memref<32768x128xf32, #tpu.memory_space<hbm>> -> memref<256x128xf32, #tpu.memory_space<hbm>>
      tpu.wait_dma2 semaphore(%run_scoped3A : memref<!tpu.dma_semaphore, #tpu.memory_space<semaphore_mem>>) src(%arg9 : memref<256x128xf32, #tpu.memory_space<vmem>>) dst(%dma_wait3A_70 : memref<256x128xf32, #tpu.memory_space<hbm>>)
      tpu.yield
    }) : () -> ()
    return
  }
}

module attributes {stable_mosaic.version = 14 : i64} {
  func.func @_trunk_kernel(%arg0: memref<1024x256xf32, #tpu.memory_space<vmem>>, %arg1: memref<1024x64xf32, #tpu.memory_space<vmem>>, %arg2: memref<320x512xf32, #tpu.memory_space<vmem>>, %arg3: memref<1x512xf32, #tpu.memory_space<vmem>>, %arg4: memref<1x512xf32, #tpu.memory_space<vmem>>, %arg5: memref<1x512xf32, #tpu.memory_space<vmem>>, %arg6: memref<1024x512xf32, #tpu.memory_space<vmem>>) attributes {dimension_semantics = [], scalar_prefetch = 0 : i64, scratch_operands = 0 : i64, tpu.core_type = #tpu.core_type<tc>} {
    %get3A = arith.constant 0 : index
    %get3A_0 = arith.constant 0 : index
    %get3A_1 = vector.load %arg0[%get3A, %get3A_0] : memref<1024x256xf32, #tpu.memory_space<vmem>>, vector<1024x256xf32>
    %convert_element_type3A = arith.truncf %get3A_1 : vector<1024x256xf32> to vector<1024x256xbf16>
    %get3A_2 = arith.constant 0 : index
    %get3A_3 = arith.constant 0 : index
    %get3A_4 = vector.load %arg2[%get3A_2, %get3A_3] : memref<320x512xf32, #tpu.memory_space<vmem>>, vector<256x512xf32>
    %convert_element_type3A_5 = arith.truncf %get3A_4 : vector<256x512xf32> to vector<256x512xbf16>
    %dot_general3A = arith.constant dense<0.000000e+00> : vector<1024x512xf32>
    %dot_general3A_6 = tpu.matmul %convert_element_type3A, %convert_element_type3A_5, %dot_general3A {dimension_numbers = #tpu.dot_dimension_numbers<[1], [0], [0], [1], [0, 0, 1, 1], [], []>, transpose_lhs_hint = false} : vector<1024x256xbf16>, vector<256x512xbf16>, vector<1024x512xf32> -> vector<1024x512xf32>
    %get3A_7 = arith.constant 0 : index
    %get3A_8 = arith.constant 0 : index
    %get3A_9 = vector.load %arg1[%get3A_7, %get3A_8] : memref<1024x64xf32, #tpu.memory_space<vmem>>, vector<1024x64xf32>
    %convert_element_type3A_10 = arith.truncf %get3A_9 : vector<1024x64xf32> to vector<1024x64xbf16>
    %get3A_11 = arith.constant 256 : index
    %get3A_12 = arith.constant 0 : index
    %get3A_13 = vector.load %arg2[%get3A_11, %get3A_12] : memref<320x512xf32, #tpu.memory_space<vmem>>, vector<64x512xf32>
    %convert_element_type3A_14 = arith.truncf %get3A_13 : vector<64x512xf32> to vector<64x512xbf16>
    %dot_general3A_15 = arith.constant dense<0.000000e+00> : vector<1024x512xf32>
    %dot_general3A_16 = tpu.matmul %convert_element_type3A_10, %convert_element_type3A_14, %dot_general3A_15 {dimension_numbers = #tpu.dot_dimension_numbers<[1], [0], [0], [1], [0, 0, 1, 1], [], []>, transpose_lhs_hint = false} : vector<1024x64xbf16>, vector<64x512xbf16>, vector<1024x512xf32> -> vector<1024x512xf32>
    %add3A = arith.addf %dot_general3A_6, %dot_general3A_16 : vector<1024x512xf32>
    %get3A_17 = arith.constant 0 : index
    %get3A_18 = arith.constant 0 : index
    %get3A_19 = vector.load %arg3[%get3A_17, %get3A_18] : memref<1x512xf32, #tpu.memory_space<vmem>>, vector<1x512xf32>
    %add3A_20 = vector.broadcast %get3A_19 : vector<1x512xf32> to vector<1024x512xf32>
    %add3A_21 = arith.addf %add3A, %add3A_20 : vector<1024x512xf32>
    %reduce_sum3A = arith.constant dense<0.000000e+00> : vector<1024xf32>
    %reduce_sum3A_22 = vector.multi_reduction <add>, %add3A_21, %reduce_sum3A [1] : vector<1024x512xf32> to vector<1024xf32>
    %broadcast_in_dim3A = vector.shape_cast %reduce_sum3A_22 : vector<1024xf32> to vector<1024x1xf32>
    %div3A = arith.constant 5.120000e+02 : f32
    %div3A_23 = vector.broadcast %div3A : f32 to vector<1024x1xf32>
    %div3A_24 = arith.divf %broadcast_in_dim3A, %div3A_23 : vector<1024x1xf32>
    %sub3A = vector.broadcast %div3A_24 : vector<1024x1xf32> to vector<1024x512xf32>
    %sub3A_25 = arith.subf %add3A_21, %sub3A : vector<1024x512xf32>
    %integer_pow3A = arith.mulf %sub3A_25, %sub3A_25 : vector<1024x512xf32>
    %reduce_sum3A_26 = arith.constant dense<0.000000e+00> : vector<1024xf32>
    %reduce_sum3A_27 = vector.multi_reduction <add>, %integer_pow3A, %reduce_sum3A_26 [1] : vector<1024x512xf32> to vector<1024xf32>
    %broadcast_in_dim3A_28 = vector.shape_cast %reduce_sum3A_27 : vector<1024xf32> to vector<1024x1xf32>
    %div3A_29 = arith.constant 5.120000e+02 : f32
    %div3A_30 = vector.broadcast %div3A_29 : f32 to vector<1024x1xf32>
    %div3A_31 = arith.divf %broadcast_in_dim3A_28, %div3A_30 : vector<1024x1xf32>
    %sub3A_32 = vector.broadcast %div3A_24 : vector<1024x1xf32> to vector<1024x512xf32>
    %sub3A_33 = arith.subf %add3A_21, %sub3A_32 : vector<1024x512xf32>
    %add3A_34 = arith.constant 9.99999974E-6 : f32
    %add3A_35 = vector.broadcast %add3A_34 : f32 to vector<1024x1xf32>
    %add3A_36 = arith.addf %div3A_31, %add3A_35 : vector<1024x1xf32>
    %sqrt3A = math.sqrt %add3A_36 : vector<1024x1xf32>
    %div3A_37 = vector.broadcast %sqrt3A : vector<1024x1xf32> to vector<1024x512xf32>
    %div3A_38 = arith.divf %sub3A_33, %div3A_37 : vector<1024x512xf32>
    %get3A_39 = arith.constant 0 : index
    %get3A_40 = arith.constant 0 : index
    %get3A_41 = vector.load %arg4[%get3A_39, %get3A_40] : memref<1x512xf32, #tpu.memory_space<vmem>>, vector<1x512xf32>
    %mul3A = vector.broadcast %get3A_41 : vector<1x512xf32> to vector<1024x512xf32>
    %mul3A_42 = arith.mulf %div3A_38, %mul3A : vector<1024x512xf32>
    %get3A_43 = arith.constant 0 : index
    %get3A_44 = arith.constant 0 : index
    %get3A_45 = vector.load %arg5[%get3A_43, %get3A_44] : memref<1x512xf32, #tpu.memory_space<vmem>>, vector<1x512xf32>
    %add3A_46 = vector.broadcast %get3A_45 : vector<1x512xf32> to vector<1024x512xf32>
    %add3A_47 = arith.addf %mul3A_42, %add3A_46 : vector<1024x512xf32>
    %tanh3A = math.tanh %add3A_47 : vector<1024x512xf32>
    %swap3A = arith.constant 0 : index
    %swap3A_48 = arith.constant 0 : index
    %swap3A_49 = vector.load %arg6[%swap3A, %swap3A_48] : memref<1024x512xf32, #tpu.memory_space<vmem>>, vector<1024x512xf32>
    tpu.vector_store %arg6[%swap3A, %swap3A_48], %tanh3A {strides = array<i32>} : memref<1024x512xf32, #tpu.memory_space<vmem>>, vector<1024x512xf32>,
    return
  }
}

module attributes {stable_mosaic.version = 14 : i64} {
  func.func @_dist_kernel(%arg0: i32, %arg1: memref<1024x512xf32, #tpu.memory_space<vmem>>, %arg2: memref<2048x512xf32, #tpu.memory_space<vmem>>, %arg3: memref<1024x2048xf32, #tpu.memory_space<vmem>>, %arg4: memref<1x1024x16xf32, #tpu.memory_space<vmem>>) attributes {dimension_semantics = [#tpu.dimension_semantics<arbitrary>], iteration_bounds = array<i64: 32>, scalar_prefetch = 0 : i64, scratch_operands = 0 : i64, tpu.core_type = #tpu.core_type<tc>, window_params = [{pipeline_mode = #tpu.pipeline_mode<synchronous>, transform_indices = @transform_0, window_bounds = array<i64: 1024, 512>}, {transform_indices = @transform_1, window_bounds = array<i64: 2048, 512>}, {transform_indices = @transform_2, window_bounds = array<i64: 1024, 2048>}, {transform_indices = @transform_3, window_bounds = array<i64: 1, 1024, 16>}]} {
    %get3A = arith.constant 0 : index
    %get3A_0 = arith.constant 0 : index
    %get3A_1 = vector.load %arg1[%get3A, %get3A_0] : memref<1024x512xf32, #tpu.memory_space<vmem>>, vector<1024x512xf32>
    %get3A_2 = arith.constant 0 : index
    %get3A_3 = arith.constant 0 : index
    %get3A_4 = vector.load %arg2[%get3A_2, %get3A_3] : memref<2048x512xf32, #tpu.memory_space<vmem>>, vector<2048x512xf32>
    %mul3A = arith.mulf %get3A_1, %get3A_1 : vector<1024x512xf32>
    %reduce_sum3A = arith.constant dense<0.000000e+00> : vector<1024xf32>
    %reduce_sum3A_5 = vector.multi_reduction <add>, %mul3A, %reduce_sum3A [1] : vector<1024x512xf32> to vector<1024xf32>
    %broadcast_in_dim3A = vector.shape_cast %reduce_sum3A_5 : vector<1024xf32> to vector<1024x1xf32>
    %mul3A_6 = arith.mulf %get3A_4, %get3A_4 : vector<2048x512xf32>
    %reduce_sum3A_7 = arith.constant dense<0.000000e+00> : vector<2048xf32>
    %reduce_sum3A_8 = vector.multi_reduction <add>, %mul3A_6, %reduce_sum3A_7 [1] : vector<2048x512xf32> to vector<2048xf32>
    %broadcast_in_dim3A_9 = vector.shape_cast %reduce_sum3A_8 : vector<2048xf32> to vector<2048x1xf32>
    %convert_element_type3A = arith.truncf %get3A_1 : vector<1024x512xf32> to vector<1024x512xbf16>
    %convert_element_type3A_10 = arith.truncf %get3A_4 : vector<2048x512xf32> to vector<2048x512xbf16>
    %dot_general3A = arith.constant dense<0.000000e+00> : vector<1024x2048xf32>
    %dot_general3A_11 = tpu.matmul %convert_element_type3A, %convert_element_type3A_10, %dot_general3A {dimension_numbers = #tpu.dot_dimension_numbers<[1], [1], [0], [0], [0, 0, 1, 0], [], []>, transpose_lhs_hint = false} : vector<1024x512xbf16>, vector<2048x512xbf16>, vector<1024x2048xf32> -> vector<1024x2048xf32>
    %mul3A_12 = arith.constant 2.000000e+00 : f32
    %mul3A_13 = vector.broadcast %mul3A_12 : f32 to vector<1024x2048xf32>
    %mul3A_14 = arith.mulf %mul3A_13, %dot_general3A_11 : vector<1024x2048xf32>
    %sub3A = vector.broadcast %broadcast_in_dim3A : vector<1024x1xf32> to vector<1024x2048xf32>
    %sub3A_15 = arith.subf %sub3A, %mul3A_14 : vector<1024x2048xf32>
    %transpose3A = tpu.transpose %broadcast_in_dim3A_9, [1, 0] : vector<2048x1xf32> -> vector<1x2048xf32>
    %add3A = vector.broadcast %transpose3A : vector<1x2048xf32> to vector<1024x2048xf32>
    %add3A_16 = arith.addf %sub3A_15, %add3A : vector<1024x2048xf32>
    %max3A = arith.constant 0.000000e+00 : f32
    %max3A_17 = vector.broadcast %max3A : f32 to vector<1024x2048xf32>
    %max3A_18 = arith.maximumf %add3A_16, %max3A_17 : vector<1024x2048xf32>
    %swap3A = arith.constant 0 : index
    %swap3A_19 = arith.constant 0 : index
    %swap3A_20 = vector.load %arg3[%swap3A, %swap3A_19] : memref<1024x2048xf32, #tpu.memory_space<vmem>>, vector<1024x2048xf32>
    tpu.vector_store %arg3[%swap3A, %swap3A_19], %max3A_18 {strides = array<i32>} : memref<1024x2048xf32, #tpu.memory_space<vmem>>, vector<1024x2048xf32>,
    %reshape3A = vector.shape_cast %max3A_18 : vector<1024x2048xf32> to vector<1024x16x128xf32>
    %reduce_min3A = arith.constant dense<0x7F800000> : vector<1024x16xf32>
    %reduce_min3A_21 = vector.multi_reduction <minimumf>, %reshape3A, %reduce_min3A [2] : vector<1024x16x128xf32> to vector<1024x16xf32>
    %broadcast_in_dim3A_22 = vector.shape_cast %reduce_min3A_21 : vector<1024x16xf32> to vector<1x1024x16xf32>
    %swap3A_23 = arith.constant 0 : index
    %swap3A_24 = arith.constant 0 : index
    %swap3A_25 = arith.constant 0 : index
    %swap3A_26 = vector.load %arg4[%swap3A_23, %swap3A_24, %swap3A_25] : memref<1x1024x16xf32, #tpu.memory_space<vmem>>, vector<1x1024x16xf32>
    tpu.vector_store %arg4[%swap3A_23, %swap3A_24, %swap3A_25], %broadcast_in_dim3A_22 {strides = array<i32>} : memref<1x1024x16xf32, #tpu.memory_space<vmem>>, vector<1x1024x16xf32>,
    return
  }
  func.func @transform_0(%arg0: i32) -> (i32, i32) {
    %c0_i32 = arith.constant 0 : i32
    %c0_i32_0 = arith.constant 0 : i32
    %c0_i32_1 = arith.constant 0 : i32
    return %c0_i32, %c0_i32_0 : i32, i32
  }
  func.func @transform_1(%arg0: i32) -> (i32, i32) {
    %c0_i32 = arith.constant 0 : i32
    %c0_i32_0 = arith.constant 0 : i32
    return %arg0, %c0_i32 : i32, i32
  }
  func.func @transform_2(%arg0: i32) -> (i32, i32) {
    %c0_i32 = arith.constant 0 : i32
    %c0_i32_0 = arith.constant 0 : i32
    return %c0_i32, %arg0 : i32, i32
  }
  func.func @transform_3(%arg0: i32) -> (i32, i32, i32) {
    %c0_i32 = arith.constant 0 : i32
    %c0_i32_0 = arith.constant 0 : i32
    %c0_i32_1 = arith.constant 0 : i32
    return %arg0, %c0_i32, %c0_i32_0 : i32, i32, i32
  }
}

module attributes {stable_mosaic.version = 14 : i64} {
  func.func @_select_kernel(%arg0: i32, %arg1: memref<128x512xf32, #tpu.memory_space<vmem>>, %arg2: memref<128x32xi32, #tpu.memory_space<vmem>>, %arg3: memref<128x32xi32, #tpu.memory_space<vmem>>) attributes {dimension_semantics = [#tpu.dimension_semantics<arbitrary>], iteration_bounds = array<i64: 8>, scalar_prefetch = 0 : i64, scratch_operands = 0 : i64, tpu.core_type = #tpu.core_type<tc>, window_params = [{transform_indices = @transform_0, window_bounds = array<i64: 128, 512>}, {transform_indices = @transform_1, window_bounds = array<i64: 128, 32>}, {transform_indices = @transform_2, window_bounds = array<i64: 128, 32>}]} {
    %get3A = arith.constant 0 : index
    %get3A_0 = arith.constant 0 : index
    %get3A_1 = vector.load %arg1[%get3A, %get3A_0] : memref<128x512xf32, #tpu.memory_space<vmem>>, vector<128x512xf32>
    %iota3A = tpu.iota {dimensions = array<i32: 1>} : vector<128x512xi32>
    %reduce_min3A = arith.constant dense<0x7F800000> : vector<128xf32>
    %reduce_min3A_2 = vector.multi_reduction <minimumf>, %get3A_1, %reduce_min3A [1] : vector<128x512xf32> to vector<128xf32>
    %broadcast_in_dim3A = vector.shape_cast %reduce_min3A_2 : vector<128xf32> to vector<128x1xf32>
    %eq3A = vector.broadcast %broadcast_in_dim3A : vector<128x1xf32> to vector<128x512xf32>
    %eq3A_3 = arith.cmpf oeq, %get3A_1, %eq3A : vector<128x512xf32>
    %jit3A = arith.constant 16777216 : i32
    %broadcast_in_dim3A_4 = vector.broadcast %jit3A : i32 to vector<128x512xi32>
    %select_n3A = arith.select %eq3A_3, %iota3A, %broadcast_in_dim3A_4 : vector<128x512xi1>, vector<128x512xi32>
    %reduce_min3A_5 = arith.constant dense<2147483647> : vector<128xi32>
    %reduce_min3A_6 = vector.multi_reduction <minsi>, %select_n3A, %reduce_min3A_5 [1] : vector<128x512xi32> to vector<128xi32>
    %broadcast_in_dim3A_7 = vector.shape_cast %reduce_min3A_6 : vector<128xi32> to vector<128x1xi32>
    %eq3A_8 = vector.broadcast %broadcast_in_dim3A_7 : vector<128x1xi32> to vector<128x512xi32>
    %eq3A_9 = arith.cmpi eq, %iota3A, %eq3A_8 : vector<128x512xi32>
    %jit3A_10 = arith.constant 0x7F800000 : f32
    %broadcast_in_dim3A_11 = vector.broadcast %jit3A_10 : f32 to vector<128x512xf32>
    %select_n3A_12 = arith.select %eq3A_9, %broadcast_in_dim3A_11, %get3A_1 : vector<128x512xi1>, vector<128x512xf32>
    %reduce_min3A_13 = arith.constant dense<0x7F800000> : vector<128xf32>
    %reduce_min3A_14 = vector.multi_reduction <minimumf>, %select_n3A_12, %reduce_min3A_13 [1] : vector<128x512xf32> to vector<128xf32>
    %broadcast_in_dim3A_15 = vector.shape_cast %reduce_min3A_14 : vector<128xf32> to vector<128x1xf32>
    %eq3A_16 = vector.broadcast %broadcast_in_dim3A_15 : vector<128x1xf32> to vector<128x512xf32>
    %eq3A_17 = arith.cmpf oeq, %select_n3A_12, %eq3A_16 : vector<128x512xf32>
    %jit3A_18 = arith.constant 16777216 : i32
    %broadcast_in_dim3A_19 = vector.broadcast %jit3A_18 : i32 to vector<128x512xi32>
    %select_n3A_20 = arith.select %eq3A_17, %iota3A, %broadcast_in_dim3A_19 : vector<128x512xi1>, vector<128x512xi32>
    %reduce_min3A_21 = arith.constant dense<2147483647> : vector<128xi32>
    %reduce_min3A_22 = vector.multi_reduction <minsi>, %select_n3A_20, %reduce_min3A_21 [1] : vector<128x512xi32> to vector<128xi32>
    %broadcast_in_dim3A_23 = vector.shape_cast %reduce_min3A_22 : vector<128xi32> to vector<128x1xi32>
    %eq3A_24 = vector.broadcast %broadcast_in_dim3A_23 : vector<128x1xi32> to vector<128x512xi32>
    %eq3A_25 = arith.cmpi eq, %iota3A, %eq3A_24 : vector<128x512xi32>
    %jit3A_26 = arith.constant 0x7F800000 : f32
    %broadcast_in_dim3A_27 = vector.broadcast %jit3A_26 : f32 to vector<128x512xf32>
    %select_n3A_28 = arith.select %eq3A_25, %broadcast_in_dim3A_27, %select_n3A_12 : vector<128x512xi1>, vector<128x512xf32>
    %reduce_min3A_29 = arith.constant dense<0x7F800000> : vector<128xf32>
    %reduce_min3A_30 = vector.multi_reduction <minimumf>, %select_n3A_28, %reduce_min3A_29 [1] : vector<128x512xf32> to vector<128xf32>
    %broadcast_in_dim3A_31 = vector.shape_cast %reduce_min3A_30 : vector<128xf32> to vector<128x1xf32>
    %eq3A_32 = vector.broadcast %broadcast_in_dim3A_31 : vector<128x1xf32> to vector<128x512xf32>
    %eq3A_33 = arith.cmpf oeq, %select_n3A_28, %eq3A_32 : vector<128x512xf32>
    %jit3A_34 = arith.constant 16777216 : i32
    %broadcast_in_dim3A_35 = vector.broadcast %jit3A_34 : i32 to vector<128x512xi32>
    %select_n3A_36 = arith.select %eq3A_33, %iota3A, %broadcast_in_dim3A_35 : vector<128x512xi1>, vector<128x512xi32>
    %reduce_min3A_37 = arith.constant dense<2147483647> : vector<128xi32>
    %reduce_min3A_38 = vector.multi_reduction <minsi>, %select_n3A_36, %reduce_min3A_37 [1] : vector<128x512xi32> to vector<128xi32>
    %broadcast_in_dim3A_39 = vector.shape_cast %reduce_min3A_38 : vector<128xi32> to vector<128x1xi32>
    %eq3A_40 = vector.broadcast %broadcast_in_dim3A_39 : vector<128x1xi32> to vector<128x512xi32>
    %eq3A_41 = arith.cmpi eq, %iota3A, %eq3A_40 : vector<128x512xi32>
    %jit3A_42 = arith.constant 0x7F800000 : f32
    %broadcast_in_dim3A_43 = vector.broadcast %jit3A_42 : f32 to vector<128x512xf32>
    %select_n3A_44 = arith.select %eq3A_41, %broadcast_in_dim3A_43, %select_n3A_28 : vector<128x512xi1>, vector<128x512xf32>
    %reduce_min3A_45 = arith.constant dense<0x7F800000> : vector<128xf32>
    %reduce_min3A_46 = vector.multi_reduction <minimumf>, %select_n3A_44, %reduce_min3A_45 [1] : vector<128x512xf32> to vector<128xf32>
    %broadcast_in_dim3A_47 = vector.shape_cast %reduce_min3A_46 : vector<128xf32> to vector<128x1xf32>
    %eq3A_48 = vector.broadcast %broadcast_in_dim3A_47 : vector<128x1xf32> to vector<128x512xf32>
    %eq3A_49 = arith.cmpf oeq, %select_n3A_44, %eq3A_48 : vector<128x512xf32>
    %jit3A_50 = arith.constant 16777216 : i32
    %broadcast_in_dim3A_51 = vector.broadcast %jit3A_50 : i32 to vector<128x512xi32>
    %select_n3A_52 = arith.select %eq3A_49, %iota3A, %broadcast_in_dim3A_51 : vector<128x512xi1>, vector<128x512xi32>
    %reduce_min3A_53 = arith.constant dense<2147483647> : vector<128xi32>
    %reduce_min3A_54 = vector.multi_reduction <minsi>, %select_n3A_52, %reduce_min3A_53 [1] : vector<128x512xi32> to vector<128xi32>
    %broadcast_in_dim3A_55 = vector.shape_cast %reduce_min3A_54 : vector<128xi32> to vector<128x1xi32>
    %eq3A_56 = vector.broadcast %broadcast_in_dim3A_55 : vector<128x1xi32> to vector<128x512xi32>
    %eq3A_57 = arith.cmpi eq, %iota3A, %eq3A_56 : vector<128x512xi32>
    %jit3A_58 = arith.constant 0x7F800000 : f32
    %broadcast_in_dim3A_59 = vector.broadcast %jit3A_58 : f32 to vector<128x512xf32>
    %select_n3A_60 = arith.select %eq3A_57, %broadcast_in_dim3A_59, %select_n3A_44 : vector<128x512xi1>, vector<128x512xf32>
    %reduce_min3A_61 = arith.constant dense<0x7F800000> : vector<128xf32>
    %reduce_min3A_62 = vector.multi_reduction <minimumf>, %select_n3A_60, %reduce_min3A_61 [1] : vector<128x512xf32> to vector<128xf32>
    %broadcast_in_dim3A_63 = vector.shape_cast %reduce_min3A_62 : vector<128xf32> to vector<128x1xf32>
    %eq3A_64 = vector.broadcast %broadcast_in_dim3A_63 : vector<128x1xf32> to vector<128x512xf32>
    %eq3A_65 = arith.cmpf oeq, %select_n3A_60, %eq3A_64 : vector<128x512xf32>
    %jit3A_66 = arith.constant 16777216 : i32
    %broadcast_in_dim3A_67 = vector.broadcast %jit3A_66 : i32 to vector<128x512xi32>
    %select_n3A_68 = arith.select %eq3A_65, %iota3A, %broadcast_in_dim3A_67 : vector<128x512xi1>, vector<128x512xi32>
    %reduce_min3A_69 = arith.constant dense<2147483647> : vector<128xi32>
    %reduce_min3A_70 = vector.multi_reduction <minsi>, %select_n3A_68, %reduce_min3A_69 [1] : vector<128x512xi32> to vector<128xi32>
    %broadcast_in_dim3A_71 = vector.shape_cast %reduce_min3A_70 : vector<128xi32> to vector<128x1xi32>
    %eq3A_72 = vector.broadcast %broadcast_in_dim3A_71 : vector<128x1xi32> to vector<128x512xi32>
    %eq3A_73 = arith.cmpi eq, %iota3A, %eq3A_72 : vector<128x512xi32>
    %jit3A_74 = arith.constant 0x7F800000 : f32
    %broadcast_in_dim3A_75 = vector.broadcast %jit3A_74 : f32 to vector<128x512xf32>
    %select_n3A_76 = arith.select %eq3A_73, %broadcast_in_dim3A_75, %select_n3A_60 : vector<128x512xi1>, vector<128x512xf32>
    %reduce_min3A_77 = arith.constant dense<0x7F800000> : vector<128xf32>
    %reduce_min3A_78 = vector.multi_reduction <minimumf>, %select_n3A_76, %reduce_min3A_77 [1] : vector<128x512xf32> to vector<128xf32>
    %broadcast_in_dim3A_79 = vector.shape_cast %reduce_min3A_78 : vector<128xf32> to vector<128x1xf32>
    %eq3A_80 = vector.broadcast %broadcast_in_dim3A_79 : vector<128x1xf32> to vector<128x512xf32>
    %eq3A_81 = arith.cmpf oeq, %select_n3A_76, %eq3A_80 : vector<128x512xf32>
    %jit3A_82 = arith.constant 16777216 : i32
    %broadcast_in_dim3A_83 = vector.broadcast %jit3A_82 : i32 to vector<128x512xi32>
    %select_n3A_84 = arith.select %eq3A_81, %iota3A, %broadcast_in_dim3A_83 : vector<128x512xi1>, vector<128x512xi32>
    %reduce_min3A_85 = arith.constant dense<2147483647> : vector<128xi32>
    %reduce_min3A_86 = vector.multi_reduction <minsi>, %select_n3A_84, %reduce_min3A_85 [1] : vector<128x512xi32> to vector<128xi32>
    %broadcast_in_dim3A_87 = vector.shape_cast %reduce_min3A_86 : vector<128xi32> to vector<128x1xi32>
    %eq3A_88 = vector.broadcast %broadcast_in_dim3A_87 : vector<128x1xi32> to vector<128x512xi32>
    %eq3A_89 = arith.cmpi eq, %iota3A, %eq3A_88 : vector<128x512xi32>
    %jit3A_90 = arith.constant 0x7F800000 : f32
    %broadcast_in_dim3A_91 = vector.broadcast %jit3A_90 : f32 to vector<128x512xf32>
    %select_n3A_92 = arith.select %eq3A_89, %broadcast_in_dim3A_91, %select_n3A_76 : vector<128x512xi1>, vector<128x512xf32>
    %reduce_min3A_93 = arith.constant dense<0x7F800000> : vector<128xf32>
    %reduce_min3A_94 = vector.multi_reduction <minimumf>, %select_n3A_92, %reduce_min3A_93 [1] : vector<128x512xf32> to vector<128xf32>
    %broadcast_in_dim3A_95 = vector.shape_cast %reduce_min3A_94 : vector<128xf32> to vector<128x1xf32>
    %eq3A_96 = vector.broadcast %broadcast_in_dim3A_95 : vector<128x1xf32> to vector<128x512xf32>
    %eq3A_97 = arith.cmpf oeq, %select_n3A_92, %eq3A_96 : vector<128x512xf32>
    %jit3A_98 = arith.constant 16777216 : i32
    %broadcast_in_dim3A_99 = vector.broadcast %jit3A_98 : i32 to vector<128x512xi32>
    %select_n3A_100 = arith.select %eq3A_97, %iota3A, %broadcast_in_dim3A_99 : vector<128x512xi1>, vector<128x512xi32>
    %reduce_min3A_101 = arith.constant dense<2147483647> : vector<128xi32>
    %reduce_min3A_102 = vector.multi_reduction <minsi>, %select_n3A_100, %reduce_min3A_101 [1] : vector<128x512xi32> to vector<128xi32>
    %broadcast_in_dim3A_103 = vector.shape_cast %reduce_min3A_102 : vector<128xi32> to vector<128x1xi32>
    %eq3A_104 = vector.broadcast %broadcast_in_dim3A_103 : vector<128x1xi32> to vector<128x512xi32>
    %eq3A_105 = arith.cmpi eq, %iota3A, %eq3A_104 : vector<128x512xi32>
    %jit3A_106 = arith.constant 0x7F800000 : f32
    %broadcast_in_dim3A_107 = vector.broadcast %jit3A_106 : f32 to vector<128x512xf32>
    %select_n3A_108 = arith.select %eq3A_105, %broadcast_in_dim3A_107, %select_n3A_92 : vector<128x512xi1>, vector<128x512xf32>
    %reduce_min3A_109 = arith.constant dense<0x7F800000> : vector<128xf32>
    %reduce_min3A_110 = vector.multi_reduction <minimumf>, %select_n3A_108, %reduce_min3A_109 [1] : vector<128x512xf32> to vector<128xf32>
    %broadcast_in_dim3A_111 = vector.shape_cast %reduce_min3A_110 : vector<128xf32> to vector<128x1xf32>
    %eq3A_112 = vector.broadcast %broadcast_in_dim3A_111 : vector<128x1xf32> to vector<128x512xf32>
    %eq3A_113 = arith.cmpf oeq, %select_n3A_108, %eq3A_112 : vector<128x512xf32>
    %jit3A_114 = arith.constant 16777216 : i32
    %broadcast_in_dim3A_115 = vector.broadcast %jit3A_114 : i32 to vector<128x512xi32>
    %select_n3A_116 = arith.select %eq3A_113, %iota3A, %broadcast_in_dim3A_115 : vector<128x512xi1>, vector<128x512xi32>
    %reduce_min3A_117 = arith.constant dense<2147483647> : vector<128xi32>
    %reduce_min3A_118 = vector.multi_reduction <minsi>, %select_n3A_116, %reduce_min3A_117 [1] : vector<128x512xi32> to vector<128xi32>
    %broadcast_in_dim3A_119 = vector.shape_cast %reduce_min3A_118 : vector<128xi32> to vector<128x1xi32>
    %eq3A_120 = vector.broadcast %broadcast_in_dim3A_119 : vector<128x1xi32> to vector<128x512xi32>
    %eq3A_121 = arith.cmpi eq, %iota3A, %eq3A_120 : vector<128x512xi32>
    %jit3A_122 = arith.constant 0x7F800000 : f32
    %broadcast_in_dim3A_123 = vector.broadcast %jit3A_122 : f32 to vector<128x512xf32>
    %select_n3A_124 = arith.select %eq3A_121, %broadcast_in_dim3A_123, %select_n3A_108 : vector<128x512xi1>, vector<128x512xf32>
    %reduce_min3A_125 = arith.constant dense<0x7F800000> : vector<128xf32>
    %reduce_min3A_126 = vector.multi_reduction <minimumf>, %select_n3A_124, %reduce_min3A_125 [1] : vector<128x512xf32> to vector<128xf32>
    %broadcast_in_dim3A_127 = vector.shape_cast %reduce_min3A_126 : vector<128xf32> to vector<128x1xf32>
    %eq3A_128 = vector.broadcast %broadcast_in_dim3A_127 : vector<128x1xf32> to vector<128x512xf32>
    %eq3A_129 = arith.cmpf oeq, %select_n3A_124, %eq3A_128 : vector<128x512xf32>
    %jit3A_130 = arith.constant 16777216 : i32
    %broadcast_in_dim3A_131 = vector.broadcast %jit3A_130 : i32 to vector<128x512xi32>
    %select_n3A_132 = arith.select %eq3A_129, %iota3A, %broadcast_in_dim3A_131 : vector<128x512xi1>, vector<128x512xi32>
    %reduce_min3A_133 = arith.constant dense<2147483647> : vector<128xi32>
    %reduce_min3A_134 = vector.multi_reduction <minsi>, %select_n3A_132, %reduce_min3A_133 [1] : vector<128x512xi32> to vector<128xi32>
    %broadcast_in_dim3A_135 = vector.shape_cast %reduce_min3A_134 : vector<128xi32> to vector<128x1xi32>
    %eq3A_136 = vector.broadcast %broadcast_in_dim3A_135 : vector<128x1xi32> to vector<128x512xi32>
    %eq3A_137 = arith.cmpi eq, %iota3A, %eq3A_136 : vector<128x512xi32>
    %jit3A_138 = arith.constant 0x7F800000 : f32
    %broadcast_in_dim3A_139 = vector.broadcast %jit3A_138 : f32 to vector<128x512xf32>
    %select_n3A_140 = arith.select %eq3A_137, %broadcast_in_dim3A_139, %select_n3A_124 : vector<128x512xi1>, vector<128x512xf32>
    %reduce_min3A_141 = arith.constant dense<0x7F800000> : vector<128xf32>
    %reduce_min3A_142 = vector.multi_reduction <minimumf>, %select_n3A_140, %reduce_min3A_141 [1] : vector<128x512xf32> to vector<128xf32>
    %broadcast_in_dim3A_143 = vector.shape_cast %reduce_min3A_142 : vector<128xf32> to vector<128x1xf32>
    %eq3A_144 = vector.broadcast %broadcast_in_dim3A_143 : vector<128x1xf32> to vector<128x512xf32>
    %eq3A_145 = arith.cmpf oeq, %select_n3A_140, %eq3A_144 : vector<128x512xf32>
    %jit3A_146 = arith.constant 16777216 : i32
    %broadcast_in_dim3A_147 = vector.broadcast %jit3A_146 : i32 to vector<128x512xi32>
    %select_n3A_148 = arith.select %eq3A_145, %iota3A, %broadcast_in_dim3A_147 : vector<128x512xi1>, vector<128x512xi32>
    %reduce_min3A_149 = arith.constant dense<2147483647> : vector<128xi32>
    %reduce_min3A_150 = vector.multi_reduction <minsi>, %select_n3A_148, %reduce_min3A_149 [1] : vector<128x512xi32> to vector<128xi32>
    %broadcast_in_dim3A_151 = vector.shape_cast %reduce_min3A_150 : vector<128xi32> to vector<128x1xi32>
    %eq3A_152 = vector.broadcast %broadcast_in_dim3A_151 : vector<128x1xi32> to vector<128x512xi32>
    %eq3A_153 = arith.cmpi eq, %iota3A, %eq3A_152 : vector<128x512xi32>
    %jit3A_154 = arith.constant 0x7F800000 : f32
    %broadcast_in_dim3A_155 = vector.broadcast %jit3A_154 : f32 to vector<128x512xf32>
    %select_n3A_156 = arith.select %eq3A_153, %broadcast_in_dim3A_155, %select_n3A_140 : vector<128x512xi1>, vector<128x512xf32>
    %reduce_min3A_157 = arith.constant dense<0x7F800000> : vector<128xf32>
    %reduce_min3A_158 = vector.multi_reduction <minimumf>, %select_n3A_156, %reduce_min3A_157 [1] : vector<128x512xf32> to vector<128xf32>
    %broadcast_in_dim3A_159 = vector.shape_cast %reduce_min3A_158 : vector<128xf32> to vector<128x1xf32>
    %eq3A_160 = vector.broadcast %broadcast_in_dim3A_159 : vector<128x1xf32> to vector<128x512xf32>
    %eq3A_161 = arith.cmpf oeq, %select_n3A_156, %eq3A_160 : vector<128x512xf32>
    %jit3A_162 = arith.constant 16777216 : i32
    %broadcast_in_dim3A_163 = vector.broadcast %jit3A_162 : i32 to vector<128x512xi32>
    %select_n3A_164 = arith.select %eq3A_161, %iota3A, %broadcast_in_dim3A_163 : vector<128x512xi1>, vector<128x512xi32>
    %reduce_min3A_165 = arith.constant dense<2147483647> : vector<128xi32>
    %reduce_min3A_166 = vector.multi_reduction <minsi>, %select_n3A_164, %reduce_min3A_165 [1] : vector<128x512xi32> to vector<128xi32>
    %broadcast_in_dim3A_167 = vector.shape_cast %reduce_min3A_166 : vector<128xi32> to vector<128x1xi32>
    %eq3A_168 = vector.broadcast %broadcast_in_dim3A_167 : vector<128x1xi32> to vector<128x512xi32>
    %eq3A_169 = arith.cmpi eq, %iota3A, %eq3A_168 : vector<128x512xi32>
    %jit3A_170 = arith.constant 0x7F800000 : f32
    %broadcast_in_dim3A_171 = vector.broadcast %jit3A_170 : f32 to vector<128x512xf32>
    %select_n3A_172 = arith.select %eq3A_169, %broadcast_in_dim3A_171, %select_n3A_156 : vector<128x512xi1>, vector<128x512xf32>
    %reduce_min3A_173 = arith.constant dense<0x7F800000> : vector<128xf32>
    %reduce_min3A_174 = vector.multi_reduction <minimumf>, %select_n3A_172, %reduce_min3A_173 [1] : vector<128x512xf32> to vector<128xf32>
    %broadcast_in_dim3A_175 = vector.shape_cast %reduce_min3A_174 : vector<128xf32> to vector<128x1xf32>
    %eq3A_176 = vector.broadcast %broadcast_in_dim3A_175 : vector<128x1xf32> to vector<128x512xf32>
    %eq3A_177 = arith.cmpf oeq, %select_n3A_172, %eq3A_176 : vector<128x512xf32>
    %jit3A_178 = arith.constant 16777216 : i32
    %broadcast_in_dim3A_179 = vector.broadcast %jit3A_178 : i32 to vector<128x512xi32>
    %select_n3A_180 = arith.select %eq3A_177, %iota3A, %broadcast_in_dim3A_179 : vector<128x512xi1>, vector<128x512xi32>
    %reduce_min3A_181 = arith.constant dense<2147483647> : vector<128xi32>
    %reduce_min3A_182 = vector.multi_reduction <minsi>, %select_n3A_180, %reduce_min3A_181 [1] : vector<128x512xi32> to vector<128xi32>
    %broadcast_in_dim3A_183 = vector.shape_cast %reduce_min3A_182 : vector<128xi32> to vector<128x1xi32>
    %eq3A_184 = vector.broadcast %broadcast_in_dim3A_183 : vector<128x1xi32> to vector<128x512xi32>
    %eq3A_185 = arith.cmpi eq, %iota3A, %eq3A_184 : vector<128x512xi32>
    %jit3A_186 = arith.constant 0x7F800000 : f32
    %broadcast_in_dim3A_187 = vector.broadcast %jit3A_186 : f32 to vector<128x512xf32>
    %select_n3A_188 = arith.select %eq3A_185, %broadcast_in_dim3A_187, %select_n3A_172 : vector<128x512xi1>, vector<128x512xf32>
    %reduce_min3A_189 = arith.constant dense<0x7F800000> : vector<128xf32>
    %reduce_min3A_190 = vector.multi_reduction <minimumf>, %select_n3A_188, %reduce_min3A_189 [1] : vector<128x512xf32> to vector<128xf32>
    %broadcast_in_dim3A_191 = vector.shape_cast %reduce_min3A_190 : vector<128xf32> to vector<128x1xf32>
    %eq3A_192 = vector.broadcast %broadcast_in_dim3A_191 : vector<128x1xf32> to vector<128x512xf32>
    %eq3A_193 = arith.cmpf oeq, %select_n3A_188, %eq3A_192 : vector<128x512xf32>
    %jit3A_194 = arith.constant 16777216 : i32
    %broadcast_in_dim3A_195 = vector.broadcast %jit3A_194 : i32 to vector<128x512xi32>
    %select_n3A_196 = arith.select %eq3A_193, %iota3A, %broadcast_in_dim3A_195 : vector<128x512xi1>, vector<128x512xi32>
    %reduce_min3A_197 = arith.constant dense<2147483647> : vector<128xi32>
    %reduce_min3A_198 = vector.multi_reduction <minsi>, %select_n3A_196, %reduce_min3A_197 [1] : vector<128x512xi32> to vector<128xi32>
    %broadcast_in_dim3A_199 = vector.shape_cast %reduce_min3A_198 : vector<128xi32> to vector<128x1xi32>
    %eq3A_200 = vector.broadcast %broadcast_in_dim3A_199 : vector<128x1xi32> to vector<128x512xi32>
    %eq3A_201 = arith.cmpi eq, %iota3A, %eq3A_200 : vector<128x512xi32>
    %jit3A_202 = arith.constant 0x7F800000 : f32
    %broadcast_in_dim3A_203 = vector.broadcast %jit3A_202 : f32 to vector<128x512xf32>
    %select_n3A_204 = arith.select %eq3A_201, %broadcast_in_dim3A_203, %select_n3A_188 : vector<128x512xi1>, vector<128x512xf32>
    %reduce_min3A_205 = arith.constant dense<0x7F800000> : vector<128xf32>
    %reduce_min3A_206 = vector.multi_reduction <minimumf>, %select_n3A_204, %reduce_min3A_205 [1] : vector<128x512xf32> to vector<128xf32>
    %broadcast_in_dim3A_207 = vector.shape_cast %reduce_min3A_206 : vector<128xf32> to vector<128x1xf32>
    %eq3A_208 = vector.broadcast %broadcast_in_dim3A_207 : vector<128x1xf32> to vector<128x512xf32>
    %eq3A_209 = arith.cmpf oeq, %select_n3A_204, %eq3A_208 : vector<128x512xf32>
    %jit3A_210 = arith.constant 16777216 : i32
    %broadcast_in_dim3A_211 = vector.broadcast %jit3A_210 : i32 to vector<128x512xi32>
    %select_n3A_212 = arith.select %eq3A_209, %iota3A, %broadcast_in_dim3A_211 : vector<128x512xi1>, vector<128x512xi32>
    %reduce_min3A_213 = arith.constant dense<2147483647> : vector<128xi32>
    %reduce_min3A_214 = vector.multi_reduction <minsi>, %select_n3A_212, %reduce_min3A_213 [1] : vector<128x512xi32> to vector<128xi32>
    %broadcast_in_dim3A_215 = vector.shape_cast %reduce_min3A_214 : vector<128xi32> to vector<128x1xi32>
    %eq3A_216 = vector.broadcast %broadcast_in_dim3A_215 : vector<128x1xi32> to vector<128x512xi32>
    %eq3A_217 = arith.cmpi eq, %iota3A, %eq3A_216 : vector<128x512xi32>
    %jit3A_218 = arith.constant 0x7F800000 : f32
    %broadcast_in_dim3A_219 = vector.broadcast %jit3A_218 : f32 to vector<128x512xf32>
    %select_n3A_220 = arith.select %eq3A_217, %broadcast_in_dim3A_219, %select_n3A_204 : vector<128x512xi1>, vector<128x512xf32>
    %reduce_min3A_221 = arith.constant dense<0x7F800000> : vector<128xf32>
    %reduce_min3A_222 = vector.multi_reduction <minimumf>, %select_n3A_220, %reduce_min3A_221 [1] : vector<128x512xf32> to vector<128xf32>
    %broadcast_in_dim3A_223 = vector.shape_cast %reduce_min3A_222 : vector<128xf32> to vector<128x1xf32>
    %eq3A_224 = vector.broadcast %broadcast_in_dim3A_223 : vector<128x1xf32> to vector<128x512xf32>
    %eq3A_225 = arith.cmpf oeq, %select_n3A_220, %eq3A_224 : vector<128x512xf32>
    %jit3A_226 = arith.constant 16777216 : i32
    %broadcast_in_dim3A_227 = vector.broadcast %jit3A_226 : i32 to vector<128x512xi32>
    %select_n3A_228 = arith.select %eq3A_225, %iota3A, %broadcast_in_dim3A_227 : vector<128x512xi1>, vector<128x512xi32>
    %reduce_min3A_229 = arith.constant dense<2147483647> : vector<128xi32>
    %reduce_min3A_230 = vector.multi_reduction <minsi>, %select_n3A_228, %reduce_min3A_229 [1] : vector<128x512xi32> to vector<128xi32>
    %broadcast_in_dim3A_231 = vector.shape_cast %reduce_min3A_230 : vector<128xi32> to vector<128x1xi32>
    %eq3A_232 = vector.broadcast %broadcast_in_dim3A_231 : vector<128x1xi32> to vector<128x512xi32>
    %eq3A_233 = arith.cmpi eq, %iota3A, %eq3A_232 : vector<128x512xi32>
    %jit3A_234 = arith.constant 0x7F800000 : f32
    %broadcast_in_dim3A_235 = vector.broadcast %jit3A_234 : f32 to vector<128x512xf32>
    %select_n3A_236 = arith.select %eq3A_233, %broadcast_in_dim3A_235, %select_n3A_220 : vector<128x512xi1>, vector<128x512xf32>
    %reduce_min3A_237 = arith.constant dense<0x7F800000> : vector<128xf32>
    %reduce_min3A_238 = vector.multi_reduction <minimumf>, %select_n3A_236, %reduce_min3A_237 [1] : vector<128x512xf32> to vector<128xf32>
    %broadcast_in_dim3A_239 = vector.shape_cast %reduce_min3A_238 : vector<128xf32> to vector<128x1xf32>
    %eq3A_240 = vector.broadcast %broadcast_in_dim3A_239 : vector<128x1xf32> to vector<128x512xf32>
    %eq3A_241 = arith.cmpf oeq, %select_n3A_236, %eq3A_240 : vector<128x512xf32>
    %jit3A_242 = arith.constant 16777216 : i32
    %broadcast_in_dim3A_243 = vector.broadcast %jit3A_242 : i32 to vector<128x512xi32>
    %select_n3A_244 = arith.select %eq3A_241, %iota3A, %broadcast_in_dim3A_243 : vector<128x512xi1>, vector<128x512xi32>
    %reduce_min3A_245 = arith.constant dense<2147483647> : vector<128xi32>
    %reduce_min3A_246 = vector.multi_reduction <minsi>, %select_n3A_244, %reduce_min3A_245 [1] : vector<128x512xi32> to vector<128xi32>
    %broadcast_in_dim3A_247 = vector.shape_cast %reduce_min3A_246 : vector<128xi32> to vector<128x1xi32>
    %eq3A_248 = vector.broadcast %broadcast_in_dim3A_247 : vector<128x1xi32> to vector<128x512xi32>
    %eq3A_249 = arith.cmpi eq, %iota3A, %eq3A_248 : vector<128x512xi32>
    %jit3A_250 = arith.constant 0x7F800000 : f32
    %broadcast_in_dim3A_251 = vector.broadcast %jit3A_250 : f32 to vector<128x512xf32>
    %select_n3A_252 = arith.select %eq3A_249, %broadcast_in_dim3A_251, %select_n3A_236 : vector<128x512xi1>, vector<128x512xf32>
    %reduce_min3A_253 = arith.constant dense<0x7F800000> : vector<128xf32>
    %reduce_min3A_254 = vector.multi_reduction <minimumf>, %select_n3A_252, %reduce_min3A_253 [1] : vector<128x512xf32> to vector<128xf32>
    %broadcast_in_dim3A_255 = vector.shape_cast %reduce_min3A_254 : vector<128xf32> to vector<128x1xf32>
    %eq3A_256 = vector.broadcast %broadcast_in_dim3A_255 : vector<128x1xf32> to vector<128x512xf32>
    %eq3A_257 = arith.cmpf oeq, %select_n3A_252, %eq3A_256 : vector<128x512xf32>
    %jit3A_258 = arith.constant 16777216 : i32
    %broadcast_in_dim3A_259 = vector.broadcast %jit3A_258 : i32 to vector<128x512xi32>
    %select_n3A_260 = arith.select %eq3A_257, %iota3A, %broadcast_in_dim3A_259 : vector<128x512xi1>, vector<128x512xi32>
    %reduce_min3A_261 = arith.constant dense<2147483647> : vector<128xi32>
    %reduce_min3A_262 = vector.multi_reduction <minsi>, %select_n3A_260, %reduce_min3A_261 [1] : vector<128x512xi32> to vector<128xi32>
    %broadcast_in_dim3A_263 = vector.shape_cast %reduce_min3A_262 : vector<128xi32> to vector<128x1xi32>
    %eq3A_264 = vector.broadcast %broadcast_in_dim3A_263 : vector<128x1xi32> to vector<128x512xi32>
    %eq3A_265 = arith.cmpi eq, %iota3A, %eq3A_264 : vector<128x512xi32>
    %jit3A_266 = arith.constant 0x7F800000 : f32
    %broadcast_in_dim3A_267 = vector.broadcast %jit3A_266 : f32 to vector<128x512xf32>
    %select_n3A_268 = arith.select %eq3A_265, %broadcast_in_dim3A_267, %select_n3A_252 : vector<128x512xi1>, vector<128x512xf32>
    %reduce_min3A_269 = arith.constant dense<0x7F800000> : vector<128xf32>
    %reduce_min3A_270 = vector.multi_reduction <minimumf>, %select_n3A_268, %reduce_min3A_269 [1] : vector<128x512xf32> to vector<128xf32>
    %broadcast_in_dim3A_271 = vector.shape_cast %reduce_min3A_270 : vector<128xf32> to vector<128x1xf32>
    %eq3A_272 = vector.broadcast %broadcast_in_dim3A_271 : vector<128x1xf32> to vector<128x512xf32>
    %eq3A_273 = arith.cmpf oeq, %select_n3A_268, %eq3A_272 : vector<128x512xf32>
    %jit3A_274 = arith.constant 16777216 : i32
    %broadcast_in_dim3A_275 = vector.broadcast %jit3A_274 : i32 to vector<128x512xi32>
    %select_n3A_276 = arith.select %eq3A_273, %iota3A, %broadcast_in_dim3A_275 : vector<128x512xi1>, vector<128x512xi32>
    %reduce_min3A_277 = arith.constant dense<2147483647> : vector<128xi32>
    %reduce_min3A_278 = vector.multi_reduction <minsi>, %select_n3A_276, %reduce_min3A_277 [1] : vector<128x512xi32> to vector<128xi32>
    %broadcast_in_dim3A_279 = vector.shape_cast %reduce_min3A_278 : vector<128xi32> to vector<128x1xi32>
    %eq3A_280 = vector.broadcast %broadcast_in_dim3A_279 : vector<128x1xi32> to vector<128x512xi32>
    %eq3A_281 = arith.cmpi eq, %iota3A, %eq3A_280 : vector<128x512xi32>
    %jit3A_282 = arith.constant 0x7F800000 : f32
    %broadcast_in_dim3A_283 = vector.broadcast %jit3A_282 : f32 to vector<128x512xf32>
    %select_n3A_284 = arith.select %eq3A_281, %broadcast_in_dim3A_283, %select_n3A_268 : vector<128x512xi1>, vector<128x512xf32>
    %reduce_min3A_285 = arith.constant dense<0x7F800000> : vector<128xf32>
    %reduce_min3A_286 = vector.multi_reduction <minimumf>, %select_n3A_284, %reduce_min3A_285 [1] : vector<128x512xf32> to vector<128xf32>
    %broadcast_in_dim3A_287 = vector.shape_cast %reduce_min3A_286 : vector<128xf32> to vector<128x1xf32>
    %eq3A_288 = vector.broadcast %broadcast_in_dim3A_287 : vector<128x1xf32> to vector<128x512xf32>
    %eq3A_289 = arith.cmpf oeq, %select_n3A_284, %eq3A_288 : vector<128x512xf32>
    %jit3A_290 = arith.constant 16777216 : i32
    %broadcast_in_dim3A_291 = vector.broadcast %jit3A_290 : i32 to vector<128x512xi32>
    %select_n3A_292 = arith.select %eq3A_289, %iota3A, %broadcast_in_dim3A_291 : vector<128x512xi1>, vector<128x512xi32>
    %reduce_min3A_293 = arith.constant dense<2147483647> : vector<128xi32>
    %reduce_min3A_294 = vector.multi_reduction <minsi>, %select_n3A_292, %reduce_min3A_293 [1] : vector<128x512xi32> to vector<128xi32>
    %broadcast_in_dim3A_295 = vector.shape_cast %reduce_min3A_294 : vector<128xi32> to vector<128x1xi32>
    %eq3A_296 = vector.broadcast %broadcast_in_dim3A_295 : vector<128x1xi32> to vector<128x512xi32>
    %eq3A_297 = arith.cmpi eq, %iota3A, %eq3A_296 : vector<128x512xi32>
    %jit3A_298 = arith.constant 0x7F800000 : f32
    %broadcast_in_dim3A_299 = vector.broadcast %jit3A_298 : f32 to vector<128x512xf32>
    %select_n3A_300 = arith.select %eq3A_297, %broadcast_in_dim3A_299, %select_n3A_284 : vector<128x512xi1>, vector<128x512xf32>
    %reduce_min3A_301 = arith.constant dense<0x7F800000> : vector<128xf32>
    %reduce_min3A_302 = vector.multi_reduction <minimumf>, %select_n3A_300, %reduce_min3A_301 [1] : vector<128x512xf32> to vector<128xf32>
    %broadcast_in_dim3A_303 = vector.shape_cast %reduce_min3A_302 : vector<128xf32> to vector<128x1xf32>
    %eq3A_304 = vector.broadcast %broadcast_in_dim3A_303 : vector<128x1xf32> to vector<128x512xf32>
    %eq3A_305 = arith.cmpf oeq, %select_n3A_300, %eq3A_304 : vector<128x512xf32>
    %jit3A_306 = arith.constant 16777216 : i32
    %broadcast_in_dim3A_307 = vector.broadcast %jit3A_306 : i32 to vector<128x512xi32>
    %select_n3A_308 = arith.select %eq3A_305, %iota3A, %broadcast_in_dim3A_307 : vector<128x512xi1>, vector<128x512xi32>
    %reduce_min3A_309 = arith.constant dense<2147483647> : vector<128xi32>
    %reduce_min3A_310 = vector.multi_reduction <minsi>, %select_n3A_308, %reduce_min3A_309 [1] : vector<128x512xi32> to vector<128xi32>
    %broadcast_in_dim3A_311 = vector.shape_cast %reduce_min3A_310 : vector<128xi32> to vector<128x1xi32>
    %eq3A_312 = vector.broadcast %broadcast_in_dim3A_311 : vector<128x1xi32> to vector<128x512xi32>
    %eq3A_313 = arith.cmpi eq, %iota3A, %eq3A_312 : vector<128x512xi32>
    %jit3A_314 = arith.constant 0x7F800000 : f32
    %broadcast_in_dim3A_315 = vector.broadcast %jit3A_314 : f32 to vector<128x512xf32>
    %select_n3A_316 = arith.select %eq3A_313, %broadcast_in_dim3A_315, %select_n3A_300 : vector<128x512xi1>, vector<128x512xf32>
    %reduce_min3A_317 = arith.constant dense<0x7F800000> : vector<128xf32>
    %reduce_min3A_318 = vector.multi_reduction <minimumf>, %select_n3A_316, %reduce_min3A_317 [1] : vector<128x512xf32> to vector<128xf32>
    %broadcast_in_dim3A_319 = vector.shape_cast %reduce_min3A_318 : vector<128xf32> to vector<128x1xf32>
    %eq3A_320 = vector.broadcast %broadcast_in_dim3A_319 : vector<128x1xf32> to vector<128x512xf32>
    %eq3A_321 = arith.cmpf oeq, %select_n3A_316, %eq3A_320 : vector<128x512xf32>
    %jit3A_322 = arith.constant 16777216 : i32
    %broadcast_in_dim3A_323 = vector.broadcast %jit3A_322 : i32 to vector<128x512xi32>
    %select_n3A_324 = arith.select %eq3A_321, %iota3A, %broadcast_in_dim3A_323 : vector<128x512xi1>, vector<128x512xi32>
    %reduce_min3A_325 = arith.constant dense<2147483647> : vector<128xi32>
    %reduce_min3A_326 = vector.multi_reduction <minsi>, %select_n3A_324, %reduce_min3A_325 [1] : vector<128x512xi32> to vector<128xi32>
    %broadcast_in_dim3A_327 = vector.shape_cast %reduce_min3A_326 : vector<128xi32> to vector<128x1xi32>
    %eq3A_328 = vector.broadcast %broadcast_in_dim3A_327 : vector<128x1xi32> to vector<128x512xi32>
    %eq3A_329 = arith.cmpi eq, %iota3A, %eq3A_328 : vector<128x512xi32>
    %jit3A_330 = arith.constant 0x7F800000 : f32
    %broadcast_in_dim3A_331 = vector.broadcast %jit3A_330 : f32 to vector<128x512xf32>
    %select_n3A_332 = arith.select %eq3A_329, %broadcast_in_dim3A_331, %select_n3A_316 : vector<128x512xi1>, vector<128x512xf32>
    %reduce_min3A_333 = arith.constant dense<0x7F800000> : vector<128xf32>
    %reduce_min3A_334 = vector.multi_reduction <minimumf>, %select_n3A_332, %reduce_min3A_333 [1] : vector<128x512xf32> to vector<128xf32>
    %broadcast_in_dim3A_335 = vector.shape_cast %reduce_min3A_334 : vector<128xf32> to vector<128x1xf32>
    %eq3A_336 = vector.broadcast %broadcast_in_dim3A_335 : vector<128x1xf32> to vector<128x512xf32>
    %eq3A_337 = arith.cmpf oeq, %select_n3A_332, %eq3A_336 : vector<128x512xf32>
    %jit3A_338 = arith.constant 16777216 : i32
    %broadcast_in_dim3A_339 = vector.broadcast %jit3A_338 : i32 to vector<128x512xi32>
    %select_n3A_340 = arith.select %eq3A_337, %iota3A, %broadcast_in_dim3A_339 : vector<128x512xi1>, vector<128x512xi32>
    %reduce_min3A_341 = arith.constant dense<2147483647> : vector<128xi32>
    %reduce_min3A_342 = vector.multi_reduction <minsi>, %select_n3A_340, %reduce_min3A_341 [1] : vector<128x512xi32> to vector<128xi32>
    %broadcast_in_dim3A_343 = vector.shape_cast %reduce_min3A_342 : vector<128xi32> to vector<128x1xi32>
    %eq3A_344 = vector.broadcast %broadcast_in_dim3A_343 : vector<128x1xi32> to vector<128x512xi32>
    %eq3A_345 = arith.cmpi eq, %iota3A, %eq3A_344 : vector<128x512xi32>
    %jit3A_346 = arith.constant 0x7F800000 : f32
    %broadcast_in_dim3A_347 = vector.broadcast %jit3A_346 : f32 to vector<128x512xf32>
    %select_n3A_348 = arith.select %eq3A_345, %broadcast_in_dim3A_347, %select_n3A_332 : vector<128x512xi1>, vector<128x512xf32>
    %reduce_min3A_349 = arith.constant dense<0x7F800000> : vector<128xf32>
    %reduce_min3A_350 = vector.multi_reduction <minimumf>, %select_n3A_348, %reduce_min3A_349 [1] : vector<128x512xf32> to vector<128xf32>
    %broadcast_in_dim3A_351 = vector.shape_cast %reduce_min3A_350 : vector<128xf32> to vector<128x1xf32>
    %eq3A_352 = vector.broadcast %broadcast_in_dim3A_351 : vector<128x1xf32> to vector<128x512xf32>
    %eq3A_353 = arith.cmpf oeq, %select_n3A_348, %eq3A_352 : vector<128x512xf32>
    %jit3A_354 = arith.constant 16777216 : i32
    %broadcast_in_dim3A_355 = vector.broadcast %jit3A_354 : i32 to vector<128x512xi32>
    %select_n3A_356 = arith.select %eq3A_353, %iota3A, %broadcast_in_dim3A_355 : vector<128x512xi1>, vector<128x512xi32>
    %reduce_min3A_357 = arith.constant dense<2147483647> : vector<128xi32>
    %reduce_min3A_358 = vector.multi_reduction <minsi>, %select_n3A_356, %reduce_min3A_357 [1] : vector<128x512xi32> to vector<128xi32>
    %broadcast_in_dim3A_359 = vector.shape_cast %reduce_min3A_358 : vector<128xi32> to vector<128x1xi32>
    %eq3A_360 = vector.broadcast %broadcast_in_dim3A_359 : vector<128x1xi32> to vector<128x512xi32>
    %eq3A_361 = arith.cmpi eq, %iota3A, %eq3A_360 : vector<128x512xi32>
    %jit3A_362 = arith.constant 0x7F800000 : f32
    %broadcast_in_dim3A_363 = vector.broadcast %jit3A_362 : f32 to vector<128x512xf32>
    %select_n3A_364 = arith.select %eq3A_361, %broadcast_in_dim3A_363, %select_n3A_348 : vector<128x512xi1>, vector<128x512xf32>
    %reduce_min3A_365 = arith.constant dense<0x7F800000> : vector<128xf32>
    %reduce_min3A_366 = vector.multi_reduction <minimumf>, %select_n3A_364, %reduce_min3A_365 [1] : vector<128x512xf32> to vector<128xf32>
    %broadcast_in_dim3A_367 = vector.shape_cast %reduce_min3A_366 : vector<128xf32> to vector<128x1xf32>
    %eq3A_368 = vector.broadcast %broadcast_in_dim3A_367 : vector<128x1xf32> to vector<128x512xf32>
    %eq3A_369 = arith.cmpf oeq, %select_n3A_364, %eq3A_368 : vector<128x512xf32>
    %jit3A_370 = arith.constant 16777216 : i32
    %broadcast_in_dim3A_371 = vector.broadcast %jit3A_370 : i32 to vector<128x512xi32>
    %select_n3A_372 = arith.select %eq3A_369, %iota3A, %broadcast_in_dim3A_371 : vector<128x512xi1>, vector<128x512xi32>
    %reduce_min3A_373 = arith.constant dense<2147483647> : vector<128xi32>
    %reduce_min3A_374 = vector.multi_reduction <minsi>, %select_n3A_372, %reduce_min3A_373 [1] : vector<128x512xi32> to vector<128xi32>
    %broadcast_in_dim3A_375 = vector.shape_cast %reduce_min3A_374 : vector<128xi32> to vector<128x1xi32>
    %eq3A_376 = vector.broadcast %broadcast_in_dim3A_375 : vector<128x1xi32> to vector<128x512xi32>
    %eq3A_377 = arith.cmpi eq, %iota3A, %eq3A_376 : vector<128x512xi32>
    %jit3A_378 = arith.constant 0x7F800000 : f32
    %broadcast_in_dim3A_379 = vector.broadcast %jit3A_378 : f32 to vector<128x512xf32>
    %select_n3A_380 = arith.select %eq3A_377, %broadcast_in_dim3A_379, %select_n3A_364 : vector<128x512xi1>, vector<128x512xf32>
    %reduce_min3A_381 = arith.constant dense<0x7F800000> : vector<128xf32>
    %reduce_min3A_382 = vector.multi_reduction <minimumf>, %select_n3A_380, %reduce_min3A_381 [1] : vector<128x512xf32> to vector<128xf32>
    %broadcast_in_dim3A_383 = vector.shape_cast %reduce_min3A_382 : vector<128xf32> to vector<128x1xf32>
    %eq3A_384 = vector.broadcast %broadcast_in_dim3A_383 : vector<128x1xf32> to vector<128x512xf32>
    %eq3A_385 = arith.cmpf oeq, %select_n3A_380, %eq3A_384 : vector<128x512xf32>
    %jit3A_386 = arith.constant 16777216 : i32
    %broadcast_in_dim3A_387 = vector.broadcast %jit3A_386 : i32 to vector<128x512xi32>
    %select_n3A_388 = arith.select %eq3A_385, %iota3A, %broadcast_in_dim3A_387 : vector<128x512xi1>, vector<128x512xi32>
    %reduce_min3A_389 = arith.constant dense<2147483647> : vector<128xi32>
    %reduce_min3A_390 = vector.multi_reduction <minsi>, %select_n3A_388, %reduce_min3A_389 [1] : vector<128x512xi32> to vector<128xi32>
    %broadcast_in_dim3A_391 = vector.shape_cast %reduce_min3A_390 : vector<128xi32> to vector<128x1xi32>
    %eq3A_392 = vector.broadcast %broadcast_in_dim3A_391 : vector<128x1xi32> to vector<128x512xi32>
    %eq3A_393 = arith.cmpi eq, %iota3A, %eq3A_392 : vector<128x512xi32>
    %jit3A_394 = arith.constant 0x7F800000 : f32
    %broadcast_in_dim3A_395 = vector.broadcast %jit3A_394 : f32 to vector<128x512xf32>
    %select_n3A_396 = arith.select %eq3A_393, %broadcast_in_dim3A_395, %select_n3A_380 : vector<128x512xi1>, vector<128x512xf32>
    %reduce_min3A_397 = arith.constant dense<0x7F800000> : vector<128xf32>
    %reduce_min3A_398 = vector.multi_reduction <minimumf>, %select_n3A_396, %reduce_min3A_397 [1] : vector<128x512xf32> to vector<128xf32>
    %broadcast_in_dim3A_399 = vector.shape_cast %reduce_min3A_398 : vector<128xf32> to vector<128x1xf32>
    %eq3A_400 = vector.broadcast %broadcast_in_dim3A_399 : vector<128x1xf32> to vector<128x512xf32>
    %eq3A_401 = arith.cmpf oeq, %select_n3A_396, %eq3A_400 : vector<128x512xf32>
    %jit3A_402 = arith.constant 16777216 : i32
    %broadcast_in_dim3A_403 = vector.broadcast %jit3A_402 : i32 to vector<128x512xi32>
    %select_n3A_404 = arith.select %eq3A_401, %iota3A, %broadcast_in_dim3A_403 : vector<128x512xi1>, vector<128x512xi32>
    %reduce_min3A_405 = arith.constant dense<2147483647> : vector<128xi32>
    %reduce_min3A_406 = vector.multi_reduction <minsi>, %select_n3A_404, %reduce_min3A_405 [1] : vector<128x512xi32> to vector<128xi32>
    %broadcast_in_dim3A_407 = vector.shape_cast %reduce_min3A_406 : vector<128xi32> to vector<128x1xi32>
    %eq3A_408 = vector.broadcast %broadcast_in_dim3A_407 : vector<128x1xi32> to vector<128x512xi32>
    %eq3A_409 = arith.cmpi eq, %iota3A, %eq3A_408 : vector<128x512xi32>
    %jit3A_410 = arith.constant 0x7F800000 : f32
    %broadcast_in_dim3A_411 = vector.broadcast %jit3A_410 : f32 to vector<128x512xf32>
    %select_n3A_412 = arith.select %eq3A_409, %broadcast_in_dim3A_411, %select_n3A_396 : vector<128x512xi1>, vector<128x512xf32>
    %reduce_min3A_413 = arith.constant dense<0x7F800000> : vector<128xf32>
    %reduce_min3A_414 = vector.multi_reduction <minimumf>, %select_n3A_412, %reduce_min3A_413 [1] : vector<128x512xf32> to vector<128xf32>
    %broadcast_in_dim3A_415 = vector.shape_cast %reduce_min3A_414 : vector<128xf32> to vector<128x1xf32>
    %eq3A_416 = vector.broadcast %broadcast_in_dim3A_415 : vector<128x1xf32> to vector<128x512xf32>
    %eq3A_417 = arith.cmpf oeq, %select_n3A_412, %eq3A_416 : vector<128x512xf32>
    %jit3A_418 = arith.constant 16777216 : i32
    %broadcast_in_dim3A_419 = vector.broadcast %jit3A_418 : i32 to vector<128x512xi32>
    %select_n3A_420 = arith.select %eq3A_417, %iota3A, %broadcast_in_dim3A_419 : vector<128x512xi1>, vector<128x512xi32>
    %reduce_min3A_421 = arith.constant dense<2147483647> : vector<128xi32>
    %reduce_min3A_422 = vector.multi_reduction <minsi>, %select_n3A_420, %reduce_min3A_421 [1] : vector<128x512xi32> to vector<128xi32>
    %broadcast_in_dim3A_423 = vector.shape_cast %reduce_min3A_422 : vector<128xi32> to vector<128x1xi32>
    %eq3A_424 = vector.broadcast %broadcast_in_dim3A_423 : vector<128x1xi32> to vector<128x512xi32>
    %eq3A_425 = arith.cmpi eq, %iota3A, %eq3A_424 : vector<128x512xi32>
    %jit3A_426 = arith.constant 0x7F800000 : f32
    %broadcast_in_dim3A_427 = vector.broadcast %jit3A_426 : f32 to vector<128x512xf32>
    %select_n3A_428 = arith.select %eq3A_425, %broadcast_in_dim3A_427, %select_n3A_412 : vector<128x512xi1>, vector<128x512xf32>
    %reduce_min3A_429 = arith.constant dense<0x7F800000> : vector<128xf32>
    %reduce_min3A_430 = vector.multi_reduction <minimumf>, %select_n3A_428, %reduce_min3A_429 [1] : vector<128x512xf32> to vector<128xf32>
    %broadcast_in_dim3A_431 = vector.shape_cast %reduce_min3A_430 : vector<128xf32> to vector<128x1xf32>
    %eq3A_432 = vector.broadcast %broadcast_in_dim3A_431 : vector<128x1xf32> to vector<128x512xf32>
    %eq3A_433 = arith.cmpf oeq, %select_n3A_428, %eq3A_432 : vector<128x512xf32>
    %jit3A_434 = arith.constant 16777216 : i32
    %broadcast_in_dim3A_435 = vector.broadcast %jit3A_434 : i32 to vector<128x512xi32>
    %select_n3A_436 = arith.select %eq3A_433, %iota3A, %broadcast_in_dim3A_435 : vector<128x512xi1>, vector<128x512xi32>
    %reduce_min3A_437 = arith.constant dense<2147483647> : vector<128xi32>
    %reduce_min3A_438 = vector.multi_reduction <minsi>, %select_n3A_436, %reduce_min3A_437 [1] : vector<128x512xi32> to vector<128xi32>
    %broadcast_in_dim3A_439 = vector.shape_cast %reduce_min3A_438 : vector<128xi32> to vector<128x1xi32>
    %eq3A_440 = vector.broadcast %broadcast_in_dim3A_439 : vector<128x1xi32> to vector<128x512xi32>
    %eq3A_441 = arith.cmpi eq, %iota3A, %eq3A_440 : vector<128x512xi32>
    %jit3A_442 = arith.constant 0x7F800000 : f32
    %broadcast_in_dim3A_443 = vector.broadcast %jit3A_442 : f32 to vector<128x512xf32>
    %select_n3A_444 = arith.select %eq3A_441, %broadcast_in_dim3A_443, %select_n3A_428 : vector<128x512xi1>, vector<128x512xf32>
    %reduce_min3A_445 = arith.constant dense<0x7F800000> : vector<128xf32>
    %reduce_min3A_446 = vector.multi_reduction <minimumf>, %select_n3A_444, %reduce_min3A_445 [1] : vector<128x512xf32> to vector<128xf32>
    %broadcast_in_dim3A_447 = vector.shape_cast %reduce_min3A_446 : vector<128xf32> to vector<128x1xf32>
    %eq3A_448 = vector.broadcast %broadcast_in_dim3A_447 : vector<128x1xf32> to vector<128x512xf32>
    %eq3A_449 = arith.cmpf oeq, %select_n3A_444, %eq3A_448 : vector<128x512xf32>
    %jit3A_450 = arith.constant 16777216 : i32
    %broadcast_in_dim3A_451 = vector.broadcast %jit3A_450 : i32 to vector<128x512xi32>
    %select_n3A_452 = arith.select %eq3A_449, %iota3A, %broadcast_in_dim3A_451 : vector<128x512xi1>, vector<128x512xi32>
    %reduce_min3A_453 = arith.constant dense<2147483647> : vector<128xi32>
    %reduce_min3A_454 = vector.multi_reduction <minsi>, %select_n3A_452, %reduce_min3A_453 [1] : vector<128x512xi32> to vector<128xi32>
    %broadcast_in_dim3A_455 = vector.shape_cast %reduce_min3A_454 : vector<128xi32> to vector<128x1xi32>
    %eq3A_456 = vector.broadcast %broadcast_in_dim3A_455 : vector<128x1xi32> to vector<128x512xi32>
    %eq3A_457 = arith.cmpi eq, %iota3A, %eq3A_456 : vector<128x512xi32>
    %jit3A_458 = arith.constant 0x7F800000 : f32
    %broadcast_in_dim3A_459 = vector.broadcast %jit3A_458 : f32 to vector<128x512xf32>
    %select_n3A_460 = arith.select %eq3A_457, %broadcast_in_dim3A_459, %select_n3A_444 : vector<128x512xi1>, vector<128x512xf32>
    %reduce_min3A_461 = arith.constant dense<0x7F800000> : vector<128xf32>
    %reduce_min3A_462 = vector.multi_reduction <minimumf>, %select_n3A_460, %reduce_min3A_461 [1] : vector<128x512xf32> to vector<128xf32>
    %broadcast_in_dim3A_463 = vector.shape_cast %reduce_min3A_462 : vector<128xf32> to vector<128x1xf32>
    %eq3A_464 = vector.broadcast %broadcast_in_dim3A_463 : vector<128x1xf32> to vector<128x512xf32>
    %eq3A_465 = arith.cmpf oeq, %select_n3A_460, %eq3A_464 : vector<128x512xf32>
    %jit3A_466 = arith.constant 16777216 : i32
    %broadcast_in_dim3A_467 = vector.broadcast %jit3A_466 : i32 to vector<128x512xi32>
    %select_n3A_468 = arith.select %eq3A_465, %iota3A, %broadcast_in_dim3A_467 : vector<128x512xi1>, vector<128x512xi32>
    %reduce_min3A_469 = arith.constant dense<2147483647> : vector<128xi32>
    %reduce_min3A_470 = vector.multi_reduction <minsi>, %select_n3A_468, %reduce_min3A_469 [1] : vector<128x512xi32> to vector<128xi32>
    %broadcast_in_dim3A_471 = vector.shape_cast %reduce_min3A_470 : vector<128xi32> to vector<128x1xi32>
    %eq3A_472 = vector.broadcast %broadcast_in_dim3A_471 : vector<128x1xi32> to vector<128x512xi32>
    %eq3A_473 = arith.cmpi eq, %iota3A, %eq3A_472 : vector<128x512xi32>
    %jit3A_474 = arith.constant 0x7F800000 : f32
    %broadcast_in_dim3A_475 = vector.broadcast %jit3A_474 : f32 to vector<128x512xf32>
    %select_n3A_476 = arith.select %eq3A_473, %broadcast_in_dim3A_475, %select_n3A_460 : vector<128x512xi1>, vector<128x512xf32>
    %reduce_min3A_477 = arith.constant dense<0x7F800000> : vector<128xf32>
    %reduce_min3A_478 = vector.multi_reduction <minimumf>, %select_n3A_476, %reduce_min3A_477 [1] : vector<128x512xf32> to vector<128xf32>
    %broadcast_in_dim3A_479 = vector.shape_cast %reduce_min3A_478 : vector<128xf32> to vector<128x1xf32>
    %eq3A_480 = vector.broadcast %broadcast_in_dim3A_479 : vector<128x1xf32> to vector<128x512xf32>
    %eq3A_481 = arith.cmpf oeq, %select_n3A_476, %eq3A_480 : vector<128x512xf32>
    %jit3A_482 = arith.constant 16777216 : i32
    %broadcast_in_dim3A_483 = vector.broadcast %jit3A_482 : i32 to vector<128x512xi32>
    %select_n3A_484 = arith.select %eq3A_481, %iota3A, %broadcast_in_dim3A_483 : vector<128x512xi1>, vector<128x512xi32>
    %reduce_min3A_485 = arith.constant dense<2147483647> : vector<128xi32>
    %reduce_min3A_486 = vector.multi_reduction <minsi>, %select_n3A_484, %reduce_min3A_485 [1] : vector<128x512xi32> to vector<128xi32>
    %broadcast_in_dim3A_487 = vector.shape_cast %reduce_min3A_486 : vector<128xi32> to vector<128x1xi32>
    %eq3A_488 = vector.broadcast %broadcast_in_dim3A_487 : vector<128x1xi32> to vector<128x512xi32>
    %eq3A_489 = arith.cmpi eq, %iota3A, %eq3A_488 : vector<128x512xi32>
    %jit3A_490 = arith.constant 0x7F800000 : f32
    %broadcast_in_dim3A_491 = vector.broadcast %jit3A_490 : f32 to vector<128x512xf32>
    %select_n3A_492 = arith.select %eq3A_489, %broadcast_in_dim3A_491, %select_n3A_476 : vector<128x512xi1>, vector<128x512xf32>
    %reduce_min3A_493 = arith.constant dense<0x7F800000> : vector<128xf32>
    %reduce_min3A_494 = vector.multi_reduction <minimumf>, %select_n3A_492, %reduce_min3A_493 [1] : vector<128x512xf32> to vector<128xf32>
    %broadcast_in_dim3A_495 = vector.shape_cast %reduce_min3A_494 : vector<128xf32> to vector<128x1xf32>
    %eq3A_496 = vector.broadcast %broadcast_in_dim3A_495 : vector<128x1xf32> to vector<128x512xf32>
    %eq3A_497 = arith.cmpf oeq, %select_n3A_492, %eq3A_496 : vector<128x512xf32>
    %jit3A_498 = arith.constant 16777216 : i32
    %broadcast_in_dim3A_499 = vector.broadcast %jit3A_498 : i32 to vector<128x512xi32>
    %select_n3A_500 = arith.select %eq3A_497, %iota3A, %broadcast_in_dim3A_499 : vector<128x512xi1>, vector<128x512xi32>
    %reduce_min3A_501 = arith.constant dense<2147483647> : vector<128xi32>
    %reduce_min3A_502 = vector.multi_reduction <minsi>, %select_n3A_500, %reduce_min3A_501 [1] : vector<128x512xi32> to vector<128xi32>
    %broadcast_in_dim3A_503 = vector.shape_cast %reduce_min3A_502 : vector<128xi32> to vector<128x1xi32>
    %concatenate3A = tpu.concatenate %broadcast_in_dim3A_7, %broadcast_in_dim3A_23, %broadcast_in_dim3A_39, %broadcast_in_dim3A_55, %broadcast_in_dim3A_71, %broadcast_in_dim3A_87, %broadcast_in_dim3A_103, %broadcast_in_dim3A_119, %broadcast_in_dim3A_135, %broadcast_in_dim3A_151, %broadcast_in_dim3A_167, %broadcast_in_dim3A_183, %broadcast_in_dim3A_199, %broadcast_in_dim3A_215, %broadcast_in_dim3A_231, %broadcast_in_dim3A_247, %broadcast_in_dim3A_263, %broadcast_in_dim3A_279, %broadcast_in_dim3A_295, %broadcast_in_dim3A_311, %broadcast_in_dim3A_327, %broadcast_in_dim3A_343, %broadcast_in_dim3A_359, %broadcast_in_dim3A_375, %broadcast_in_dim3A_391, %broadcast_in_dim3A_407, %broadcast_in_dim3A_423, %broadcast_in_dim3A_439, %broadcast_in_dim3A_455, %broadcast_in_dim3A_471, %broadcast_in_dim3A_487, %broadcast_in_dim3A_503 in 1 : vector<128x1xi32>, vector<128x1xi32>, vector<128x1xi32>, vector<128x1xi32>, vector<128x1xi32>, vector<128x1xi32>, vector<128x1xi32>, vector<128x1xi32>, vector<128x1xi32>, vector<128x1xi32>, vector<128x1xi32>, vector<128x1xi32>, vector<128x1xi32>, vector<128x1xi32>, vector<128x1xi32>, vector<128x1xi32>, vector<128x1xi32>, vector<128x1xi32>, vector<128x1xi32>, vector<128x1xi32>, vector<128x1xi32>, vector<128x1xi32>, vector<128x1xi32>, vector<128x1xi32>, vector<128x1xi32>, vector<128x1xi32>, vector<128x1xi32>, vector<128x1xi32>, vector<128x1xi32>, vector<128x1xi32>, vector<128x1xi32>, vector<128x1xi32> -> vector<128x32xi32>
    %mul3A = arith.constant 128 : i32
    %mul3A_504 = arith.muli %arg0, %mul3A : i32
    %iota3A_505 = tpu.iota {dimensions = array<i32: 0>} : vector<128x32xi32>
    %add3A = vector.broadcast %mul3A_504 : i32 to vector<128x32xi32>
    %add3A_506 = arith.addi %add3A, %iota3A_505 : vector<128x32xi32>
    %mul3A_507 = arith.constant 512 : i32
    %mul3A_508 = vector.broadcast %mul3A_507 : i32 to vector<128x32xi32>
    %mul3A_509 = arith.muli %add3A_506, %mul3A_508 : vector<128x32xi32>
    %add3A_510 = arith.addi %mul3A_509, %concatenate3A : vector<128x32xi32>
    %swap3A = arith.constant 0 : index
    %swap3A_511 = arith.constant 0 : index
    %swap3A_512 = vector.load %arg2[%swap3A, %swap3A_511] : memref<128x32xi32, #tpu.memory_space<vmem>>, vector<128x32xi32>
    tpu.vector_store %arg2[%swap3A, %swap3A_511], %add3A_510 {strides = array<i32>} : memref<128x32xi32, #tpu.memory_space<vmem>>, vector<128x32xi32>,
    %swap3A_513 = arith.constant 0 : index
    %swap3A_514 = arith.constant 0 : index
    %swap3A_515 = vector.load %arg3[%swap3A_513, %swap3A_514] : memref<128x32xi32, #tpu.memory_space<vmem>>, vector<128x32xi32>
    tpu.vector_store %arg3[%swap3A_513, %swap3A_514], %concatenate3A {strides = array<i32>} : memref<128x32xi32, #tpu.memory_space<vmem>>, vector<128x32xi32>,
    return
  }
  func.func @transform_0(%arg0: i32) -> (i32, i32) {
    %c0_i32 = arith.constant 0 : i32
    %c0_i32_0 = arith.constant 0 : i32
    return %arg0, %c0_i32 : i32, i32
  }
  func.func @transform_1(%arg0: i32) -> (i32, i32) {
    %c0_i32 = arith.constant 0 : i32
    %c0_i32_0 = arith.constant 0 : i32
    return %arg0, %c0_i32 : i32, i32
  }
  func.func @transform_2(%arg0: i32) -> (i32, i32) {
    %c0_i32 = arith.constant 0 : i32
    %c0_i32_0 = arith.constant 0 : i32
    return %arg0, %c0_i32 : i32, i32
  }
}

module attributes {stable_mosaic.version = 14 : i64} {
  func.func @_final_kernel(%arg0: i32, %arg1: memref<128x4096xf32, #tpu.memory_space<vmem>>, %arg2: memref<128x4096xf32, #tpu.memory_space<vmem>>, %arg3: memref<128x1xf32, #tpu.memory_space<vmem>>) attributes {dimension_semantics = [#tpu.dimension_semantics<arbitrary>], iteration_bounds = array<i64: 8>, scalar_prefetch = 0 : i64, scratch_operands = 0 : i64, tpu.core_type = #tpu.core_type<tc>, window_params = [{transform_indices = @transform_0, window_bounds = array<i64: 128, 4096>}, {transform_indices = @transform_1, window_bounds = array<i64: 128, 4096>}, {transform_indices = @transform_2, window_bounds = array<i64: 128, 1>}]} {
    %get3A = arith.constant 0 : index
    %get3A_0 = arith.constant 0 : index
    %get3A_1 = vector.load %arg1[%get3A, %get3A_0] : memref<128x4096xf32, #tpu.memory_space<vmem>>, vector<128x4096xf32>
    %get3A_2 = arith.constant 0 : index
    %get3A_3 = arith.constant 0 : index
    %get3A_4 = vector.load %arg2[%get3A_2, %get3A_3] : memref<128x4096xf32, #tpu.memory_space<vmem>>, vector<128x4096xf32>
    %iota3A = tpu.iota {dimensions = array<i32: 1>} : vector<128x4096xi32>
    %broadcast_in_dim3A = arith.constant 0.000000e+00 : f32
    %broadcast_in_dim3A_5 = vector.broadcast %broadcast_in_dim3A : f32 to vector<128x1xf32>
    %broadcast_in_dim3A_6 = arith.constant 0.000000e+00 : f32
    %broadcast_in_dim3A_7 = vector.broadcast %broadcast_in_dim3A_6 : f32 to vector<128x1xf32>
    %reduce_min3A = arith.constant dense<0x7F800000> : vector<128xf32>
    %reduce_min3A_8 = vector.multi_reduction <minimumf>, %get3A_1, %reduce_min3A [1] : vector<128x4096xf32> to vector<128xf32>
    %broadcast_in_dim3A_9 = vector.shape_cast %reduce_min3A_8 : vector<128xf32> to vector<128x1xf32>
    %eq3A = vector.broadcast %broadcast_in_dim3A_9 : vector<128x1xf32> to vector<128x4096xf32>
    %eq3A_10 = arith.cmpf oeq, %get3A_1, %eq3A : vector<128x4096xf32>
    %jit3A = arith.constant 16777216 : i32
    %broadcast_in_dim3A_11 = vector.broadcast %jit3A : i32 to vector<128x4096xi32>
    %select_n3A = arith.select %eq3A_10, %iota3A, %broadcast_in_dim3A_11 : vector<128x4096xi1>, vector<128x4096xi32>
    %reduce_min3A_12 = arith.constant dense<2147483647> : vector<128xi32>
    %reduce_min3A_13 = vector.multi_reduction <minsi>, %select_n3A, %reduce_min3A_12 [1] : vector<128x4096xi32> to vector<128xi32>
    %broadcast_in_dim3A_14 = vector.shape_cast %reduce_min3A_13 : vector<128xi32> to vector<128x1xi32>
    %eq3A_15 = vector.broadcast %broadcast_in_dim3A_14 : vector<128x1xi32> to vector<128x4096xi32>
    %eq3A_16 = arith.cmpi eq, %iota3A, %eq3A_15 : vector<128x4096xi32>
    %jit3A_17 = arith.constant 0.000000e+00 : f32
    %broadcast_in_dim3A_18 = vector.broadcast %jit3A_17 : f32 to vector<128x4096xf32>
    %select_n3A_19 = arith.select %eq3A_16, %get3A_4, %broadcast_in_dim3A_18 : vector<128x4096xi1>, vector<128x4096xf32>
    %reduce_sum3A = arith.constant dense<0.000000e+00> : vector<128xf32>
    %reduce_sum3A_20 = vector.multi_reduction <add>, %select_n3A_19, %reduce_sum3A [1] : vector<128x4096xf32> to vector<128xf32>
    %broadcast_in_dim3A_21 = vector.shape_cast %reduce_sum3A_20 : vector<128xf32> to vector<128x1xf32>
    %add3A = arith.constant 1.000000e-03 : f32
    %add3A_22 = vector.broadcast %add3A : f32 to vector<128x1xf32>
    %add3A_23 = arith.addf %broadcast_in_dim3A_9, %add3A_22 : vector<128x1xf32>
    %div3A = arith.constant 1.000000e+00 : f32
    %div3A_24 = vector.broadcast %div3A : f32 to vector<128x1xf32>
    %div3A_25 = arith.divf %div3A_24, %add3A_23 : vector<128x1xf32>
    %add3A_26 = arith.addf %broadcast_in_dim3A_5, %div3A_25 : vector<128x1xf32>
    %mul3A = arith.mulf %div3A_25, %broadcast_in_dim3A_21 : vector<128x1xf32>
    %add3A_27 = arith.addf %broadcast_in_dim3A_7, %mul3A : vector<128x1xf32>
    %jit3A_28 = arith.constant 0x7F800000 : f32
    %broadcast_in_dim3A_29 = vector.broadcast %jit3A_28 : f32 to vector<128x4096xf32>
    %select_n3A_30 = arith.select %eq3A_16, %broadcast_in_dim3A_29, %get3A_1 : vector<128x4096xi1>, vector<128x4096xf32>
    %reduce_min3A_31 = arith.constant dense<0x7F800000> : vector<128xf32>
    %reduce_min3A_32 = vector.multi_reduction <minimumf>, %select_n3A_30, %reduce_min3A_31 [1] : vector<128x4096xf32> to vector<128xf32>
    %broadcast_in_dim3A_33 = vector.shape_cast %reduce_min3A_32 : vector<128xf32> to vector<128x1xf32>
    %eq3A_34 = vector.broadcast %broadcast_in_dim3A_33 : vector<128x1xf32> to vector<128x4096xf32>
    %eq3A_35 = arith.cmpf oeq, %select_n3A_30, %eq3A_34 : vector<128x4096xf32>
    %jit3A_36 = arith.constant 16777216 : i32
    %broadcast_in_dim3A_37 = vector.broadcast %jit3A_36 : i32 to vector<128x4096xi32>
    %select_n3A_38 = arith.select %eq3A_35, %iota3A, %broadcast_in_dim3A_37 : vector<128x4096xi1>, vector<128x4096xi32>
    %reduce_min3A_39 = arith.constant dense<2147483647> : vector<128xi32>
    %reduce_min3A_40 = vector.multi_reduction <minsi>, %select_n3A_38, %reduce_min3A_39 [1] : vector<128x4096xi32> to vector<128xi32>
    %broadcast_in_dim3A_41 = vector.shape_cast %reduce_min3A_40 : vector<128xi32> to vector<128x1xi32>
    %eq3A_42 = vector.broadcast %broadcast_in_dim3A_41 : vector<128x1xi32> to vector<128x4096xi32>
    %eq3A_43 = arith.cmpi eq, %iota3A, %eq3A_42 : vector<128x4096xi32>
    %jit3A_44 = arith.constant 0.000000e+00 : f32
    %broadcast_in_dim3A_45 = vector.broadcast %jit3A_44 : f32 to vector<128x4096xf32>
    %select_n3A_46 = arith.select %eq3A_43, %get3A_4, %broadcast_in_dim3A_45 : vector<128x4096xi1>, vector<128x4096xf32>
    %reduce_sum3A_47 = arith.constant dense<0.000000e+00> : vector<128xf32>
    %reduce_sum3A_48 = vector.multi_reduction <add>, %select_n3A_46, %reduce_sum3A_47 [1] : vector<128x4096xf32> to vector<128xf32>
    %broadcast_in_dim3A_49 = vector.shape_cast %reduce_sum3A_48 : vector<128xf32> to vector<128x1xf32>
    %add3A_50 = arith.constant 1.000000e-03 : f32
    %add3A_51 = vector.broadcast %add3A_50 : f32 to vector<128x1xf32>
    %add3A_52 = arith.addf %broadcast_in_dim3A_33, %add3A_51 : vector<128x1xf32>
    %div3A_53 = arith.constant 1.000000e+00 : f32
    %div3A_54 = vector.broadcast %div3A_53 : f32 to vector<128x1xf32>
    %div3A_55 = arith.divf %div3A_54, %add3A_52 : vector<128x1xf32>
    %add3A_56 = arith.addf %add3A_26, %div3A_55 : vector<128x1xf32>
    %mul3A_57 = arith.mulf %div3A_55, %broadcast_in_dim3A_49 : vector<128x1xf32>
    %add3A_58 = arith.addf %add3A_27, %mul3A_57 : vector<128x1xf32>
    %jit3A_59 = arith.constant 0x7F800000 : f32
    %broadcast_in_dim3A_60 = vector.broadcast %jit3A_59 : f32 to vector<128x4096xf32>
    %select_n3A_61 = arith.select %eq3A_43, %broadcast_in_dim3A_60, %select_n3A_30 : vector<128x4096xi1>, vector<128x4096xf32>
    %reduce_min3A_62 = arith.constant dense<0x7F800000> : vector<128xf32>
    %reduce_min3A_63 = vector.multi_reduction <minimumf>, %select_n3A_61, %reduce_min3A_62 [1] : vector<128x4096xf32> to vector<128xf32>
    %broadcast_in_dim3A_64 = vector.shape_cast %reduce_min3A_63 : vector<128xf32> to vector<128x1xf32>
    %eq3A_65 = vector.broadcast %broadcast_in_dim3A_64 : vector<128x1xf32> to vector<128x4096xf32>
    %eq3A_66 = arith.cmpf oeq, %select_n3A_61, %eq3A_65 : vector<128x4096xf32>
    %jit3A_67 = arith.constant 16777216 : i32
    %broadcast_in_dim3A_68 = vector.broadcast %jit3A_67 : i32 to vector<128x4096xi32>
    %select_n3A_69 = arith.select %eq3A_66, %iota3A, %broadcast_in_dim3A_68 : vector<128x4096xi1>, vector<128x4096xi32>
    %reduce_min3A_70 = arith.constant dense<2147483647> : vector<128xi32>
    %reduce_min3A_71 = vector.multi_reduction <minsi>, %select_n3A_69, %reduce_min3A_70 [1] : vector<128x4096xi32> to vector<128xi32>
    %broadcast_in_dim3A_72 = vector.shape_cast %reduce_min3A_71 : vector<128xi32> to vector<128x1xi32>
    %eq3A_73 = vector.broadcast %broadcast_in_dim3A_72 : vector<128x1xi32> to vector<128x4096xi32>
    %eq3A_74 = arith.cmpi eq, %iota3A, %eq3A_73 : vector<128x4096xi32>
    %jit3A_75 = arith.constant 0.000000e+00 : f32
    %broadcast_in_dim3A_76 = vector.broadcast %jit3A_75 : f32 to vector<128x4096xf32>
    %select_n3A_77 = arith.select %eq3A_74, %get3A_4, %broadcast_in_dim3A_76 : vector<128x4096xi1>, vector<128x4096xf32>
    %reduce_sum3A_78 = arith.constant dense<0.000000e+00> : vector<128xf32>
    %reduce_sum3A_79 = vector.multi_reduction <add>, %select_n3A_77, %reduce_sum3A_78 [1] : vector<128x4096xf32> to vector<128xf32>
    %broadcast_in_dim3A_80 = vector.shape_cast %reduce_sum3A_79 : vector<128xf32> to vector<128x1xf32>
    %add3A_81 = arith.constant 1.000000e-03 : f32
    %add3A_82 = vector.broadcast %add3A_81 : f32 to vector<128x1xf32>
    %add3A_83 = arith.addf %broadcast_in_dim3A_64, %add3A_82 : vector<128x1xf32>
    %div3A_84 = arith.constant 1.000000e+00 : f32
    %div3A_85 = vector.broadcast %div3A_84 : f32 to vector<128x1xf32>
    %div3A_86 = arith.divf %div3A_85, %add3A_83 : vector<128x1xf32>
    %add3A_87 = arith.addf %add3A_56, %div3A_86 : vector<128x1xf32>
    %mul3A_88 = arith.mulf %div3A_86, %broadcast_in_dim3A_80 : vector<128x1xf32>
    %add3A_89 = arith.addf %add3A_58, %mul3A_88 : vector<128x1xf32>
    %jit3A_90 = arith.constant 0x7F800000 : f32
    %broadcast_in_dim3A_91 = vector.broadcast %jit3A_90 : f32 to vector<128x4096xf32>
    %select_n3A_92 = arith.select %eq3A_74, %broadcast_in_dim3A_91, %select_n3A_61 : vector<128x4096xi1>, vector<128x4096xf32>
    %reduce_min3A_93 = arith.constant dense<0x7F800000> : vector<128xf32>
    %reduce_min3A_94 = vector.multi_reduction <minimumf>, %select_n3A_92, %reduce_min3A_93 [1] : vector<128x4096xf32> to vector<128xf32>
    %broadcast_in_dim3A_95 = vector.shape_cast %reduce_min3A_94 : vector<128xf32> to vector<128x1xf32>
    %eq3A_96 = vector.broadcast %broadcast_in_dim3A_95 : vector<128x1xf32> to vector<128x4096xf32>
    %eq3A_97 = arith.cmpf oeq, %select_n3A_92, %eq3A_96 : vector<128x4096xf32>
    %jit3A_98 = arith.constant 16777216 : i32
    %broadcast_in_dim3A_99 = vector.broadcast %jit3A_98 : i32 to vector<128x4096xi32>
    %select_n3A_100 = arith.select %eq3A_97, %iota3A, %broadcast_in_dim3A_99 : vector<128x4096xi1>, vector<128x4096xi32>
    %reduce_min3A_101 = arith.constant dense<2147483647> : vector<128xi32>
    %reduce_min3A_102 = vector.multi_reduction <minsi>, %select_n3A_100, %reduce_min3A_101 [1] : vector<128x4096xi32> to vector<128xi32>
    %broadcast_in_dim3A_103 = vector.shape_cast %reduce_min3A_102 : vector<128xi32> to vector<128x1xi32>
    %eq3A_104 = vector.broadcast %broadcast_in_dim3A_103 : vector<128x1xi32> to vector<128x4096xi32>
    %eq3A_105 = arith.cmpi eq, %iota3A, %eq3A_104 : vector<128x4096xi32>
    %jit3A_106 = arith.constant 0.000000e+00 : f32
    %broadcast_in_dim3A_107 = vector.broadcast %jit3A_106 : f32 to vector<128x4096xf32>
    %select_n3A_108 = arith.select %eq3A_105, %get3A_4, %broadcast_in_dim3A_107 : vector<128x4096xi1>, vector<128x4096xf32>
    %reduce_sum3A_109 = arith.constant dense<0.000000e+00> : vector<128xf32>
    %reduce_sum3A_110 = vector.multi_reduction <add>, %select_n3A_108, %reduce_sum3A_109 [1] : vector<128x4096xf32> to vector<128xf32>
    %broadcast_in_dim3A_111 = vector.shape_cast %reduce_sum3A_110 : vector<128xf32> to vector<128x1xf32>
    %add3A_112 = arith.constant 1.000000e-03 : f32
    %add3A_113 = vector.broadcast %add3A_112 : f32 to vector<128x1xf32>
    %add3A_114 = arith.addf %broadcast_in_dim3A_95, %add3A_113 : vector<128x1xf32>
    %div3A_115 = arith.constant 1.000000e+00 : f32
    %div3A_116 = vector.broadcast %div3A_115 : f32 to vector<128x1xf32>
    %div3A_117 = arith.divf %div3A_116, %add3A_114 : vector<128x1xf32>
    %add3A_118 = arith.addf %add3A_87, %div3A_117 : vector<128x1xf32>
    %mul3A_119 = arith.mulf %div3A_117, %broadcast_in_dim3A_111 : vector<128x1xf32>
    %add3A_120 = arith.addf %add3A_89, %mul3A_119 : vector<128x1xf32>
    %jit3A_121 = arith.constant 0x7F800000 : f32
    %broadcast_in_dim3A_122 = vector.broadcast %jit3A_121 : f32 to vector<128x4096xf32>
    %select_n3A_123 = arith.select %eq3A_105, %broadcast_in_dim3A_122, %select_n3A_92 : vector<128x4096xi1>, vector<128x4096xf32>
    %reduce_min3A_124 = arith.constant dense<0x7F800000> : vector<128xf32>
    %reduce_min3A_125 = vector.multi_reduction <minimumf>, %select_n3A_123, %reduce_min3A_124 [1] : vector<128x4096xf32> to vector<128xf32>
    %broadcast_in_dim3A_126 = vector.shape_cast %reduce_min3A_125 : vector<128xf32> to vector<128x1xf32>
    %eq3A_127 = vector.broadcast %broadcast_in_dim3A_126 : vector<128x1xf32> to vector<128x4096xf32>
    %eq3A_128 = arith.cmpf oeq, %select_n3A_123, %eq3A_127 : vector<128x4096xf32>
    %jit3A_129 = arith.constant 16777216 : i32
    %broadcast_in_dim3A_130 = vector.broadcast %jit3A_129 : i32 to vector<128x4096xi32>
    %select_n3A_131 = arith.select %eq3A_128, %iota3A, %broadcast_in_dim3A_130 : vector<128x4096xi1>, vector<128x4096xi32>
    %reduce_min3A_132 = arith.constant dense<2147483647> : vector<128xi32>
    %reduce_min3A_133 = vector.multi_reduction <minsi>, %select_n3A_131, %reduce_min3A_132 [1] : vector<128x4096xi32> to vector<128xi32>
    %broadcast_in_dim3A_134 = vector.shape_cast %reduce_min3A_133 : vector<128xi32> to vector<128x1xi32>
    %eq3A_135 = vector.broadcast %broadcast_in_dim3A_134 : vector<128x1xi32> to vector<128x4096xi32>
    %eq3A_136 = arith.cmpi eq, %iota3A, %eq3A_135 : vector<128x4096xi32>
    %jit3A_137 = arith.constant 0.000000e+00 : f32
    %broadcast_in_dim3A_138 = vector.broadcast %jit3A_137 : f32 to vector<128x4096xf32>
    %select_n3A_139 = arith.select %eq3A_136, %get3A_4, %broadcast_in_dim3A_138 : vector<128x4096xi1>, vector<128x4096xf32>
    %reduce_sum3A_140 = arith.constant dense<0.000000e+00> : vector<128xf32>
    %reduce_sum3A_141 = vector.multi_reduction <add>, %select_n3A_139, %reduce_sum3A_140 [1] : vector<128x4096xf32> to vector<128xf32>
    %broadcast_in_dim3A_142 = vector.shape_cast %reduce_sum3A_141 : vector<128xf32> to vector<128x1xf32>
    %add3A_143 = arith.constant 1.000000e-03 : f32
    %add3A_144 = vector.broadcast %add3A_143 : f32 to vector<128x1xf32>
    %add3A_145 = arith.addf %broadcast_in_dim3A_126, %add3A_144 : vector<128x1xf32>
    %div3A_146 = arith.constant 1.000000e+00 : f32
    %div3A_147 = vector.broadcast %div3A_146 : f32 to vector<128x1xf32>
    %div3A_148 = arith.divf %div3A_147, %add3A_145 : vector<128x1xf32>
    %add3A_149 = arith.addf %add3A_118, %div3A_148 : vector<128x1xf32>
    %mul3A_150 = arith.mulf %div3A_148, %broadcast_in_dim3A_142 : vector<128x1xf32>
    %add3A_151 = arith.addf %add3A_120, %mul3A_150 : vector<128x1xf32>
    %jit3A_152 = arith.constant 0x7F800000 : f32
    %broadcast_in_dim3A_153 = vector.broadcast %jit3A_152 : f32 to vector<128x4096xf32>
    %select_n3A_154 = arith.select %eq3A_136, %broadcast_in_dim3A_153, %select_n3A_123 : vector<128x4096xi1>, vector<128x4096xf32>
    %reduce_min3A_155 = arith.constant dense<0x7F800000> : vector<128xf32>
    %reduce_min3A_156 = vector.multi_reduction <minimumf>, %select_n3A_154, %reduce_min3A_155 [1] : vector<128x4096xf32> to vector<128xf32>
    %broadcast_in_dim3A_157 = vector.shape_cast %reduce_min3A_156 : vector<128xf32> to vector<128x1xf32>
    %eq3A_158 = vector.broadcast %broadcast_in_dim3A_157 : vector<128x1xf32> to vector<128x4096xf32>
    %eq3A_159 = arith.cmpf oeq, %select_n3A_154, %eq3A_158 : vector<128x4096xf32>
    %jit3A_160 = arith.constant 16777216 : i32
    %broadcast_in_dim3A_161 = vector.broadcast %jit3A_160 : i32 to vector<128x4096xi32>
    %select_n3A_162 = arith.select %eq3A_159, %iota3A, %broadcast_in_dim3A_161 : vector<128x4096xi1>, vector<128x4096xi32>
    %reduce_min3A_163 = arith.constant dense<2147483647> : vector<128xi32>
    %reduce_min3A_164 = vector.multi_reduction <minsi>, %select_n3A_162, %reduce_min3A_163 [1] : vector<128x4096xi32> to vector<128xi32>
    %broadcast_in_dim3A_165 = vector.shape_cast %reduce_min3A_164 : vector<128xi32> to vector<128x1xi32>
    %eq3A_166 = vector.broadcast %broadcast_in_dim3A_165 : vector<128x1xi32> to vector<128x4096xi32>
    %eq3A_167 = arith.cmpi eq, %iota3A, %eq3A_166 : vector<128x4096xi32>
    %jit3A_168 = arith.constant 0.000000e+00 : f32
    %broadcast_in_dim3A_169 = vector.broadcast %jit3A_168 : f32 to vector<128x4096xf32>
    %select_n3A_170 = arith.select %eq3A_167, %get3A_4, %broadcast_in_dim3A_169 : vector<128x4096xi1>, vector<128x4096xf32>
    %reduce_sum3A_171 = arith.constant dense<0.000000e+00> : vector<128xf32>
    %reduce_sum3A_172 = vector.multi_reduction <add>, %select_n3A_170, %reduce_sum3A_171 [1] : vector<128x4096xf32> to vector<128xf32>
    %broadcast_in_dim3A_173 = vector.shape_cast %reduce_sum3A_172 : vector<128xf32> to vector<128x1xf32>
    %add3A_174 = arith.constant 1.000000e-03 : f32
    %add3A_175 = vector.broadcast %add3A_174 : f32 to vector<128x1xf32>
    %add3A_176 = arith.addf %broadcast_in_dim3A_157, %add3A_175 : vector<128x1xf32>
    %div3A_177 = arith.constant 1.000000e+00 : f32
    %div3A_178 = vector.broadcast %div3A_177 : f32 to vector<128x1xf32>
    %div3A_179 = arith.divf %div3A_178, %add3A_176 : vector<128x1xf32>
    %add3A_180 = arith.addf %add3A_149, %div3A_179 : vector<128x1xf32>
    %mul3A_181 = arith.mulf %div3A_179, %broadcast_in_dim3A_173 : vector<128x1xf32>
    %add3A_182 = arith.addf %add3A_151, %mul3A_181 : vector<128x1xf32>
    %jit3A_183 = arith.constant 0x7F800000 : f32
    %broadcast_in_dim3A_184 = vector.broadcast %jit3A_183 : f32 to vector<128x4096xf32>
    %select_n3A_185 = arith.select %eq3A_167, %broadcast_in_dim3A_184, %select_n3A_154 : vector<128x4096xi1>, vector<128x4096xf32>
    %reduce_min3A_186 = arith.constant dense<0x7F800000> : vector<128xf32>
    %reduce_min3A_187 = vector.multi_reduction <minimumf>, %select_n3A_185, %reduce_min3A_186 [1] : vector<128x4096xf32> to vector<128xf32>
    %broadcast_in_dim3A_188 = vector.shape_cast %reduce_min3A_187 : vector<128xf32> to vector<128x1xf32>
    %eq3A_189 = vector.broadcast %broadcast_in_dim3A_188 : vector<128x1xf32> to vector<128x4096xf32>
    %eq3A_190 = arith.cmpf oeq, %select_n3A_185, %eq3A_189 : vector<128x4096xf32>
    %jit3A_191 = arith.constant 16777216 : i32
    %broadcast_in_dim3A_192 = vector.broadcast %jit3A_191 : i32 to vector<128x4096xi32>
    %select_n3A_193 = arith.select %eq3A_190, %iota3A, %broadcast_in_dim3A_192 : vector<128x4096xi1>, vector<128x4096xi32>
    %reduce_min3A_194 = arith.constant dense<2147483647> : vector<128xi32>
    %reduce_min3A_195 = vector.multi_reduction <minsi>, %select_n3A_193, %reduce_min3A_194 [1] : vector<128x4096xi32> to vector<128xi32>
    %broadcast_in_dim3A_196 = vector.shape_cast %reduce_min3A_195 : vector<128xi32> to vector<128x1xi32>
    %eq3A_197 = vector.broadcast %broadcast_in_dim3A_196 : vector<128x1xi32> to vector<128x4096xi32>
    %eq3A_198 = arith.cmpi eq, %iota3A, %eq3A_197 : vector<128x4096xi32>
    %jit3A_199 = arith.constant 0.000000e+00 : f32
    %broadcast_in_dim3A_200 = vector.broadcast %jit3A_199 : f32 to vector<128x4096xf32>
    %select_n3A_201 = arith.select %eq3A_198, %get3A_4, %broadcast_in_dim3A_200 : vector<128x4096xi1>, vector<128x4096xf32>
    %reduce_sum3A_202 = arith.constant dense<0.000000e+00> : vector<128xf32>
    %reduce_sum3A_203 = vector.multi_reduction <add>, %select_n3A_201, %reduce_sum3A_202 [1] : vector<128x4096xf32> to vector<128xf32>
    %broadcast_in_dim3A_204 = vector.shape_cast %reduce_sum3A_203 : vector<128xf32> to vector<128x1xf32>
    %add3A_205 = arith.constant 1.000000e-03 : f32
    %add3A_206 = vector.broadcast %add3A_205 : f32 to vector<128x1xf32>
    %add3A_207 = arith.addf %broadcast_in_dim3A_188, %add3A_206 : vector<128x1xf32>
    %div3A_208 = arith.constant 1.000000e+00 : f32
    %div3A_209 = vector.broadcast %div3A_208 : f32 to vector<128x1xf32>
    %div3A_210 = arith.divf %div3A_209, %add3A_207 : vector<128x1xf32>
    %add3A_211 = arith.addf %add3A_180, %div3A_210 : vector<128x1xf32>
    %mul3A_212 = arith.mulf %div3A_210, %broadcast_in_dim3A_204 : vector<128x1xf32>
    %add3A_213 = arith.addf %add3A_182, %mul3A_212 : vector<128x1xf32>
    %jit3A_214 = arith.constant 0x7F800000 : f32
    %broadcast_in_dim3A_215 = vector.broadcast %jit3A_214 : f32 to vector<128x4096xf32>
    %select_n3A_216 = arith.select %eq3A_198, %broadcast_in_dim3A_215, %select_n3A_185 : vector<128x4096xi1>, vector<128x4096xf32>
    %reduce_min3A_217 = arith.constant dense<0x7F800000> : vector<128xf32>
    %reduce_min3A_218 = vector.multi_reduction <minimumf>, %select_n3A_216, %reduce_min3A_217 [1] : vector<128x4096xf32> to vector<128xf32>
    %broadcast_in_dim3A_219 = vector.shape_cast %reduce_min3A_218 : vector<128xf32> to vector<128x1xf32>
    %eq3A_220 = vector.broadcast %broadcast_in_dim3A_219 : vector<128x1xf32> to vector<128x4096xf32>
    %eq3A_221 = arith.cmpf oeq, %select_n3A_216, %eq3A_220 : vector<128x4096xf32>
    %jit3A_222 = arith.constant 16777216 : i32
    %broadcast_in_dim3A_223 = vector.broadcast %jit3A_222 : i32 to vector<128x4096xi32>
    %select_n3A_224 = arith.select %eq3A_221, %iota3A, %broadcast_in_dim3A_223 : vector<128x4096xi1>, vector<128x4096xi32>
    %reduce_min3A_225 = arith.constant dense<2147483647> : vector<128xi32>
    %reduce_min3A_226 = vector.multi_reduction <minsi>, %select_n3A_224, %reduce_min3A_225 [1] : vector<128x4096xi32> to vector<128xi32>
    %broadcast_in_dim3A_227 = vector.shape_cast %reduce_min3A_226 : vector<128xi32> to vector<128x1xi32>
    %eq3A_228 = vector.broadcast %broadcast_in_dim3A_227 : vector<128x1xi32> to vector<128x4096xi32>
    %eq3A_229 = arith.cmpi eq, %iota3A, %eq3A_228 : vector<128x4096xi32>
    %jit3A_230 = arith.constant 0.000000e+00 : f32
    %broadcast_in_dim3A_231 = vector.broadcast %jit3A_230 : f32 to vector<128x4096xf32>
    %select_n3A_232 = arith.select %eq3A_229, %get3A_4, %broadcast_in_dim3A_231 : vector<128x4096xi1>, vector<128x4096xf32>
    %reduce_sum3A_233 = arith.constant dense<0.000000e+00> : vector<128xf32>
    %reduce_sum3A_234 = vector.multi_reduction <add>, %select_n3A_232, %reduce_sum3A_233 [1] : vector<128x4096xf32> to vector<128xf32>
    %broadcast_in_dim3A_235 = vector.shape_cast %reduce_sum3A_234 : vector<128xf32> to vector<128x1xf32>
    %add3A_236 = arith.constant 1.000000e-03 : f32
    %add3A_237 = vector.broadcast %add3A_236 : f32 to vector<128x1xf32>
    %add3A_238 = arith.addf %broadcast_in_dim3A_219, %add3A_237 : vector<128x1xf32>
    %div3A_239 = arith.constant 1.000000e+00 : f32
    %div3A_240 = vector.broadcast %div3A_239 : f32 to vector<128x1xf32>
    %div3A_241 = arith.divf %div3A_240, %add3A_238 : vector<128x1xf32>
    %add3A_242 = arith.addf %add3A_211, %div3A_241 : vector<128x1xf32>
    %mul3A_243 = arith.mulf %div3A_241, %broadcast_in_dim3A_235 : vector<128x1xf32>
    %add3A_244 = arith.addf %add3A_213, %mul3A_243 : vector<128x1xf32>
    %jit3A_245 = arith.constant 0x7F800000 : f32
    %broadcast_in_dim3A_246 = vector.broadcast %jit3A_245 : f32 to vector<128x4096xf32>
    %select_n3A_247 = arith.select %eq3A_229, %broadcast_in_dim3A_246, %select_n3A_216 : vector<128x4096xi1>, vector<128x4096xf32>
    %reduce_min3A_248 = arith.constant dense<0x7F800000> : vector<128xf32>
    %reduce_min3A_249 = vector.multi_reduction <minimumf>, %select_n3A_247, %reduce_min3A_248 [1] : vector<128x4096xf32> to vector<128xf32>
    %broadcast_in_dim3A_250 = vector.shape_cast %reduce_min3A_249 : vector<128xf32> to vector<128x1xf32>
    %eq3A_251 = vector.broadcast %broadcast_in_dim3A_250 : vector<128x1xf32> to vector<128x4096xf32>
    %eq3A_252 = arith.cmpf oeq, %select_n3A_247, %eq3A_251 : vector<128x4096xf32>
    %jit3A_253 = arith.constant 16777216 : i32
    %broadcast_in_dim3A_254 = vector.broadcast %jit3A_253 : i32 to vector<128x4096xi32>
    %select_n3A_255 = arith.select %eq3A_252, %iota3A, %broadcast_in_dim3A_254 : vector<128x4096xi1>, vector<128x4096xi32>
    %reduce_min3A_256 = arith.constant dense<2147483647> : vector<128xi32>
    %reduce_min3A_257 = vector.multi_reduction <minsi>, %select_n3A_255, %reduce_min3A_256 [1] : vector<128x4096xi32> to vector<128xi32>
    %broadcast_in_dim3A_258 = vector.shape_cast %reduce_min3A_257 : vector<128xi32> to vector<128x1xi32>
    %eq3A_259 = vector.broadcast %broadcast_in_dim3A_258 : vector<128x1xi32> to vector<128x4096xi32>
    %eq3A_260 = arith.cmpi eq, %iota3A, %eq3A_259 : vector<128x4096xi32>
    %jit3A_261 = arith.constant 0.000000e+00 : f32
    %broadcast_in_dim3A_262 = vector.broadcast %jit3A_261 : f32 to vector<128x4096xf32>
    %select_n3A_263 = arith.select %eq3A_260, %get3A_4, %broadcast_in_dim3A_262 : vector<128x4096xi1>, vector<128x4096xf32>
    %reduce_sum3A_264 = arith.constant dense<0.000000e+00> : vector<128xf32>
    %reduce_sum3A_265 = vector.multi_reduction <add>, %select_n3A_263, %reduce_sum3A_264 [1] : vector<128x4096xf32> to vector<128xf32>
    %broadcast_in_dim3A_266 = vector.shape_cast %reduce_sum3A_265 : vector<128xf32> to vector<128x1xf32>
    %add3A_267 = arith.constant 1.000000e-03 : f32
    %add3A_268 = vector.broadcast %add3A_267 : f32 to vector<128x1xf32>
    %add3A_269 = arith.addf %broadcast_in_dim3A_250, %add3A_268 : vector<128x1xf32>
    %div3A_270 = arith.constant 1.000000e+00 : f32
    %div3A_271 = vector.broadcast %div3A_270 : f32 to vector<128x1xf32>
    %div3A_272 = arith.divf %div3A_271, %add3A_269 : vector<128x1xf32>
    %add3A_273 = arith.addf %add3A_242, %div3A_272 : vector<128x1xf32>
    %mul3A_274 = arith.mulf %div3A_272, %broadcast_in_dim3A_266 : vector<128x1xf32>
    %add3A_275 = arith.addf %add3A_244, %mul3A_274 : vector<128x1xf32>
    %jit3A_276 = arith.constant 0x7F800000 : f32
    %broadcast_in_dim3A_277 = vector.broadcast %jit3A_276 : f32 to vector<128x4096xf32>
    %select_n3A_278 = arith.select %eq3A_260, %broadcast_in_dim3A_277, %select_n3A_247 : vector<128x4096xi1>, vector<128x4096xf32>
    %reduce_min3A_279 = arith.constant dense<0x7F800000> : vector<128xf32>
    %reduce_min3A_280 = vector.multi_reduction <minimumf>, %select_n3A_278, %reduce_min3A_279 [1] : vector<128x4096xf32> to vector<128xf32>
    %broadcast_in_dim3A_281 = vector.shape_cast %reduce_min3A_280 : vector<128xf32> to vector<128x1xf32>
    %eq3A_282 = vector.broadcast %broadcast_in_dim3A_281 : vector<128x1xf32> to vector<128x4096xf32>
    %eq3A_283 = arith.cmpf oeq, %select_n3A_278, %eq3A_282 : vector<128x4096xf32>
    %jit3A_284 = arith.constant 16777216 : i32
    %broadcast_in_dim3A_285 = vector.broadcast %jit3A_284 : i32 to vector<128x4096xi32>
    %select_n3A_286 = arith.select %eq3A_283, %iota3A, %broadcast_in_dim3A_285 : vector<128x4096xi1>, vector<128x4096xi32>
    %reduce_min3A_287 = arith.constant dense<2147483647> : vector<128xi32>
    %reduce_min3A_288 = vector.multi_reduction <minsi>, %select_n3A_286, %reduce_min3A_287 [1] : vector<128x4096xi32> to vector<128xi32>
    %broadcast_in_dim3A_289 = vector.shape_cast %reduce_min3A_288 : vector<128xi32> to vector<128x1xi32>
    %eq3A_290 = vector.broadcast %broadcast_in_dim3A_289 : vector<128x1xi32> to vector<128x4096xi32>
    %eq3A_291 = arith.cmpi eq, %iota3A, %eq3A_290 : vector<128x4096xi32>
    %jit3A_292 = arith.constant 0.000000e+00 : f32
    %broadcast_in_dim3A_293 = vector.broadcast %jit3A_292 : f32 to vector<128x4096xf32>
    %select_n3A_294 = arith.select %eq3A_291, %get3A_4, %broadcast_in_dim3A_293 : vector<128x4096xi1>, vector<128x4096xf32>
    %reduce_sum3A_295 = arith.constant dense<0.000000e+00> : vector<128xf32>
    %reduce_sum3A_296 = vector.multi_reduction <add>, %select_n3A_294, %reduce_sum3A_295 [1] : vector<128x4096xf32> to vector<128xf32>
    %broadcast_in_dim3A_297 = vector.shape_cast %reduce_sum3A_296 : vector<128xf32> to vector<128x1xf32>
    %add3A_298 = arith.constant 1.000000e-03 : f32
    %add3A_299 = vector.broadcast %add3A_298 : f32 to vector<128x1xf32>
    %add3A_300 = arith.addf %broadcast_in_dim3A_281, %add3A_299 : vector<128x1xf32>
    %div3A_301 = arith.constant 1.000000e+00 : f32
    %div3A_302 = vector.broadcast %div3A_301 : f32 to vector<128x1xf32>
    %div3A_303 = arith.divf %div3A_302, %add3A_300 : vector<128x1xf32>
    %add3A_304 = arith.addf %add3A_273, %div3A_303 : vector<128x1xf32>
    %mul3A_305 = arith.mulf %div3A_303, %broadcast_in_dim3A_297 : vector<128x1xf32>
    %add3A_306 = arith.addf %add3A_275, %mul3A_305 : vector<128x1xf32>
    %jit3A_307 = arith.constant 0x7F800000 : f32
    %broadcast_in_dim3A_308 = vector.broadcast %jit3A_307 : f32 to vector<128x4096xf32>
    %select_n3A_309 = arith.select %eq3A_291, %broadcast_in_dim3A_308, %select_n3A_278 : vector<128x4096xi1>, vector<128x4096xf32>
    %reduce_min3A_310 = arith.constant dense<0x7F800000> : vector<128xf32>
    %reduce_min3A_311 = vector.multi_reduction <minimumf>, %select_n3A_309, %reduce_min3A_310 [1] : vector<128x4096xf32> to vector<128xf32>
    %broadcast_in_dim3A_312 = vector.shape_cast %reduce_min3A_311 : vector<128xf32> to vector<128x1xf32>
    %eq3A_313 = vector.broadcast %broadcast_in_dim3A_312 : vector<128x1xf32> to vector<128x4096xf32>
    %eq3A_314 = arith.cmpf oeq, %select_n3A_309, %eq3A_313 : vector<128x4096xf32>
    %jit3A_315 = arith.constant 16777216 : i32
    %broadcast_in_dim3A_316 = vector.broadcast %jit3A_315 : i32 to vector<128x4096xi32>
    %select_n3A_317 = arith.select %eq3A_314, %iota3A, %broadcast_in_dim3A_316 : vector<128x4096xi1>, vector<128x4096xi32>
    %reduce_min3A_318 = arith.constant dense<2147483647> : vector<128xi32>
    %reduce_min3A_319 = vector.multi_reduction <minsi>, %select_n3A_317, %reduce_min3A_318 [1] : vector<128x4096xi32> to vector<128xi32>
    %broadcast_in_dim3A_320 = vector.shape_cast %reduce_min3A_319 : vector<128xi32> to vector<128x1xi32>
    %eq3A_321 = vector.broadcast %broadcast_in_dim3A_320 : vector<128x1xi32> to vector<128x4096xi32>
    %eq3A_322 = arith.cmpi eq, %iota3A, %eq3A_321 : vector<128x4096xi32>
    %jit3A_323 = arith.constant 0.000000e+00 : f32
    %broadcast_in_dim3A_324 = vector.broadcast %jit3A_323 : f32 to vector<128x4096xf32>
    %select_n3A_325 = arith.select %eq3A_322, %get3A_4, %broadcast_in_dim3A_324 : vector<128x4096xi1>, vector<128x4096xf32>
    %reduce_sum3A_326 = arith.constant dense<0.000000e+00> : vector<128xf32>
    %reduce_sum3A_327 = vector.multi_reduction <add>, %select_n3A_325, %reduce_sum3A_326 [1] : vector<128x4096xf32> to vector<128xf32>
    %broadcast_in_dim3A_328 = vector.shape_cast %reduce_sum3A_327 : vector<128xf32> to vector<128x1xf32>
    %add3A_329 = arith.constant 1.000000e-03 : f32
    %add3A_330 = vector.broadcast %add3A_329 : f32 to vector<128x1xf32>
    %add3A_331 = arith.addf %broadcast_in_dim3A_312, %add3A_330 : vector<128x1xf32>
    %div3A_332 = arith.constant 1.000000e+00 : f32
    %div3A_333 = vector.broadcast %div3A_332 : f32 to vector<128x1xf32>
    %div3A_334 = arith.divf %div3A_333, %add3A_331 : vector<128x1xf32>
    %add3A_335 = arith.addf %add3A_304, %div3A_334 : vector<128x1xf32>
    %mul3A_336 = arith.mulf %div3A_334, %broadcast_in_dim3A_328 : vector<128x1xf32>
    %add3A_337 = arith.addf %add3A_306, %mul3A_336 : vector<128x1xf32>
    %jit3A_338 = arith.constant 0x7F800000 : f32
    %broadcast_in_dim3A_339 = vector.broadcast %jit3A_338 : f32 to vector<128x4096xf32>
    %select_n3A_340 = arith.select %eq3A_322, %broadcast_in_dim3A_339, %select_n3A_309 : vector<128x4096xi1>, vector<128x4096xf32>
    %reduce_min3A_341 = arith.constant dense<0x7F800000> : vector<128xf32>
    %reduce_min3A_342 = vector.multi_reduction <minimumf>, %select_n3A_340, %reduce_min3A_341 [1] : vector<128x4096xf32> to vector<128xf32>
    %broadcast_in_dim3A_343 = vector.shape_cast %reduce_min3A_342 : vector<128xf32> to vector<128x1xf32>
    %eq3A_344 = vector.broadcast %broadcast_in_dim3A_343 : vector<128x1xf32> to vector<128x4096xf32>
    %eq3A_345 = arith.cmpf oeq, %select_n3A_340, %eq3A_344 : vector<128x4096xf32>
    %jit3A_346 = arith.constant 16777216 : i32
    %broadcast_in_dim3A_347 = vector.broadcast %jit3A_346 : i32 to vector<128x4096xi32>
    %select_n3A_348 = arith.select %eq3A_345, %iota3A, %broadcast_in_dim3A_347 : vector<128x4096xi1>, vector<128x4096xi32>
    %reduce_min3A_349 = arith.constant dense<2147483647> : vector<128xi32>
    %reduce_min3A_350 = vector.multi_reduction <minsi>, %select_n3A_348, %reduce_min3A_349 [1] : vector<128x4096xi32> to vector<128xi32>
    %broadcast_in_dim3A_351 = vector.shape_cast %reduce_min3A_350 : vector<128xi32> to vector<128x1xi32>
    %eq3A_352 = vector.broadcast %broadcast_in_dim3A_351 : vector<128x1xi32> to vector<128x4096xi32>
    %eq3A_353 = arith.cmpi eq, %iota3A, %eq3A_352 : vector<128x4096xi32>
    %jit3A_354 = arith.constant 0.000000e+00 : f32
    %broadcast_in_dim3A_355 = vector.broadcast %jit3A_354 : f32 to vector<128x4096xf32>
    %select_n3A_356 = arith.select %eq3A_353, %get3A_4, %broadcast_in_dim3A_355 : vector<128x4096xi1>, vector<128x4096xf32>
    %reduce_sum3A_357 = arith.constant dense<0.000000e+00> : vector<128xf32>
    %reduce_sum3A_358 = vector.multi_reduction <add>, %select_n3A_356, %reduce_sum3A_357 [1] : vector<128x4096xf32> to vector<128xf32>
    %broadcast_in_dim3A_359 = vector.shape_cast %reduce_sum3A_358 : vector<128xf32> to vector<128x1xf32>
    %add3A_360 = arith.constant 1.000000e-03 : f32
    %add3A_361 = vector.broadcast %add3A_360 : f32 to vector<128x1xf32>
    %add3A_362 = arith.addf %broadcast_in_dim3A_343, %add3A_361 : vector<128x1xf32>
    %div3A_363 = arith.constant 1.000000e+00 : f32
    %div3A_364 = vector.broadcast %div3A_363 : f32 to vector<128x1xf32>
    %div3A_365 = arith.divf %div3A_364, %add3A_362 : vector<128x1xf32>
    %add3A_366 = arith.addf %add3A_335, %div3A_365 : vector<128x1xf32>
    %mul3A_367 = arith.mulf %div3A_365, %broadcast_in_dim3A_359 : vector<128x1xf32>
    %add3A_368 = arith.addf %add3A_337, %mul3A_367 : vector<128x1xf32>
    %jit3A_369 = arith.constant 0x7F800000 : f32
    %broadcast_in_dim3A_370 = vector.broadcast %jit3A_369 : f32 to vector<128x4096xf32>
    %select_n3A_371 = arith.select %eq3A_353, %broadcast_in_dim3A_370, %select_n3A_340 : vector<128x4096xi1>, vector<128x4096xf32>
    %reduce_min3A_372 = arith.constant dense<0x7F800000> : vector<128xf32>
    %reduce_min3A_373 = vector.multi_reduction <minimumf>, %select_n3A_371, %reduce_min3A_372 [1] : vector<128x4096xf32> to vector<128xf32>
    %broadcast_in_dim3A_374 = vector.shape_cast %reduce_min3A_373 : vector<128xf32> to vector<128x1xf32>
    %eq3A_375 = vector.broadcast %broadcast_in_dim3A_374 : vector<128x1xf32> to vector<128x4096xf32>
    %eq3A_376 = arith.cmpf oeq, %select_n3A_371, %eq3A_375 : vector<128x4096xf32>
    %jit3A_377 = arith.constant 16777216 : i32
    %broadcast_in_dim3A_378 = vector.broadcast %jit3A_377 : i32 to vector<128x4096xi32>
    %select_n3A_379 = arith.select %eq3A_376, %iota3A, %broadcast_in_dim3A_378 : vector<128x4096xi1>, vector<128x4096xi32>
    %reduce_min3A_380 = arith.constant dense<2147483647> : vector<128xi32>
    %reduce_min3A_381 = vector.multi_reduction <minsi>, %select_n3A_379, %reduce_min3A_380 [1] : vector<128x4096xi32> to vector<128xi32>
    %broadcast_in_dim3A_382 = vector.shape_cast %reduce_min3A_381 : vector<128xi32> to vector<128x1xi32>
    %eq3A_383 = vector.broadcast %broadcast_in_dim3A_382 : vector<128x1xi32> to vector<128x4096xi32>
    %eq3A_384 = arith.cmpi eq, %iota3A, %eq3A_383 : vector<128x4096xi32>
    %jit3A_385 = arith.constant 0.000000e+00 : f32
    %broadcast_in_dim3A_386 = vector.broadcast %jit3A_385 : f32 to vector<128x4096xf32>
    %select_n3A_387 = arith.select %eq3A_384, %get3A_4, %broadcast_in_dim3A_386 : vector<128x4096xi1>, vector<128x4096xf32>
    %reduce_sum3A_388 = arith.constant dense<0.000000e+00> : vector<128xf32>
    %reduce_sum3A_389 = vector.multi_reduction <add>, %select_n3A_387, %reduce_sum3A_388 [1] : vector<128x4096xf32> to vector<128xf32>
    %broadcast_in_dim3A_390 = vector.shape_cast %reduce_sum3A_389 : vector<128xf32> to vector<128x1xf32>
    %add3A_391 = arith.constant 1.000000e-03 : f32
    %add3A_392 = vector.broadcast %add3A_391 : f32 to vector<128x1xf32>
    %add3A_393 = arith.addf %broadcast_in_dim3A_374, %add3A_392 : vector<128x1xf32>
    %div3A_394 = arith.constant 1.000000e+00 : f32
    %div3A_395 = vector.broadcast %div3A_394 : f32 to vector<128x1xf32>
    %div3A_396 = arith.divf %div3A_395, %add3A_393 : vector<128x1xf32>
    %add3A_397 = arith.addf %add3A_366, %div3A_396 : vector<128x1xf32>
    %mul3A_398 = arith.mulf %div3A_396, %broadcast_in_dim3A_390 : vector<128x1xf32>
    %add3A_399 = arith.addf %add3A_368, %mul3A_398 : vector<128x1xf32>
    %jit3A_400 = arith.constant 0x7F800000 : f32
    %broadcast_in_dim3A_401 = vector.broadcast %jit3A_400 : f32 to vector<128x4096xf32>
    %select_n3A_402 = arith.select %eq3A_384, %broadcast_in_dim3A_401, %select_n3A_371 : vector<128x4096xi1>, vector<128x4096xf32>
    %reduce_min3A_403 = arith.constant dense<0x7F800000> : vector<128xf32>
    %reduce_min3A_404 = vector.multi_reduction <minimumf>, %select_n3A_402, %reduce_min3A_403 [1] : vector<128x4096xf32> to vector<128xf32>
    %broadcast_in_dim3A_405 = vector.shape_cast %reduce_min3A_404 : vector<128xf32> to vector<128x1xf32>
    %eq3A_406 = vector.broadcast %broadcast_in_dim3A_405 : vector<128x1xf32> to vector<128x4096xf32>
    %eq3A_407 = arith.cmpf oeq, %select_n3A_402, %eq3A_406 : vector<128x4096xf32>
    %jit3A_408 = arith.constant 16777216 : i32
    %broadcast_in_dim3A_409 = vector.broadcast %jit3A_408 : i32 to vector<128x4096xi32>
    %select_n3A_410 = arith.select %eq3A_407, %iota3A, %broadcast_in_dim3A_409 : vector<128x4096xi1>, vector<128x4096xi32>
    %reduce_min3A_411 = arith.constant dense<2147483647> : vector<128xi32>
    %reduce_min3A_412 = vector.multi_reduction <minsi>, %select_n3A_410, %reduce_min3A_411 [1] : vector<128x4096xi32> to vector<128xi32>
    %broadcast_in_dim3A_413 = vector.shape_cast %reduce_min3A_412 : vector<128xi32> to vector<128x1xi32>
    %eq3A_414 = vector.broadcast %broadcast_in_dim3A_413 : vector<128x1xi32> to vector<128x4096xi32>
    %eq3A_415 = arith.cmpi eq, %iota3A, %eq3A_414 : vector<128x4096xi32>
    %jit3A_416 = arith.constant 0.000000e+00 : f32
    %broadcast_in_dim3A_417 = vector.broadcast %jit3A_416 : f32 to vector<128x4096xf32>
    %select_n3A_418 = arith.select %eq3A_415, %get3A_4, %broadcast_in_dim3A_417 : vector<128x4096xi1>, vector<128x4096xf32>
    %reduce_sum3A_419 = arith.constant dense<0.000000e+00> : vector<128xf32>
    %reduce_sum3A_420 = vector.multi_reduction <add>, %select_n3A_418, %reduce_sum3A_419 [1] : vector<128x4096xf32> to vector<128xf32>
    %broadcast_in_dim3A_421 = vector.shape_cast %reduce_sum3A_420 : vector<128xf32> to vector<128x1xf32>
    %add3A_422 = arith.constant 1.000000e-03 : f32
    %add3A_423 = vector.broadcast %add3A_422 : f32 to vector<128x1xf32>
    %add3A_424 = arith.addf %broadcast_in_dim3A_405, %add3A_423 : vector<128x1xf32>
    %div3A_425 = arith.constant 1.000000e+00 : f32
    %div3A_426 = vector.broadcast %div3A_425 : f32 to vector<128x1xf32>
    %div3A_427 = arith.divf %div3A_426, %add3A_424 : vector<128x1xf32>
    %add3A_428 = arith.addf %add3A_397, %div3A_427 : vector<128x1xf32>
    %mul3A_429 = arith.mulf %div3A_427, %broadcast_in_dim3A_421 : vector<128x1xf32>
    %add3A_430 = arith.addf %add3A_399, %mul3A_429 : vector<128x1xf32>
    %jit3A_431 = arith.constant 0x7F800000 : f32
    %broadcast_in_dim3A_432 = vector.broadcast %jit3A_431 : f32 to vector<128x4096xf32>
    %select_n3A_433 = arith.select %eq3A_415, %broadcast_in_dim3A_432, %select_n3A_402 : vector<128x4096xi1>, vector<128x4096xf32>
    %reduce_min3A_434 = arith.constant dense<0x7F800000> : vector<128xf32>
    %reduce_min3A_435 = vector.multi_reduction <minimumf>, %select_n3A_433, %reduce_min3A_434 [1] : vector<128x4096xf32> to vector<128xf32>
    %broadcast_in_dim3A_436 = vector.shape_cast %reduce_min3A_435 : vector<128xf32> to vector<128x1xf32>
    %eq3A_437 = vector.broadcast %broadcast_in_dim3A_436 : vector<128x1xf32> to vector<128x4096xf32>
    %eq3A_438 = arith.cmpf oeq, %select_n3A_433, %eq3A_437 : vector<128x4096xf32>
    %jit3A_439 = arith.constant 16777216 : i32
    %broadcast_in_dim3A_440 = vector.broadcast %jit3A_439 : i32 to vector<128x4096xi32>
    %select_n3A_441 = arith.select %eq3A_438, %iota3A, %broadcast_in_dim3A_440 : vector<128x4096xi1>, vector<128x4096xi32>
    %reduce_min3A_442 = arith.constant dense<2147483647> : vector<128xi32>
    %reduce_min3A_443 = vector.multi_reduction <minsi>, %select_n3A_441, %reduce_min3A_442 [1] : vector<128x4096xi32> to vector<128xi32>
    %broadcast_in_dim3A_444 = vector.shape_cast %reduce_min3A_443 : vector<128xi32> to vector<128x1xi32>
    %eq3A_445 = vector.broadcast %broadcast_in_dim3A_444 : vector<128x1xi32> to vector<128x4096xi32>
    %eq3A_446 = arith.cmpi eq, %iota3A, %eq3A_445 : vector<128x4096xi32>
    %jit3A_447 = arith.constant 0.000000e+00 : f32
    %broadcast_in_dim3A_448 = vector.broadcast %jit3A_447 : f32 to vector<128x4096xf32>
    %select_n3A_449 = arith.select %eq3A_446, %get3A_4, %broadcast_in_dim3A_448 : vector<128x4096xi1>, vector<128x4096xf32>
    %reduce_sum3A_450 = arith.constant dense<0.000000e+00> : vector<128xf32>
    %reduce_sum3A_451 = vector.multi_reduction <add>, %select_n3A_449, %reduce_sum3A_450 [1] : vector<128x4096xf32> to vector<128xf32>
    %broadcast_in_dim3A_452 = vector.shape_cast %reduce_sum3A_451 : vector<128xf32> to vector<128x1xf32>
    %add3A_453 = arith.constant 1.000000e-03 : f32
    %add3A_454 = vector.broadcast %add3A_453 : f32 to vector<128x1xf32>
    %add3A_455 = arith.addf %broadcast_in_dim3A_436, %add3A_454 : vector<128x1xf32>
    %div3A_456 = arith.constant 1.000000e+00 : f32
    %div3A_457 = vector.broadcast %div3A_456 : f32 to vector<128x1xf32>
    %div3A_458 = arith.divf %div3A_457, %add3A_455 : vector<128x1xf32>
    %add3A_459 = arith.addf %add3A_428, %div3A_458 : vector<128x1xf32>
    %mul3A_460 = arith.mulf %div3A_458, %broadcast_in_dim3A_452 : vector<128x1xf32>
    %add3A_461 = arith.addf %add3A_430, %mul3A_460 : vector<128x1xf32>
    %jit3A_462 = arith.constant 0x7F800000 : f32
    %broadcast_in_dim3A_463 = vector.broadcast %jit3A_462 : f32 to vector<128x4096xf32>
    %select_n3A_464 = arith.select %eq3A_446, %broadcast_in_dim3A_463, %select_n3A_433 : vector<128x4096xi1>, vector<128x4096xf32>
    %reduce_min3A_465 = arith.constant dense<0x7F800000> : vector<128xf32>
    %reduce_min3A_466 = vector.multi_reduction <minimumf>, %select_n3A_464, %reduce_min3A_465 [1] : vector<128x4096xf32> to vector<128xf32>
    %broadcast_in_dim3A_467 = vector.shape_cast %reduce_min3A_466 : vector<128xf32> to vector<128x1xf32>
    %eq3A_468 = vector.broadcast %broadcast_in_dim3A_467 : vector<128x1xf32> to vector<128x4096xf32>
    %eq3A_469 = arith.cmpf oeq, %select_n3A_464, %eq3A_468 : vector<128x4096xf32>
    %jit3A_470 = arith.constant 16777216 : i32
    %broadcast_in_dim3A_471 = vector.broadcast %jit3A_470 : i32 to vector<128x4096xi32>
    %select_n3A_472 = arith.select %eq3A_469, %iota3A, %broadcast_in_dim3A_471 : vector<128x4096xi1>, vector<128x4096xi32>
    %reduce_min3A_473 = arith.constant dense<2147483647> : vector<128xi32>
    %reduce_min3A_474 = vector.multi_reduction <minsi>, %select_n3A_472, %reduce_min3A_473 [1] : vector<128x4096xi32> to vector<128xi32>
    %broadcast_in_dim3A_475 = vector.shape_cast %reduce_min3A_474 : vector<128xi32> to vector<128x1xi32>
    %eq3A_476 = vector.broadcast %broadcast_in_dim3A_475 : vector<128x1xi32> to vector<128x4096xi32>
    %eq3A_477 = arith.cmpi eq, %iota3A, %eq3A_476 : vector<128x4096xi32>
    %jit3A_478 = arith.constant 0.000000e+00 : f32
    %broadcast_in_dim3A_479 = vector.broadcast %jit3A_478 : f32 to vector<128x4096xf32>
    %select_n3A_480 = arith.select %eq3A_477, %get3A_4, %broadcast_in_dim3A_479 : vector<128x4096xi1>, vector<128x4096xf32>
    %reduce_sum3A_481 = arith.constant dense<0.000000e+00> : vector<128xf32>
    %reduce_sum3A_482 = vector.multi_reduction <add>, %select_n3A_480, %reduce_sum3A_481 [1] : vector<128x4096xf32> to vector<128xf32>
    %broadcast_in_dim3A_483 = vector.shape_cast %reduce_sum3A_482 : vector<128xf32> to vector<128x1xf32>
    %add3A_484 = arith.constant 1.000000e-03 : f32
    %add3A_485 = vector.broadcast %add3A_484 : f32 to vector<128x1xf32>
    %add3A_486 = arith.addf %broadcast_in_dim3A_467, %add3A_485 : vector<128x1xf32>
    %div3A_487 = arith.constant 1.000000e+00 : f32
    %div3A_488 = vector.broadcast %div3A_487 : f32 to vector<128x1xf32>
    %div3A_489 = arith.divf %div3A_488, %add3A_486 : vector<128x1xf32>
    %add3A_490 = arith.addf %add3A_459, %div3A_489 : vector<128x1xf32>
    %mul3A_491 = arith.mulf %div3A_489, %broadcast_in_dim3A_483 : vector<128x1xf32>
    %add3A_492 = arith.addf %add3A_461, %mul3A_491 : vector<128x1xf32>
    %jit3A_493 = arith.constant 0x7F800000 : f32
    %broadcast_in_dim3A_494 = vector.broadcast %jit3A_493 : f32 to vector<128x4096xf32>
    %select_n3A_495 = arith.select %eq3A_477, %broadcast_in_dim3A_494, %select_n3A_464 : vector<128x4096xi1>, vector<128x4096xf32>
    %reduce_min3A_496 = arith.constant dense<0x7F800000> : vector<128xf32>
    %reduce_min3A_497 = vector.multi_reduction <minimumf>, %select_n3A_495, %reduce_min3A_496 [1] : vector<128x4096xf32> to vector<128xf32>
    %broadcast_in_dim3A_498 = vector.shape_cast %reduce_min3A_497 : vector<128xf32> to vector<128x1xf32>
    %eq3A_499 = vector.broadcast %broadcast_in_dim3A_498 : vector<128x1xf32> to vector<128x4096xf32>
    %eq3A_500 = arith.cmpf oeq, %select_n3A_495, %eq3A_499 : vector<128x4096xf32>
    %jit3A_501 = arith.constant 16777216 : i32
    %broadcast_in_dim3A_502 = vector.broadcast %jit3A_501 : i32 to vector<128x4096xi32>
    %select_n3A_503 = arith.select %eq3A_500, %iota3A, %broadcast_in_dim3A_502 : vector<128x4096xi1>, vector<128x4096xi32>
    %reduce_min3A_504 = arith.constant dense<2147483647> : vector<128xi32>
    %reduce_min3A_505 = vector.multi_reduction <minsi>, %select_n3A_503, %reduce_min3A_504 [1] : vector<128x4096xi32> to vector<128xi32>
    %broadcast_in_dim3A_506 = vector.shape_cast %reduce_min3A_505 : vector<128xi32> to vector<128x1xi32>
    %eq3A_507 = vector.broadcast %broadcast_in_dim3A_506 : vector<128x1xi32> to vector<128x4096xi32>
    %eq3A_508 = arith.cmpi eq, %iota3A, %eq3A_507 : vector<128x4096xi32>
    %jit3A_509 = arith.constant 0.000000e+00 : f32
    %broadcast_in_dim3A_510 = vector.broadcast %jit3A_509 : f32 to vector<128x4096xf32>
    %select_n3A_511 = arith.select %eq3A_508, %get3A_4, %broadcast_in_dim3A_510 : vector<128x4096xi1>, vector<128x4096xf32>
    %reduce_sum3A_512 = arith.constant dense<0.000000e+00> : vector<128xf32>
    %reduce_sum3A_513 = vector.multi_reduction <add>, %select_n3A_511, %reduce_sum3A_512 [1] : vector<128x4096xf32> to vector<128xf32>
    %broadcast_in_dim3A_514 = vector.shape_cast %reduce_sum3A_513 : vector<128xf32> to vector<128x1xf32>
    %add3A_515 = arith.constant 1.000000e-03 : f32
    %add3A_516 = vector.broadcast %add3A_515 : f32 to vector<128x1xf32>
    %add3A_517 = arith.addf %broadcast_in_dim3A_498, %add3A_516 : vector<128x1xf32>
    %div3A_518 = arith.constant 1.000000e+00 : f32
    %div3A_519 = vector.broadcast %div3A_518 : f32 to vector<128x1xf32>
    %div3A_520 = arith.divf %div3A_519, %add3A_517 : vector<128x1xf32>
    %add3A_521 = arith.addf %add3A_490, %div3A_520 : vector<128x1xf32>
    %mul3A_522 = arith.mulf %div3A_520, %broadcast_in_dim3A_514 : vector<128x1xf32>
    %add3A_523 = arith.addf %add3A_492, %mul3A_522 : vector<128x1xf32>
    %jit3A_524 = arith.constant 0x7F800000 : f32
    %broadcast_in_dim3A_525 = vector.broadcast %jit3A_524 : f32 to vector<128x4096xf32>
    %select_n3A_526 = arith.select %eq3A_508, %broadcast_in_dim3A_525, %select_n3A_495 : vector<128x4096xi1>, vector<128x4096xf32>
    %reduce_min3A_527 = arith.constant dense<0x7F800000> : vector<128xf32>
    %reduce_min3A_528 = vector.multi_reduction <minimumf>, %select_n3A_526, %reduce_min3A_527 [1] : vector<128x4096xf32> to vector<128xf32>
    %broadcast_in_dim3A_529 = vector.shape_cast %reduce_min3A_528 : vector<128xf32> to vector<128x1xf32>
    %eq3A_530 = vector.broadcast %broadcast_in_dim3A_529 : vector<128x1xf32> to vector<128x4096xf32>
    %eq3A_531 = arith.cmpf oeq, %select_n3A_526, %eq3A_530 : vector<128x4096xf32>
    %jit3A_532 = arith.constant 16777216 : i32
    %broadcast_in_dim3A_533 = vector.broadcast %jit3A_532 : i32 to vector<128x4096xi32>
    %select_n3A_534 = arith.select %eq3A_531, %iota3A, %broadcast_in_dim3A_533 : vector<128x4096xi1>, vector<128x4096xi32>
    %reduce_min3A_535 = arith.constant dense<2147483647> : vector<128xi32>
    %reduce_min3A_536 = vector.multi_reduction <minsi>, %select_n3A_534, %reduce_min3A_535 [1] : vector<128x4096xi32> to vector<128xi32>
    %broadcast_in_dim3A_537 = vector.shape_cast %reduce_min3A_536 : vector<128xi32> to vector<128x1xi32>
    %eq3A_538 = vector.broadcast %broadcast_in_dim3A_537 : vector<128x1xi32> to vector<128x4096xi32>
    %eq3A_539 = arith.cmpi eq, %iota3A, %eq3A_538 : vector<128x4096xi32>
    %jit3A_540 = arith.constant 0.000000e+00 : f32
    %broadcast_in_dim3A_541 = vector.broadcast %jit3A_540 : f32 to vector<128x4096xf32>
    %select_n3A_542 = arith.select %eq3A_539, %get3A_4, %broadcast_in_dim3A_541 : vector<128x4096xi1>, vector<128x4096xf32>
    %reduce_sum3A_543 = arith.constant dense<0.000000e+00> : vector<128xf32>
    %reduce_sum3A_544 = vector.multi_reduction <add>, %select_n3A_542, %reduce_sum3A_543 [1] : vector<128x4096xf32> to vector<128xf32>
    %broadcast_in_dim3A_545 = vector.shape_cast %reduce_sum3A_544 : vector<128xf32> to vector<128x1xf32>
    %add3A_546 = arith.constant 1.000000e-03 : f32
    %add3A_547 = vector.broadcast %add3A_546 : f32 to vector<128x1xf32>
    %add3A_548 = arith.addf %broadcast_in_dim3A_529, %add3A_547 : vector<128x1xf32>
    %div3A_549 = arith.constant 1.000000e+00 : f32
    %div3A_550 = vector.broadcast %div3A_549 : f32 to vector<128x1xf32>
    %div3A_551 = arith.divf %div3A_550, %add3A_548 : vector<128x1xf32>
    %add3A_552 = arith.addf %add3A_521, %div3A_551 : vector<128x1xf32>
    %mul3A_553 = arith.mulf %div3A_551, %broadcast_in_dim3A_545 : vector<128x1xf32>
    %add3A_554 = arith.addf %add3A_523, %mul3A_553 : vector<128x1xf32>
    %jit3A_555 = arith.constant 0x7F800000 : f32
    %broadcast_in_dim3A_556 = vector.broadcast %jit3A_555 : f32 to vector<128x4096xf32>
    %select_n3A_557 = arith.select %eq3A_539, %broadcast_in_dim3A_556, %select_n3A_526 : vector<128x4096xi1>, vector<128x4096xf32>
    %reduce_min3A_558 = arith.constant dense<0x7F800000> : vector<128xf32>
    %reduce_min3A_559 = vector.multi_reduction <minimumf>, %select_n3A_557, %reduce_min3A_558 [1] : vector<128x4096xf32> to vector<128xf32>
    %broadcast_in_dim3A_560 = vector.shape_cast %reduce_min3A_559 : vector<128xf32> to vector<128x1xf32>
    %eq3A_561 = vector.broadcast %broadcast_in_dim3A_560 : vector<128x1xf32> to vector<128x4096xf32>
    %eq3A_562 = arith.cmpf oeq, %select_n3A_557, %eq3A_561 : vector<128x4096xf32>
    %jit3A_563 = arith.constant 16777216 : i32
    %broadcast_in_dim3A_564 = vector.broadcast %jit3A_563 : i32 to vector<128x4096xi32>
    %select_n3A_565 = arith.select %eq3A_562, %iota3A, %broadcast_in_dim3A_564 : vector<128x4096xi1>, vector<128x4096xi32>
    %reduce_min3A_566 = arith.constant dense<2147483647> : vector<128xi32>
    %reduce_min3A_567 = vector.multi_reduction <minsi>, %select_n3A_565, %reduce_min3A_566 [1] : vector<128x4096xi32> to vector<128xi32>
    %broadcast_in_dim3A_568 = vector.shape_cast %reduce_min3A_567 : vector<128xi32> to vector<128x1xi32>
    %eq3A_569 = vector.broadcast %broadcast_in_dim3A_568 : vector<128x1xi32> to vector<128x4096xi32>
    %eq3A_570 = arith.cmpi eq, %iota3A, %eq3A_569 : vector<128x4096xi32>
    %jit3A_571 = arith.constant 0.000000e+00 : f32
    %broadcast_in_dim3A_572 = vector.broadcast %jit3A_571 : f32 to vector<128x4096xf32>
    %select_n3A_573 = arith.select %eq3A_570, %get3A_4, %broadcast_in_dim3A_572 : vector<128x4096xi1>, vector<128x4096xf32>
    %reduce_sum3A_574 = arith.constant dense<0.000000e+00> : vector<128xf32>
    %reduce_sum3A_575 = vector.multi_reduction <add>, %select_n3A_573, %reduce_sum3A_574 [1] : vector<128x4096xf32> to vector<128xf32>
    %broadcast_in_dim3A_576 = vector.shape_cast %reduce_sum3A_575 : vector<128xf32> to vector<128x1xf32>
    %add3A_577 = arith.constant 1.000000e-03 : f32
    %add3A_578 = vector.broadcast %add3A_577 : f32 to vector<128x1xf32>
    %add3A_579 = arith.addf %broadcast_in_dim3A_560, %add3A_578 : vector<128x1xf32>
    %div3A_580 = arith.constant 1.000000e+00 : f32
    %div3A_581 = vector.broadcast %div3A_580 : f32 to vector<128x1xf32>
    %div3A_582 = arith.divf %div3A_581, %add3A_579 : vector<128x1xf32>
    %add3A_583 = arith.addf %add3A_552, %div3A_582 : vector<128x1xf32>
    %mul3A_584 = arith.mulf %div3A_582, %broadcast_in_dim3A_576 : vector<128x1xf32>
    %add3A_585 = arith.addf %add3A_554, %mul3A_584 : vector<128x1xf32>
    %jit3A_586 = arith.constant 0x7F800000 : f32
    %broadcast_in_dim3A_587 = vector.broadcast %jit3A_586 : f32 to vector<128x4096xf32>
    %select_n3A_588 = arith.select %eq3A_570, %broadcast_in_dim3A_587, %select_n3A_557 : vector<128x4096xi1>, vector<128x4096xf32>
    %reduce_min3A_589 = arith.constant dense<0x7F800000> : vector<128xf32>
    %reduce_min3A_590 = vector.multi_reduction <minimumf>, %select_n3A_588, %reduce_min3A_589 [1] : vector<128x4096xf32> to vector<128xf32>
    %broadcast_in_dim3A_591 = vector.shape_cast %reduce_min3A_590 : vector<128xf32> to vector<128x1xf32>
    %eq3A_592 = vector.broadcast %broadcast_in_dim3A_591 : vector<128x1xf32> to vector<128x4096xf32>
    %eq3A_593 = arith.cmpf oeq, %select_n3A_588, %eq3A_592 : vector<128x4096xf32>
    %jit3A_594 = arith.constant 16777216 : i32
    %broadcast_in_dim3A_595 = vector.broadcast %jit3A_594 : i32 to vector<128x4096xi32>
    %select_n3A_596 = arith.select %eq3A_593, %iota3A, %broadcast_in_dim3A_595 : vector<128x4096xi1>, vector<128x4096xi32>
    %reduce_min3A_597 = arith.constant dense<2147483647> : vector<128xi32>
    %reduce_min3A_598 = vector.multi_reduction <minsi>, %select_n3A_596, %reduce_min3A_597 [1] : vector<128x4096xi32> to vector<128xi32>
    %broadcast_in_dim3A_599 = vector.shape_cast %reduce_min3A_598 : vector<128xi32> to vector<128x1xi32>
    %eq3A_600 = vector.broadcast %broadcast_in_dim3A_599 : vector<128x1xi32> to vector<128x4096xi32>
    %eq3A_601 = arith.cmpi eq, %iota3A, %eq3A_600 : vector<128x4096xi32>
    %jit3A_602 = arith.constant 0.000000e+00 : f32
    %broadcast_in_dim3A_603 = vector.broadcast %jit3A_602 : f32 to vector<128x4096xf32>
    %select_n3A_604 = arith.select %eq3A_601, %get3A_4, %broadcast_in_dim3A_603 : vector<128x4096xi1>, vector<128x4096xf32>
    %reduce_sum3A_605 = arith.constant dense<0.000000e+00> : vector<128xf32>
    %reduce_sum3A_606 = vector.multi_reduction <add>, %select_n3A_604, %reduce_sum3A_605 [1] : vector<128x4096xf32> to vector<128xf32>
    %broadcast_in_dim3A_607 = vector.shape_cast %reduce_sum3A_606 : vector<128xf32> to vector<128x1xf32>
    %add3A_608 = arith.constant 1.000000e-03 : f32
    %add3A_609 = vector.broadcast %add3A_608 : f32 to vector<128x1xf32>
    %add3A_610 = arith.addf %broadcast_in_dim3A_591, %add3A_609 : vector<128x1xf32>
    %div3A_611 = arith.constant 1.000000e+00 : f32
    %div3A_612 = vector.broadcast %div3A_611 : f32 to vector<128x1xf32>
    %div3A_613 = arith.divf %div3A_612, %add3A_610 : vector<128x1xf32>
    %add3A_614 = arith.addf %add3A_583, %div3A_613 : vector<128x1xf32>
    %mul3A_615 = arith.mulf %div3A_613, %broadcast_in_dim3A_607 : vector<128x1xf32>
    %add3A_616 = arith.addf %add3A_585, %mul3A_615 : vector<128x1xf32>
    %jit3A_617 = arith.constant 0x7F800000 : f32
    %broadcast_in_dim3A_618 = vector.broadcast %jit3A_617 : f32 to vector<128x4096xf32>
    %select_n3A_619 = arith.select %eq3A_601, %broadcast_in_dim3A_618, %select_n3A_588 : vector<128x4096xi1>, vector<128x4096xf32>
    %reduce_min3A_620 = arith.constant dense<0x7F800000> : vector<128xf32>
    %reduce_min3A_621 = vector.multi_reduction <minimumf>, %select_n3A_619, %reduce_min3A_620 [1] : vector<128x4096xf32> to vector<128xf32>
    %broadcast_in_dim3A_622 = vector.shape_cast %reduce_min3A_621 : vector<128xf32> to vector<128x1xf32>
    %eq3A_623 = vector.broadcast %broadcast_in_dim3A_622 : vector<128x1xf32> to vector<128x4096xf32>
    %eq3A_624 = arith.cmpf oeq, %select_n3A_619, %eq3A_623 : vector<128x4096xf32>
    %jit3A_625 = arith.constant 16777216 : i32
    %broadcast_in_dim3A_626 = vector.broadcast %jit3A_625 : i32 to vector<128x4096xi32>
    %select_n3A_627 = arith.select %eq3A_624, %iota3A, %broadcast_in_dim3A_626 : vector<128x4096xi1>, vector<128x4096xi32>
    %reduce_min3A_628 = arith.constant dense<2147483647> : vector<128xi32>
    %reduce_min3A_629 = vector.multi_reduction <minsi>, %select_n3A_627, %reduce_min3A_628 [1] : vector<128x4096xi32> to vector<128xi32>
    %broadcast_in_dim3A_630 = vector.shape_cast %reduce_min3A_629 : vector<128xi32> to vector<128x1xi32>
    %eq3A_631 = vector.broadcast %broadcast_in_dim3A_630 : vector<128x1xi32> to vector<128x4096xi32>
    %eq3A_632 = arith.cmpi eq, %iota3A, %eq3A_631 : vector<128x4096xi32>
    %jit3A_633 = arith.constant 0.000000e+00 : f32
    %broadcast_in_dim3A_634 = vector.broadcast %jit3A_633 : f32 to vector<128x4096xf32>
    %select_n3A_635 = arith.select %eq3A_632, %get3A_4, %broadcast_in_dim3A_634 : vector<128x4096xi1>, vector<128x4096xf32>
    %reduce_sum3A_636 = arith.constant dense<0.000000e+00> : vector<128xf32>
    %reduce_sum3A_637 = vector.multi_reduction <add>, %select_n3A_635, %reduce_sum3A_636 [1] : vector<128x4096xf32> to vector<128xf32>
    %broadcast_in_dim3A_638 = vector.shape_cast %reduce_sum3A_637 : vector<128xf32> to vector<128x1xf32>
    %add3A_639 = arith.constant 1.000000e-03 : f32
    %add3A_640 = vector.broadcast %add3A_639 : f32 to vector<128x1xf32>
    %add3A_641 = arith.addf %broadcast_in_dim3A_622, %add3A_640 : vector<128x1xf32>
    %div3A_642 = arith.constant 1.000000e+00 : f32
    %div3A_643 = vector.broadcast %div3A_642 : f32 to vector<128x1xf32>
    %div3A_644 = arith.divf %div3A_643, %add3A_641 : vector<128x1xf32>
    %add3A_645 = arith.addf %add3A_614, %div3A_644 : vector<128x1xf32>
    %mul3A_646 = arith.mulf %div3A_644, %broadcast_in_dim3A_638 : vector<128x1xf32>
    %add3A_647 = arith.addf %add3A_616, %mul3A_646 : vector<128x1xf32>
    %jit3A_648 = arith.constant 0x7F800000 : f32
    %broadcast_in_dim3A_649 = vector.broadcast %jit3A_648 : f32 to vector<128x4096xf32>
    %select_n3A_650 = arith.select %eq3A_632, %broadcast_in_dim3A_649, %select_n3A_619 : vector<128x4096xi1>, vector<128x4096xf32>
    %reduce_min3A_651 = arith.constant dense<0x7F800000> : vector<128xf32>
    %reduce_min3A_652 = vector.multi_reduction <minimumf>, %select_n3A_650, %reduce_min3A_651 [1] : vector<128x4096xf32> to vector<128xf32>
    %broadcast_in_dim3A_653 = vector.shape_cast %reduce_min3A_652 : vector<128xf32> to vector<128x1xf32>
    %eq3A_654 = vector.broadcast %broadcast_in_dim3A_653 : vector<128x1xf32> to vector<128x4096xf32>
    %eq3A_655 = arith.cmpf oeq, %select_n3A_650, %eq3A_654 : vector<128x4096xf32>
    %jit3A_656 = arith.constant 16777216 : i32
    %broadcast_in_dim3A_657 = vector.broadcast %jit3A_656 : i32 to vector<128x4096xi32>
    %select_n3A_658 = arith.select %eq3A_655, %iota3A, %broadcast_in_dim3A_657 : vector<128x4096xi1>, vector<128x4096xi32>
    %reduce_min3A_659 = arith.constant dense<2147483647> : vector<128xi32>
    %reduce_min3A_660 = vector.multi_reduction <minsi>, %select_n3A_658, %reduce_min3A_659 [1] : vector<128x4096xi32> to vector<128xi32>
    %broadcast_in_dim3A_661 = vector.shape_cast %reduce_min3A_660 : vector<128xi32> to vector<128x1xi32>
    %eq3A_662 = vector.broadcast %broadcast_in_dim3A_661 : vector<128x1xi32> to vector<128x4096xi32>
    %eq3A_663 = arith.cmpi eq, %iota3A, %eq3A_662 : vector<128x4096xi32>
    %jit3A_664 = arith.constant 0.000000e+00 : f32
    %broadcast_in_dim3A_665 = vector.broadcast %jit3A_664 : f32 to vector<128x4096xf32>
    %select_n3A_666 = arith.select %eq3A_663, %get3A_4, %broadcast_in_dim3A_665 : vector<128x4096xi1>, vector<128x4096xf32>
    %reduce_sum3A_667 = arith.constant dense<0.000000e+00> : vector<128xf32>
    %reduce_sum3A_668 = vector.multi_reduction <add>, %select_n3A_666, %reduce_sum3A_667 [1] : vector<128x4096xf32> to vector<128xf32>
    %broadcast_in_dim3A_669 = vector.shape_cast %reduce_sum3A_668 : vector<128xf32> to vector<128x1xf32>
    %add3A_670 = arith.constant 1.000000e-03 : f32
    %add3A_671 = vector.broadcast %add3A_670 : f32 to vector<128x1xf32>
    %add3A_672 = arith.addf %broadcast_in_dim3A_653, %add3A_671 : vector<128x1xf32>
    %div3A_673 = arith.constant 1.000000e+00 : f32
    %div3A_674 = vector.broadcast %div3A_673 : f32 to vector<128x1xf32>
    %div3A_675 = arith.divf %div3A_674, %add3A_672 : vector<128x1xf32>
    %add3A_676 = arith.addf %add3A_645, %div3A_675 : vector<128x1xf32>
    %mul3A_677 = arith.mulf %div3A_675, %broadcast_in_dim3A_669 : vector<128x1xf32>
    %add3A_678 = arith.addf %add3A_647, %mul3A_677 : vector<128x1xf32>
    %jit3A_679 = arith.constant 0x7F800000 : f32
    %broadcast_in_dim3A_680 = vector.broadcast %jit3A_679 : f32 to vector<128x4096xf32>
    %select_n3A_681 = arith.select %eq3A_663, %broadcast_in_dim3A_680, %select_n3A_650 : vector<128x4096xi1>, vector<128x4096xf32>
    %reduce_min3A_682 = arith.constant dense<0x7F800000> : vector<128xf32>
    %reduce_min3A_683 = vector.multi_reduction <minimumf>, %select_n3A_681, %reduce_min3A_682 [1] : vector<128x4096xf32> to vector<128xf32>
    %broadcast_in_dim3A_684 = vector.shape_cast %reduce_min3A_683 : vector<128xf32> to vector<128x1xf32>
    %eq3A_685 = vector.broadcast %broadcast_in_dim3A_684 : vector<128x1xf32> to vector<128x4096xf32>
    %eq3A_686 = arith.cmpf oeq, %select_n3A_681, %eq3A_685 : vector<128x4096xf32>
    %jit3A_687 = arith.constant 16777216 : i32
    %broadcast_in_dim3A_688 = vector.broadcast %jit3A_687 : i32 to vector<128x4096xi32>
    %select_n3A_689 = arith.select %eq3A_686, %iota3A, %broadcast_in_dim3A_688 : vector<128x4096xi1>, vector<128x4096xi32>
    %reduce_min3A_690 = arith.constant dense<2147483647> : vector<128xi32>
    %reduce_min3A_691 = vector.multi_reduction <minsi>, %select_n3A_689, %reduce_min3A_690 [1] : vector<128x4096xi32> to vector<128xi32>
    %broadcast_in_dim3A_692 = vector.shape_cast %reduce_min3A_691 : vector<128xi32> to vector<128x1xi32>
    %eq3A_693 = vector.broadcast %broadcast_in_dim3A_692 : vector<128x1xi32> to vector<128x4096xi32>
    %eq3A_694 = arith.cmpi eq, %iota3A, %eq3A_693 : vector<128x4096xi32>
    %jit3A_695 = arith.constant 0.000000e+00 : f32
    %broadcast_in_dim3A_696 = vector.broadcast %jit3A_695 : f32 to vector<128x4096xf32>
    %select_n3A_697 = arith.select %eq3A_694, %get3A_4, %broadcast_in_dim3A_696 : vector<128x4096xi1>, vector<128x4096xf32>
    %reduce_sum3A_698 = arith.constant dense<0.000000e+00> : vector<128xf32>
    %reduce_sum3A_699 = vector.multi_reduction <add>, %select_n3A_697, %reduce_sum3A_698 [1] : vector<128x4096xf32> to vector<128xf32>
    %broadcast_in_dim3A_700 = vector.shape_cast %reduce_sum3A_699 : vector<128xf32> to vector<128x1xf32>
    %add3A_701 = arith.constant 1.000000e-03 : f32
    %add3A_702 = vector.broadcast %add3A_701 : f32 to vector<128x1xf32>
    %add3A_703 = arith.addf %broadcast_in_dim3A_684, %add3A_702 : vector<128x1xf32>
    %div3A_704 = arith.constant 1.000000e+00 : f32
    %div3A_705 = vector.broadcast %div3A_704 : f32 to vector<128x1xf32>
    %div3A_706 = arith.divf %div3A_705, %add3A_703 : vector<128x1xf32>
    %add3A_707 = arith.addf %add3A_676, %div3A_706 : vector<128x1xf32>
    %mul3A_708 = arith.mulf %div3A_706, %broadcast_in_dim3A_700 : vector<128x1xf32>
    %add3A_709 = arith.addf %add3A_678, %mul3A_708 : vector<128x1xf32>
    %jit3A_710 = arith.constant 0x7F800000 : f32
    %broadcast_in_dim3A_711 = vector.broadcast %jit3A_710 : f32 to vector<128x4096xf32>
    %select_n3A_712 = arith.select %eq3A_694, %broadcast_in_dim3A_711, %select_n3A_681 : vector<128x4096xi1>, vector<128x4096xf32>
    %reduce_min3A_713 = arith.constant dense<0x7F800000> : vector<128xf32>
    %reduce_min3A_714 = vector.multi_reduction <minimumf>, %select_n3A_712, %reduce_min3A_713 [1] : vector<128x4096xf32> to vector<128xf32>
    %broadcast_in_dim3A_715 = vector.shape_cast %reduce_min3A_714 : vector<128xf32> to vector<128x1xf32>
    %eq3A_716 = vector.broadcast %broadcast_in_dim3A_715 : vector<128x1xf32> to vector<128x4096xf32>
    %eq3A_717 = arith.cmpf oeq, %select_n3A_712, %eq3A_716 : vector<128x4096xf32>
    %jit3A_718 = arith.constant 16777216 : i32
    %broadcast_in_dim3A_719 = vector.broadcast %jit3A_718 : i32 to vector<128x4096xi32>
    %select_n3A_720 = arith.select %eq3A_717, %iota3A, %broadcast_in_dim3A_719 : vector<128x4096xi1>, vector<128x4096xi32>
    %reduce_min3A_721 = arith.constant dense<2147483647> : vector<128xi32>
    %reduce_min3A_722 = vector.multi_reduction <minsi>, %select_n3A_720, %reduce_min3A_721 [1] : vector<128x4096xi32> to vector<128xi32>
    %broadcast_in_dim3A_723 = vector.shape_cast %reduce_min3A_722 : vector<128xi32> to vector<128x1xi32>
    %eq3A_724 = vector.broadcast %broadcast_in_dim3A_723 : vector<128x1xi32> to vector<128x4096xi32>
    %eq3A_725 = arith.cmpi eq, %iota3A, %eq3A_724 : vector<128x4096xi32>
    %jit3A_726 = arith.constant 0.000000e+00 : f32
    %broadcast_in_dim3A_727 = vector.broadcast %jit3A_726 : f32 to vector<128x4096xf32>
    %select_n3A_728 = arith.select %eq3A_725, %get3A_4, %broadcast_in_dim3A_727 : vector<128x4096xi1>, vector<128x4096xf32>
    %reduce_sum3A_729 = arith.constant dense<0.000000e+00> : vector<128xf32>
    %reduce_sum3A_730 = vector.multi_reduction <add>, %select_n3A_728, %reduce_sum3A_729 [1] : vector<128x4096xf32> to vector<128xf32>
    %broadcast_in_dim3A_731 = vector.shape_cast %reduce_sum3A_730 : vector<128xf32> to vector<128x1xf32>
    %add3A_732 = arith.constant 1.000000e-03 : f32
    %add3A_733 = vector.broadcast %add3A_732 : f32 to vector<128x1xf32>
    %add3A_734 = arith.addf %broadcast_in_dim3A_715, %add3A_733 : vector<128x1xf32>
    %div3A_735 = arith.constant 1.000000e+00 : f32
    %div3A_736 = vector.broadcast %div3A_735 : f32 to vector<128x1xf32>
    %div3A_737 = arith.divf %div3A_736, %add3A_734 : vector<128x1xf32>
    %add3A_738 = arith.addf %add3A_707, %div3A_737 : vector<128x1xf32>
    %mul3A_739 = arith.mulf %div3A_737, %broadcast_in_dim3A_731 : vector<128x1xf32>
    %add3A_740 = arith.addf %add3A_709, %mul3A_739 : vector<128x1xf32>
    %jit3A_741 = arith.constant 0x7F800000 : f32
    %broadcast_in_dim3A_742 = vector.broadcast %jit3A_741 : f32 to vector<128x4096xf32>
    %select_n3A_743 = arith.select %eq3A_725, %broadcast_in_dim3A_742, %select_n3A_712 : vector<128x4096xi1>, vector<128x4096xf32>
    %reduce_min3A_744 = arith.constant dense<0x7F800000> : vector<128xf32>
    %reduce_min3A_745 = vector.multi_reduction <minimumf>, %select_n3A_743, %reduce_min3A_744 [1] : vector<128x4096xf32> to vector<128xf32>
    %broadcast_in_dim3A_746 = vector.shape_cast %reduce_min3A_745 : vector<128xf32> to vector<128x1xf32>
    %eq3A_747 = vector.broadcast %broadcast_in_dim3A_746 : vector<128x1xf32> to vector<128x4096xf32>
    %eq3A_748 = arith.cmpf oeq, %select_n3A_743, %eq3A_747 : vector<128x4096xf32>
    %jit3A_749 = arith.constant 16777216 : i32
    %broadcast_in_dim3A_750 = vector.broadcast %jit3A_749 : i32 to vector<128x4096xi32>
    %select_n3A_751 = arith.select %eq3A_748, %iota3A, %broadcast_in_dim3A_750 : vector<128x4096xi1>, vector<128x4096xi32>
    %reduce_min3A_752 = arith.constant dense<2147483647> : vector<128xi32>
    %reduce_min3A_753 = vector.multi_reduction <minsi>, %select_n3A_751, %reduce_min3A_752 [1] : vector<128x4096xi32> to vector<128xi32>
    %broadcast_in_dim3A_754 = vector.shape_cast %reduce_min3A_753 : vector<128xi32> to vector<128x1xi32>
    %eq3A_755 = vector.broadcast %broadcast_in_dim3A_754 : vector<128x1xi32> to vector<128x4096xi32>
    %eq3A_756 = arith.cmpi eq, %iota3A, %eq3A_755 : vector<128x4096xi32>
    %jit3A_757 = arith.constant 0.000000e+00 : f32
    %broadcast_in_dim3A_758 = vector.broadcast %jit3A_757 : f32 to vector<128x4096xf32>
    %select_n3A_759 = arith.select %eq3A_756, %get3A_4, %broadcast_in_dim3A_758 : vector<128x4096xi1>, vector<128x4096xf32>
    %reduce_sum3A_760 = arith.constant dense<0.000000e+00> : vector<128xf32>
    %reduce_sum3A_761 = vector.multi_reduction <add>, %select_n3A_759, %reduce_sum3A_760 [1] : vector<128x4096xf32> to vector<128xf32>
    %broadcast_in_dim3A_762 = vector.shape_cast %reduce_sum3A_761 : vector<128xf32> to vector<128x1xf32>
    %add3A_763 = arith.constant 1.000000e-03 : f32
    %add3A_764 = vector.broadcast %add3A_763 : f32 to vector<128x1xf32>
    %add3A_765 = arith.addf %broadcast_in_dim3A_746, %add3A_764 : vector<128x1xf32>
    %div3A_766 = arith.constant 1.000000e+00 : f32
    %div3A_767 = vector.broadcast %div3A_766 : f32 to vector<128x1xf32>
    %div3A_768 = arith.divf %div3A_767, %add3A_765 : vector<128x1xf32>
    %add3A_769 = arith.addf %add3A_738, %div3A_768 : vector<128x1xf32>
    %mul3A_770 = arith.mulf %div3A_768, %broadcast_in_dim3A_762 : vector<128x1xf32>
    %add3A_771 = arith.addf %add3A_740, %mul3A_770 : vector<128x1xf32>
    %jit3A_772 = arith.constant 0x7F800000 : f32
    %broadcast_in_dim3A_773 = vector.broadcast %jit3A_772 : f32 to vector<128x4096xf32>
    %select_n3A_774 = arith.select %eq3A_756, %broadcast_in_dim3A_773, %select_n3A_743 : vector<128x4096xi1>, vector<128x4096xf32>
    %reduce_min3A_775 = arith.constant dense<0x7F800000> : vector<128xf32>
    %reduce_min3A_776 = vector.multi_reduction <minimumf>, %select_n3A_774, %reduce_min3A_775 [1] : vector<128x4096xf32> to vector<128xf32>
    %broadcast_in_dim3A_777 = vector.shape_cast %reduce_min3A_776 : vector<128xf32> to vector<128x1xf32>
    %eq3A_778 = vector.broadcast %broadcast_in_dim3A_777 : vector<128x1xf32> to vector<128x4096xf32>
    %eq3A_779 = arith.cmpf oeq, %select_n3A_774, %eq3A_778 : vector<128x4096xf32>
    %jit3A_780 = arith.constant 16777216 : i32
    %broadcast_in_dim3A_781 = vector.broadcast %jit3A_780 : i32 to vector<128x4096xi32>
    %select_n3A_782 = arith.select %eq3A_779, %iota3A, %broadcast_in_dim3A_781 : vector<128x4096xi1>, vector<128x4096xi32>
    %reduce_min3A_783 = arith.constant dense<2147483647> : vector<128xi32>
    %reduce_min3A_784 = vector.multi_reduction <minsi>, %select_n3A_782, %reduce_min3A_783 [1] : vector<128x4096xi32> to vector<128xi32>
    %broadcast_in_dim3A_785 = vector.shape_cast %reduce_min3A_784 : vector<128xi32> to vector<128x1xi32>
    %eq3A_786 = vector.broadcast %broadcast_in_dim3A_785 : vector<128x1xi32> to vector<128x4096xi32>
    %eq3A_787 = arith.cmpi eq, %iota3A, %eq3A_786 : vector<128x4096xi32>
    %jit3A_788 = arith.constant 0.000000e+00 : f32
    %broadcast_in_dim3A_789 = vector.broadcast %jit3A_788 : f32 to vector<128x4096xf32>
    %select_n3A_790 = arith.select %eq3A_787, %get3A_4, %broadcast_in_dim3A_789 : vector<128x4096xi1>, vector<128x4096xf32>
    %reduce_sum3A_791 = arith.constant dense<0.000000e+00> : vector<128xf32>
    %reduce_sum3A_792 = vector.multi_reduction <add>, %select_n3A_790, %reduce_sum3A_791 [1] : vector<128x4096xf32> to vector<128xf32>
    %broadcast_in_dim3A_793 = vector.shape_cast %reduce_sum3A_792 : vector<128xf32> to vector<128x1xf32>
    %add3A_794 = arith.constant 1.000000e-03 : f32
    %add3A_795 = vector.broadcast %add3A_794 : f32 to vector<128x1xf32>
    %add3A_796 = arith.addf %broadcast_in_dim3A_777, %add3A_795 : vector<128x1xf32>
    %div3A_797 = arith.constant 1.000000e+00 : f32
    %div3A_798 = vector.broadcast %div3A_797 : f32 to vector<128x1xf32>
    %div3A_799 = arith.divf %div3A_798, %add3A_796 : vector<128x1xf32>
    %add3A_800 = arith.addf %add3A_769, %div3A_799 : vector<128x1xf32>
    %mul3A_801 = arith.mulf %div3A_799, %broadcast_in_dim3A_793 : vector<128x1xf32>
    %add3A_802 = arith.addf %add3A_771, %mul3A_801 : vector<128x1xf32>
    %jit3A_803 = arith.constant 0x7F800000 : f32
    %broadcast_in_dim3A_804 = vector.broadcast %jit3A_803 : f32 to vector<128x4096xf32>
    %select_n3A_805 = arith.select %eq3A_787, %broadcast_in_dim3A_804, %select_n3A_774 : vector<128x4096xi1>, vector<128x4096xf32>
    %reduce_min3A_806 = arith.constant dense<0x7F800000> : vector<128xf32>
    %reduce_min3A_807 = vector.multi_reduction <minimumf>, %select_n3A_805, %reduce_min3A_806 [1] : vector<128x4096xf32> to vector<128xf32>
    %broadcast_in_dim3A_808 = vector.shape_cast %reduce_min3A_807 : vector<128xf32> to vector<128x1xf32>
    %eq3A_809 = vector.broadcast %broadcast_in_dim3A_808 : vector<128x1xf32> to vector<128x4096xf32>
    %eq3A_810 = arith.cmpf oeq, %select_n3A_805, %eq3A_809 : vector<128x4096xf32>
    %jit3A_811 = arith.constant 16777216 : i32
    %broadcast_in_dim3A_812 = vector.broadcast %jit3A_811 : i32 to vector<128x4096xi32>
    %select_n3A_813 = arith.select %eq3A_810, %iota3A, %broadcast_in_dim3A_812 : vector<128x4096xi1>, vector<128x4096xi32>
    %reduce_min3A_814 = arith.constant dense<2147483647> : vector<128xi32>
    %reduce_min3A_815 = vector.multi_reduction <minsi>, %select_n3A_813, %reduce_min3A_814 [1] : vector<128x4096xi32> to vector<128xi32>
    %broadcast_in_dim3A_816 = vector.shape_cast %reduce_min3A_815 : vector<128xi32> to vector<128x1xi32>
    %eq3A_817 = vector.broadcast %broadcast_in_dim3A_816 : vector<128x1xi32> to vector<128x4096xi32>
    %eq3A_818 = arith.cmpi eq, %iota3A, %eq3A_817 : vector<128x4096xi32>
    %jit3A_819 = arith.constant 0.000000e+00 : f32
    %broadcast_in_dim3A_820 = vector.broadcast %jit3A_819 : f32 to vector<128x4096xf32>
    %select_n3A_821 = arith.select %eq3A_818, %get3A_4, %broadcast_in_dim3A_820 : vector<128x4096xi1>, vector<128x4096xf32>
    %reduce_sum3A_822 = arith.constant dense<0.000000e+00> : vector<128xf32>
    %reduce_sum3A_823 = vector.multi_reduction <add>, %select_n3A_821, %reduce_sum3A_822 [1] : vector<128x4096xf32> to vector<128xf32>
    %broadcast_in_dim3A_824 = vector.shape_cast %reduce_sum3A_823 : vector<128xf32> to vector<128x1xf32>
    %add3A_825 = arith.constant 1.000000e-03 : f32
    %add3A_826 = vector.broadcast %add3A_825 : f32 to vector<128x1xf32>
    %add3A_827 = arith.addf %broadcast_in_dim3A_808, %add3A_826 : vector<128x1xf32>
    %div3A_828 = arith.constant 1.000000e+00 : f32
    %div3A_829 = vector.broadcast %div3A_828 : f32 to vector<128x1xf32>
    %div3A_830 = arith.divf %div3A_829, %add3A_827 : vector<128x1xf32>
    %add3A_831 = arith.addf %add3A_800, %div3A_830 : vector<128x1xf32>
    %mul3A_832 = arith.mulf %div3A_830, %broadcast_in_dim3A_824 : vector<128x1xf32>
    %add3A_833 = arith.addf %add3A_802, %mul3A_832 : vector<128x1xf32>
    %jit3A_834 = arith.constant 0x7F800000 : f32
    %broadcast_in_dim3A_835 = vector.broadcast %jit3A_834 : f32 to vector<128x4096xf32>
    %select_n3A_836 = arith.select %eq3A_818, %broadcast_in_dim3A_835, %select_n3A_805 : vector<128x4096xi1>, vector<128x4096xf32>
    %reduce_min3A_837 = arith.constant dense<0x7F800000> : vector<128xf32>
    %reduce_min3A_838 = vector.multi_reduction <minimumf>, %select_n3A_836, %reduce_min3A_837 [1] : vector<128x4096xf32> to vector<128xf32>
    %broadcast_in_dim3A_839 = vector.shape_cast %reduce_min3A_838 : vector<128xf32> to vector<128x1xf32>
    %eq3A_840 = vector.broadcast %broadcast_in_dim3A_839 : vector<128x1xf32> to vector<128x4096xf32>
    %eq3A_841 = arith.cmpf oeq, %select_n3A_836, %eq3A_840 : vector<128x4096xf32>
    %jit3A_842 = arith.constant 16777216 : i32
    %broadcast_in_dim3A_843 = vector.broadcast %jit3A_842 : i32 to vector<128x4096xi32>
    %select_n3A_844 = arith.select %eq3A_841, %iota3A, %broadcast_in_dim3A_843 : vector<128x4096xi1>, vector<128x4096xi32>
    %reduce_min3A_845 = arith.constant dense<2147483647> : vector<128xi32>
    %reduce_min3A_846 = vector.multi_reduction <minsi>, %select_n3A_844, %reduce_min3A_845 [1] : vector<128x4096xi32> to vector<128xi32>
    %broadcast_in_dim3A_847 = vector.shape_cast %reduce_min3A_846 : vector<128xi32> to vector<128x1xi32>
    %eq3A_848 = vector.broadcast %broadcast_in_dim3A_847 : vector<128x1xi32> to vector<128x4096xi32>
    %eq3A_849 = arith.cmpi eq, %iota3A, %eq3A_848 : vector<128x4096xi32>
    %jit3A_850 = arith.constant 0.000000e+00 : f32
    %broadcast_in_dim3A_851 = vector.broadcast %jit3A_850 : f32 to vector<128x4096xf32>
    %select_n3A_852 = arith.select %eq3A_849, %get3A_4, %broadcast_in_dim3A_851 : vector<128x4096xi1>, vector<128x4096xf32>
    %reduce_sum3A_853 = arith.constant dense<0.000000e+00> : vector<128xf32>
    %reduce_sum3A_854 = vector.multi_reduction <add>, %select_n3A_852, %reduce_sum3A_853 [1] : vector<128x4096xf32> to vector<128xf32>
    %broadcast_in_dim3A_855 = vector.shape_cast %reduce_sum3A_854 : vector<128xf32> to vector<128x1xf32>
    %add3A_856 = arith.constant 1.000000e-03 : f32
    %add3A_857 = vector.broadcast %add3A_856 : f32 to vector<128x1xf32>
    %add3A_858 = arith.addf %broadcast_in_dim3A_839, %add3A_857 : vector<128x1xf32>
    %div3A_859 = arith.constant 1.000000e+00 : f32
    %div3A_860 = vector.broadcast %div3A_859 : f32 to vector<128x1xf32>
    %div3A_861 = arith.divf %div3A_860, %add3A_858 : vector<128x1xf32>
    %add3A_862 = arith.addf %add3A_831, %div3A_861 : vector<128x1xf32>
    %mul3A_863 = arith.mulf %div3A_861, %broadcast_in_dim3A_855 : vector<128x1xf32>
    %add3A_864 = arith.addf %add3A_833, %mul3A_863 : vector<128x1xf32>
    %jit3A_865 = arith.constant 0x7F800000 : f32
    %broadcast_in_dim3A_866 = vector.broadcast %jit3A_865 : f32 to vector<128x4096xf32>
    %select_n3A_867 = arith.select %eq3A_849, %broadcast_in_dim3A_866, %select_n3A_836 : vector<128x4096xi1>, vector<128x4096xf32>
    %reduce_min3A_868 = arith.constant dense<0x7F800000> : vector<128xf32>
    %reduce_min3A_869 = vector.multi_reduction <minimumf>, %select_n3A_867, %reduce_min3A_868 [1] : vector<128x4096xf32> to vector<128xf32>
    %broadcast_in_dim3A_870 = vector.shape_cast %reduce_min3A_869 : vector<128xf32> to vector<128x1xf32>
    %eq3A_871 = vector.broadcast %broadcast_in_dim3A_870 : vector<128x1xf32> to vector<128x4096xf32>
    %eq3A_872 = arith.cmpf oeq, %select_n3A_867, %eq3A_871 : vector<128x4096xf32>
    %jit3A_873 = arith.constant 16777216 : i32
    %broadcast_in_dim3A_874 = vector.broadcast %jit3A_873 : i32 to vector<128x4096xi32>
    %select_n3A_875 = arith.select %eq3A_872, %iota3A, %broadcast_in_dim3A_874 : vector<128x4096xi1>, vector<128x4096xi32>
    %reduce_min3A_876 = arith.constant dense<2147483647> : vector<128xi32>
    %reduce_min3A_877 = vector.multi_reduction <minsi>, %select_n3A_875, %reduce_min3A_876 [1] : vector<128x4096xi32> to vector<128xi32>
    %broadcast_in_dim3A_878 = vector.shape_cast %reduce_min3A_877 : vector<128xi32> to vector<128x1xi32>
    %eq3A_879 = vector.broadcast %broadcast_in_dim3A_878 : vector<128x1xi32> to vector<128x4096xi32>
    %eq3A_880 = arith.cmpi eq, %iota3A, %eq3A_879 : vector<128x4096xi32>
    %jit3A_881 = arith.constant 0.000000e+00 : f32
    %broadcast_in_dim3A_882 = vector.broadcast %jit3A_881 : f32 to vector<128x4096xf32>
    %select_n3A_883 = arith.select %eq3A_880, %get3A_4, %broadcast_in_dim3A_882 : vector<128x4096xi1>, vector<128x4096xf32>
    %reduce_sum3A_884 = arith.constant dense<0.000000e+00> : vector<128xf32>
    %reduce_sum3A_885 = vector.multi_reduction <add>, %select_n3A_883, %reduce_sum3A_884 [1] : vector<128x4096xf32> to vector<128xf32>
    %broadcast_in_dim3A_886 = vector.shape_cast %reduce_sum3A_885 : vector<128xf32> to vector<128x1xf32>
    %add3A_887 = arith.constant 1.000000e-03 : f32
    %add3A_888 = vector.broadcast %add3A_887 : f32 to vector<128x1xf32>
    %add3A_889 = arith.addf %broadcast_in_dim3A_870, %add3A_888 : vector<128x1xf32>
    %div3A_890 = arith.constant 1.000000e+00 : f32
    %div3A_891 = vector.broadcast %div3A_890 : f32 to vector<128x1xf32>
    %div3A_892 = arith.divf %div3A_891, %add3A_889 : vector<128x1xf32>
    %add3A_893 = arith.addf %add3A_862, %div3A_892 : vector<128x1xf32>
    %mul3A_894 = arith.mulf %div3A_892, %broadcast_in_dim3A_886 : vector<128x1xf32>
    %add3A_895 = arith.addf %add3A_864, %mul3A_894 : vector<128x1xf32>
    %jit3A_896 = arith.constant 0x7F800000 : f32
    %broadcast_in_dim3A_897 = vector.broadcast %jit3A_896 : f32 to vector<128x4096xf32>
    %select_n3A_898 = arith.select %eq3A_880, %broadcast_in_dim3A_897, %select_n3A_867 : vector<128x4096xi1>, vector<128x4096xf32>
    %reduce_min3A_899 = arith.constant dense<0x7F800000> : vector<128xf32>
    %reduce_min3A_900 = vector.multi_reduction <minimumf>, %select_n3A_898, %reduce_min3A_899 [1] : vector<128x4096xf32> to vector<128xf32>
    %broadcast_in_dim3A_901 = vector.shape_cast %reduce_min3A_900 : vector<128xf32> to vector<128x1xf32>
    %eq3A_902 = vector.broadcast %broadcast_in_dim3A_901 : vector<128x1xf32> to vector<128x4096xf32>
    %eq3A_903 = arith.cmpf oeq, %select_n3A_898, %eq3A_902 : vector<128x4096xf32>
    %jit3A_904 = arith.constant 16777216 : i32
    %broadcast_in_dim3A_905 = vector.broadcast %jit3A_904 : i32 to vector<128x4096xi32>
    %select_n3A_906 = arith.select %eq3A_903, %iota3A, %broadcast_in_dim3A_905 : vector<128x4096xi1>, vector<128x4096xi32>
    %reduce_min3A_907 = arith.constant dense<2147483647> : vector<128xi32>
    %reduce_min3A_908 = vector.multi_reduction <minsi>, %select_n3A_906, %reduce_min3A_907 [1] : vector<128x4096xi32> to vector<128xi32>
    %broadcast_in_dim3A_909 = vector.shape_cast %reduce_min3A_908 : vector<128xi32> to vector<128x1xi32>
    %eq3A_910 = vector.broadcast %broadcast_in_dim3A_909 : vector<128x1xi32> to vector<128x4096xi32>
    %eq3A_911 = arith.cmpi eq, %iota3A, %eq3A_910 : vector<128x4096xi32>
    %jit3A_912 = arith.constant 0.000000e+00 : f32
    %broadcast_in_dim3A_913 = vector.broadcast %jit3A_912 : f32 to vector<128x4096xf32>
    %select_n3A_914 = arith.select %eq3A_911, %get3A_4, %broadcast_in_dim3A_913 : vector<128x4096xi1>, vector<128x4096xf32>
    %reduce_sum3A_915 = arith.constant dense<0.000000e+00> : vector<128xf32>
    %reduce_sum3A_916 = vector.multi_reduction <add>, %select_n3A_914, %reduce_sum3A_915 [1] : vector<128x4096xf32> to vector<128xf32>
    %broadcast_in_dim3A_917 = vector.shape_cast %reduce_sum3A_916 : vector<128xf32> to vector<128x1xf32>
    %add3A_918 = arith.constant 1.000000e-03 : f32
    %add3A_919 = vector.broadcast %add3A_918 : f32 to vector<128x1xf32>
    %add3A_920 = arith.addf %broadcast_in_dim3A_901, %add3A_919 : vector<128x1xf32>
    %div3A_921 = arith.constant 1.000000e+00 : f32
    %div3A_922 = vector.broadcast %div3A_921 : f32 to vector<128x1xf32>
    %div3A_923 = arith.divf %div3A_922, %add3A_920 : vector<128x1xf32>
    %add3A_924 = arith.addf %add3A_893, %div3A_923 : vector<128x1xf32>
    %mul3A_925 = arith.mulf %div3A_923, %broadcast_in_dim3A_917 : vector<128x1xf32>
    %add3A_926 = arith.addf %add3A_895, %mul3A_925 : vector<128x1xf32>
    %jit3A_927 = arith.constant 0x7F800000 : f32
    %broadcast_in_dim3A_928 = vector.broadcast %jit3A_927 : f32 to vector<128x4096xf32>
    %select_n3A_929 = arith.select %eq3A_911, %broadcast_in_dim3A_928, %select_n3A_898 : vector<128x4096xi1>, vector<128x4096xf32>
    %reduce_min3A_930 = arith.constant dense<0x7F800000> : vector<128xf32>
    %reduce_min3A_931 = vector.multi_reduction <minimumf>, %select_n3A_929, %reduce_min3A_930 [1] : vector<128x4096xf32> to vector<128xf32>
    %broadcast_in_dim3A_932 = vector.shape_cast %reduce_min3A_931 : vector<128xf32> to vector<128x1xf32>
    %eq3A_933 = vector.broadcast %broadcast_in_dim3A_932 : vector<128x1xf32> to vector<128x4096xf32>
    %eq3A_934 = arith.cmpf oeq, %select_n3A_929, %eq3A_933 : vector<128x4096xf32>
    %jit3A_935 = arith.constant 16777216 : i32
    %broadcast_in_dim3A_936 = vector.broadcast %jit3A_935 : i32 to vector<128x4096xi32>
    %select_n3A_937 = arith.select %eq3A_934, %iota3A, %broadcast_in_dim3A_936 : vector<128x4096xi1>, vector<128x4096xi32>
    %reduce_min3A_938 = arith.constant dense<2147483647> : vector<128xi32>
    %reduce_min3A_939 = vector.multi_reduction <minsi>, %select_n3A_937, %reduce_min3A_938 [1] : vector<128x4096xi32> to vector<128xi32>
    %broadcast_in_dim3A_940 = vector.shape_cast %reduce_min3A_939 : vector<128xi32> to vector<128x1xi32>
    %eq3A_941 = vector.broadcast %broadcast_in_dim3A_940 : vector<128x1xi32> to vector<128x4096xi32>
    %eq3A_942 = arith.cmpi eq, %iota3A, %eq3A_941 : vector<128x4096xi32>
    %jit3A_943 = arith.constant 0.000000e+00 : f32
    %broadcast_in_dim3A_944 = vector.broadcast %jit3A_943 : f32 to vector<128x4096xf32>
    %select_n3A_945 = arith.select %eq3A_942, %get3A_4, %broadcast_in_dim3A_944 : vector<128x4096xi1>, vector<128x4096xf32>
    %reduce_sum3A_946 = arith.constant dense<0.000000e+00> : vector<128xf32>
    %reduce_sum3A_947 = vector.multi_reduction <add>, %select_n3A_945, %reduce_sum3A_946 [1] : vector<128x4096xf32> to vector<128xf32>
    %broadcast_in_dim3A_948 = vector.shape_cast %reduce_sum3A_947 : vector<128xf32> to vector<128x1xf32>
    %add3A_949 = arith.constant 1.000000e-03 : f32
    %add3A_950 = vector.broadcast %add3A_949 : f32 to vector<128x1xf32>
    %add3A_951 = arith.addf %broadcast_in_dim3A_932, %add3A_950 : vector<128x1xf32>
    %div3A_952 = arith.constant 1.000000e+00 : f32
    %div3A_953 = vector.broadcast %div3A_952 : f32 to vector<128x1xf32>
    %div3A_954 = arith.divf %div3A_953, %add3A_951 : vector<128x1xf32>
    %add3A_955 = arith.addf %add3A_924, %div3A_954 : vector<128x1xf32>
    %mul3A_956 = arith.mulf %div3A_954, %broadcast_in_dim3A_948 : vector<128x1xf32>
    %add3A_957 = arith.addf %add3A_926, %mul3A_956 : vector<128x1xf32>
    %jit3A_958 = arith.constant 0x7F800000 : f32
    %broadcast_in_dim3A_959 = vector.broadcast %jit3A_958 : f32 to vector<128x4096xf32>
    %select_n3A_960 = arith.select %eq3A_942, %broadcast_in_dim3A_959, %select_n3A_929 : vector<128x4096xi1>, vector<128x4096xf32>
    %reduce_min3A_961 = arith.constant dense<0x7F800000> : vector<128xf32>
    %reduce_min3A_962 = vector.multi_reduction <minimumf>, %select_n3A_960, %reduce_min3A_961 [1] : vector<128x4096xf32> to vector<128xf32>
    %broadcast_in_dim3A_963 = vector.shape_cast %reduce_min3A_962 : vector<128xf32> to vector<128x1xf32>
    %eq3A_964 = vector.broadcast %broadcast_in_dim3A_963 : vector<128x1xf32> to vector<128x4096xf32>
    %eq3A_965 = arith.cmpf oeq, %select_n3A_960, %eq3A_964 : vector<128x4096xf32>
    %jit3A_966 = arith.constant 16777216 : i32
    %broadcast_in_dim3A_967 = vector.broadcast %jit3A_966 : i32 to vector<128x4096xi32>
    %select_n3A_968 = arith.select %eq3A_965, %iota3A, %broadcast_in_dim3A_967 : vector<128x4096xi1>, vector<128x4096xi32>
    %reduce_min3A_969 = arith.constant dense<2147483647> : vector<128xi32>
    %reduce_min3A_970 = vector.multi_reduction <minsi>, %select_n3A_968, %reduce_min3A_969 [1] : vector<128x4096xi32> to vector<128xi32>
    %broadcast_in_dim3A_971 = vector.shape_cast %reduce_min3A_970 : vector<128xi32> to vector<128x1xi32>
    %eq3A_972 = vector.broadcast %broadcast_in_dim3A_971 : vector<128x1xi32> to vector<128x4096xi32>
    %eq3A_973 = arith.cmpi eq, %iota3A, %eq3A_972 : vector<128x4096xi32>
    %jit3A_974 = arith.constant 0.000000e+00 : f32
    %broadcast_in_dim3A_975 = vector.broadcast %jit3A_974 : f32 to vector<128x4096xf32>
    %select_n3A_976 = arith.select %eq3A_973, %get3A_4, %broadcast_in_dim3A_975 : vector<128x4096xi1>, vector<128x4096xf32>
    %reduce_sum3A_977 = arith.constant dense<0.000000e+00> : vector<128xf32>
    %reduce_sum3A_978 = vector.multi_reduction <add>, %select_n3A_976, %reduce_sum3A_977 [1] : vector<128x4096xf32> to vector<128xf32>
    %broadcast_in_dim3A_979 = vector.shape_cast %reduce_sum3A_978 : vector<128xf32> to vector<128x1xf32>
    %add3A_980 = arith.constant 1.000000e-03 : f32
    %add3A_981 = vector.broadcast %add3A_980 : f32 to vector<128x1xf32>
    %add3A_982 = arith.addf %broadcast_in_dim3A_963, %add3A_981 : vector<128x1xf32>
    %div3A_983 = arith.constant 1.000000e+00 : f32
    %div3A_984 = vector.broadcast %div3A_983 : f32 to vector<128x1xf32>
    %div3A_985 = arith.divf %div3A_984, %add3A_982 : vector<128x1xf32>
    %add3A_986 = arith.addf %add3A_955, %div3A_985 : vector<128x1xf32>
    %mul3A_987 = arith.mulf %div3A_985, %broadcast_in_dim3A_979 : vector<128x1xf32>
    %add3A_988 = arith.addf %add3A_957, %mul3A_987 : vector<128x1xf32>
    %div3A_989 = arith.divf %add3A_988, %add3A_986 : vector<128x1xf32>
    %swap3A = arith.constant 0 : index
    %swap3A_990 = arith.constant 0 : index
    %swap3A_991 = vector.load %arg3[%swap3A, %swap3A_990] : memref<128x1xf32, #tpu.memory_space<vmem>>, vector<128x1xf32>
    tpu.vector_store %arg3[%swap3A, %swap3A_990], %div3A_989 {strides = array<i32>} : memref<128x1xf32, #tpu.memory_space<vmem>>, vector<128x1xf32>,
    return
  }
  func.func @transform_0(%arg0: i32) -> (i32, i32) {
    %c0_i32 = arith.constant 0 : i32
    %c0_i32_0 = arith.constant 0 : i32
    return %arg0, %c0_i32 : i32, i32
  }
  func.func @transform_1(%arg0: i32) -> (i32, i32) {
    %c0_i32 = arith.constant 0 : i32
    %c0_i32_0 = arith.constant 0 : i32
    return %arg0, %c0_i32 : i32, i32
  }
  func.func @transform_2(%arg0: i32) -> (i32, i32) {
    %c0_i32 = arith.constant 0 : i32
    %c0_i32_0 = arith.constant 0 : i32
    return %arg0, %c0_i32 : i32, i32
  }
}

</mosaic_0001>

<sc_bundles>
// kernel: kernel.7.cloned.1.call-start
scs
__scs_entry_jumppad:
0x0: {  	(pc) =	sbr.rel $0x88, $3  }
0x1: {  	(tag) =	ssettag $0x0;
	lr =	simm.s32 $0x1  }
0x2: {  	[smem:$0x3F99] =	sst lr;
	_ =	strace $0xD0000000  }
0x3: {  	_ = 	snop  }
0x4: {  	_ = 	snop  }
0x5: {  	_ = 	snop  }
0x6: {  	_ = 	snop  }
0x7: {  	_ = 	snop  }
__scs_overlays_trampoline_lowered:
0x8: {  	[smem:$0x3FA8] =	sst s0  }
0x9: {  	[smem:$0x3FA9] =	sst s1  }
0xa: {  	[smem:$0x3FAA] =	sst s2  }
0xb: {  	[smem:$0x3FAB] =	sst s3  }
0xc: {  	[smem:$0x3FAC] =	sst s4  }
0xd: {  	[smem:$0x3FAD] =	sst s5  }
0xe: {  	[smem:$0x3FAE] =	sst s6  }
0xf: {  	[smem:$0x3FAF] =	sst s7  }
0x10: {  	[smem:$0x3FB0] =	sst s8  }
0x11: {  	[smem:$0x3FB1] =	sst s9;
	s0 =	simm.s32 @!p0 $0x0  }
0x12: {  	s1 =	sld [smem:$0x3F97];
	s0 =	simm.s32 @p0 $0x1  }
0x13: {  	[smem:$0x3FB2] =	sst s0;
	s0 =	simm.s32 @!p1 $0x0  }
0x14: {  	s2 =	sld [smem:$0x3F96];
	s0 =	simm.s32 @p1 $0x1  }
0x15: {  	[smem:$0x3FB3] =	sst s0;
	s0 =	simm.s32 @!p2 $0x0  }
0x16: {  	s3 =	sld [smem:$0x3FDB];
	s0 =	simm.s32 @p2 $0x1  }
0x17: {  	s4 =	simm.s32 $0x1BF5;
	[smem:$0x3FB5] =	sst s0  }
0x18: {  	s0 =	sld [smem:$0x3F98];
	_ =	swait.ge [sflag:s4], $0x0  }
0x19: {  	s7 =	sld [smem:$0x3F99]  }
0x1a: {  	s8 =	sadd.s32 $0xFFFFE003, lr  }
0x1b: {  	s9 =	sadd.s32 $0xFFFFFEF7, lr;
	s5 =	simm.s32 $0xFFFFFFFF;
	p2 =	slt.u32 s8, $0xFFFFF086  }
0x1c: {  	p1 =	slt.u32 s9, $0xF7A;
	s5 =	simm.s32 @!p2 $0x0  }
0x1d: {  	s5 =	simm.s32 @p1 $0x1;
	p0 =	seq.s32 s7, s2  }
0x1e: {  	s7 =	smul.u32 @!p0 $0xF7A, s2;
	p2 =	seq.s32 @!p0 s5, $0x0  }
0x1f: {  	s9 =	smul.u32 $0xF7A, s1;
	s8 =	simm.s32 @!p0 $0x1BF5;
	p2 =	por !p2, p0  }
0x20: {  	[sflag:s8] =	ssyncset.s32 @!p0 $0xFFFFF086;
	s6 =	sadd.s32 @!p0 s3, s7;
	s7 =	simm.s32 @!p0 $0x108  }
0x21: {  	s3 =	sadd.s32 s3, s9;
	s6 =	sadd.s32 @!p0 $0x88, s6;
	s7 =	simm.s32 @p2 $0x1082  }
0x22: {  	[simem:s7], [sflag:s8] =	dma.local @!p0 [hbm:s6], $0xF7A  }
0x23: {  	s9 =	sor.u32 $0xD0000000, s2;
	s6 =	simm.s32 $0x108;
	_ =	swait.ge @!p0 [sflag:s8], $0x0  }
0x24: {  	s3 =	sadd.s32 $0x88, s3;
	s6 =	simm.s32 @!p1 $0x1082;
	[sflag:s4] =	ssyncset.s32 $0xFFFFF086  }
0x25: {  	[simem:s6], [sflag:s4] =	dma.local [hbm:s3], $0xF7A  }
0x26: {  	[smem:$0x3F99] =	sst s1;
	(tag) =	ssettag s2;
	_ =	strace s9  }
0x27: {  	s1 =	sld [smem:$0x3FA9]  }
0x28: {  	s2 =	sld [smem:$0x3FAA]  }
0x29: {  	s4 =	sld [smem:$0x3FAC]  }
0x2a: {  	p0 =	seq.s32 s5, $0x0;
	s5 =	sld [smem:$0x3FAD]  }
0x2b: {  	s6 =	sld [smem:$0x3FAE]  }
0x2c: {  	s7 =	sld [smem:$0x3FAF]  }
0x2d: {  	s3 =	simm.s32 $0x108;
	s8 =	sld [smem:$0x3FB0]  }
0x2e: {  	s3 =	simm.s32 @!p0 $0x1082;
	s9 =	sld [smem:$0x3FB1]  }
0x2f: {  	lr =	sadd.s32 s0, s3;
	s0 =	sld [smem:$0x3FA8]  }
0x30: {  	s3 =	sld [smem:$0x3FAB]  }
0x31: {  	[smem:$0x3FB4] =	sst s10  }
0x32: {  	s10 =	sld [smem:$0x3FB2];
	_ =	sdelay $0x3  }
0x33: {  	p0 =	seq.s32 s10, $0x1;
	s10 =	sld [smem:$0x3FB4];
	_ =	sdelay $0x3  }
0x34: {  	[smem:$0x3FB4] =	sst s10  }
0x35: {  	s10 =	sld [smem:$0x3FB3];
	_ =	sdelay $0x3  }
0x36: {  	p1 =	seq.s32 s10, $0x1;
	s10 =	sld [smem:$0x3FB4];
	_ =	sdelay $0x3  }
0x37: {  	[smem:$0x3FB4] =	sst s10  }
0x38: {  	s10 =	sld [smem:$0x3FB5]  }
0x39: {  	_ = 	snop;
	(pc) =	sbr.ind lr, $3  }
0x3a: {  	_ = 	snop  }
0x3b: {  	_ = 	snop  }
0x3c: {  	p2 =	seq.s32 s10, $0x1;
	s10 =	sld [smem:$0x3FB4]  }
0x3d: {  	_ =	shalt  }
0x3e: {  	_ =	shalt  }
0x3f: {  	_ =	shalt  }
0x40: {  	_ =	shalt  }
0x41: {  	_ =	shalt  }
0x42: {  	_ =	shalt  }
0x43: {  	_ =	shalt  }
0x44: {  	_ =	shalt  }
0x45: {  	_ =	shalt  }
0x46: {  	_ =	shalt  }
0x47: {  	_ =	shalt  }
0x48: {  	_ =	shalt  }
0x49: {  	_ =	shalt  }
0x4a: {  	_ =	shalt  }
0x4b: {  	_ =	shalt  }
0x4c: {  	_ =	shalt  }
0x4d: {  	_ =	shalt  }
0x4e: {  	_ =	shalt  }
0x4f: {  	_ =	shalt  }
0x50: {  	_ =	shalt  }
0x51: {  	_ =	shalt  }
0x52: {  	_ =	shalt  }
0x53: {  	_ =	shalt  }
0x54: {  	_ =	shalt  }
0x55: {  	_ =	shalt  }
0x56: {  	_ =	shalt  }
0x57: {  	_ =	shalt  }
0x58: {  	_ =	shalt  }
0x59: {  	_ =	shalt  }
0x5a: {  	_ =	shalt  }
0x5b: {  	_ =	shalt  }
0x5c: {  	_ =	shalt  }
0x5d: {  	_ =	shalt  }
0x5e: {  	_ =	shalt  }
0x5f: {  	_ =	shalt  }
0x60: {  	_ =	shalt  }
0x61: {  	_ =	shalt  }
0x62: {  	_ =	shalt  }
0x63: {  	_ =	shalt  }
0x64: {  	_ =	shalt  }
0x65: {  	_ =	shalt  }
0x66: {  	_ =	shalt  }
0x67: {  	_ =	shalt  }
0x68: {  	_ =	shalt  }
0x69: {  	_ =	shalt  }
0x6a: {  	_ =	shalt  }
0x6b: {  	_ =	shalt  }
0x6c: {  	_ =	shalt  }
0x6d: {  	_ =	shalt  }
0x6e: {  	_ =	shalt  }
0x6f: {  	_ =	shalt  }
0x70: {  	_ =	shalt  }
0x71: {  	_ =	shalt  }
0x72: {  	_ =	shalt  }
0x73: {  	_ =	shalt  }
0x74: {  	_ =	shalt  }
0x75: {  	_ =	shalt  }
0x76: {  	_ =	shalt  }
0x77: {  	_ =	shalt  }
0x78: {  	_ =	shalt  }
0x79: {  	_ =	shalt  }
0x7a: {  	_ =	shalt  }
0x7b: {  	_ =	shalt  }
0x7c: {  	_ =	shalt  }
0x7d: {  	_ =	shalt  }
0x7e: {  	_ =	shalt  }
0x7f: {  	_ =	shalt  }
0x80: {  	_ =	shalt  }
0x81: {  	_ =	shalt  }
0x82: {  	_ =	shalt  }
0x83: {  	_ =	shalt  }
0x84: {  	_ =	shalt  }
0x85: {  	_ =	shalt  }
0x86: {  	_ =	shalt  }
0x87: {  	_ =	shalt  }
.Lfunc_end0:
.L_simem_size_0:
called_computation_lowered:
.L_overlay_start_0:
0x88: {  	s2 =	sld [smem:$0x3FD9]  }
0x89: {  	s3 =	sld [smem:$0x3FFE];
	_ =	sdelay $0x1  }
0x8a: {  	s1 =	srdreg.scid  }
0x8b: {  	s0 =	sand.u32 $0x1, s1  }
0x8c: {  	s17 =	sshll.u32 s0, $0xA;
	s2 =	sadd.s32 s3, s2  }
0x8d: {  	s2 =	sadd.s32 s2, s17  }
0x8e: {  	[smem:$0x3FC0] =	sst s2  }
0x8f: {  	_ = 	snop  }
0x90: {  	s2 =	sld [smem:$0x3FC2];
	(tm) =	ssettm $0x1  }
0x91: {  	s18 =	sld [smem:$0x3FFB];
	_ =	sdelay $0x3  }
0x92: {  	_ =	strace s18  }
0x93: {  	s3 =	sld [smem:$0x3FFC];
	_ =	sdelay $0x3  }
0x94: {  	_ =	strace s3  }
0x95: {  	s3 =	sld [smem:$0x3FFD];
	_ =	sdelay $0x3  }
0x96: {  	_ =	strace s3  }
0x97: {  	_ =	strace $0x8FFFFFFF  }
0x98: {  	s19 =	sld [smem:$0x3FDB];
	_ =	sdelay $0x1  }
0x99: {  	s4 =	simm.s32 $_scs_section_size  }
0x9a: {  	s5 =	simm.s32 $_size__tile_overlayer_lowered;
	s6 =	simm.s32 $_tile_overlayer_lowered  }
0x9b: {  	s22 =	simm.s32 $0x1BFF;
	s21 =	sshll.u32 s6, $0x1;
	s3 =	sadd.s32 s4, s19  }
0x9c: {  	s7 =	simm.s32 $0x0;
	s20 =	sshll.u32 s5, $0x1;
	s5 =	sadd.s32 s21, s3  }
0x9d: {  	[timem:s7], [sflag:s22] =	dma.local [hbm:s5], s20  }
0x9e: {  	_ =	swait.ge [sflag:s22], s20  }
0x9f: {  	s4 =	ssub.s32 $0x0, s20;
	[sflag:s22] =	ssyncset.done $0x0  }
0xa0: {  	[sflag:s22] =	ssyncadd.s32 s4;
	_ =	sdelay $0x1  }
0xa1: {  	s23 =	simm.s32 $0x1B8B  }
0xa2: {  	_ =	swait.ge [sflag:s23], $0x1  }
0xa3: {  	[sflag:s23] =	ssyncset.done $0x0  }
0xa4: {  	s25 =	simm.s32 $0x1B8E;
	s24 =	sld [smem:$0x3FFE];
	[sflag:s23] =	ssyncadd.s32 $0xFFFFFFFF  }
0xa5: {  	s26 =	simm.s32 $execute0_lowered;
	[smem:$0x3FD2] =	sst s25  }
0xa6: {  	s5 =	sshll.u32 s26, $0x1;
	_ =	strace $0x80000046;
	[dreg:$0x1] =	wrdreg $0xFFFFFFFF  }
0xa7: {  	s28 =	simm.s32 $_size_execute0_lowered;
	s3 =	sadd.s32 s3, s5;
	[dreg:$0x0] =	wrdreg $0x0  }
0xa8: {  	s5 =	sshll.u32 s28, $0x1;
	[dreg:$0x2] =	wrdreg s3  }
0xa9: {  	[dreg:$0x3] =	wrdreg s5  }
0xaa: {  	[dreg:$0x4] =	wrdreg $0xC0  }
0xab: {  	_ =	task [dreg:s7], $0x5FFFF  }
0xac: {  	[dreg:$0x1] =	wrdreg $0xFFFFFFFF  }
0xad: {  	[dreg:$0x0] =	wrdreg $0x60  }
0xae: {  	[dreg:$0x2] =	wrdreg s24  }
0xaf: {  	[dreg:$0x3] =	wrdreg s2  }
0xb0: {  	[dreg:$0x4] =	wrdreg $0x9  }
0xb1: {  	_ =	task.clear_ibuf [dreg:s7], $0x5FFFF;
	_ =	strace $0x90000046  }
0xb2: {  	s29 =	simm.s32 $0x9;
	_ =	strace $0x80000048  }
0xb3: {  	_ =	swait.ge [sflag:s29], $0x1  }
0xb4: {  	[sflag:s29] =	ssyncadd.s32 $0xFFFFFFFF  }
0xb5: {  	_ =	strace $0x90000048  }
0xb6: {  	_ =	sfence  }
0xb7: {  	s30 =	sld [smem:$0x0];
	_ =	sdelay $0x2  }
0xb8: {  	s31 =	sshll.u32 s1, $0xD;
	s1 =	sshrl.u32 s1, $0x2  }
0xb9: {  	s3 =	sand.u32 $0x4000, s31;
	s1 =	sadd.s32 s1, s30  }
0xba: {  	s0 =	sor.u32 s3, s0;
	s1 =	sshll.u32 s1, $0x11  }
0xbb: {  	s0 =	sor.u32 s1, s0  }
0xbc: {  	s0 =	sadd.s32 $0x8F2B, s0  }
0xbd: {  	[sflag:s0] =	ssyncadd.remote.s32 $0x1  }
0xbe: {  	_ =	sfence.sel $0xFFFF  }
0xbf: {  	[dreg:$0x0] =	wrdreg $0xFFFFFFFF;
	(pc) =	sbr.abs _section_cstart, $3  }
0xc0: {  	[dreg:$0x1] =	wrdreg $0xFFFFFFFF  }
0xc1: {  	_ =	task.clear_ibuf [dreg:s7], $0x2FFFF;
	_ =	strace $0x9FFFFFFF  }
0xc2: {  	(tm) =	ssettm $0x7FFFFFFF  }
0xc3: {  	_ =	shalt  }
tec
execute0_lowered:
.L_overlay_start_1:
0x0: {  	(tag) =	ssettag $0x1  }
0x1: {  	s1 =	srdreg.scid  }
0x2: {  	s11 =	rddreg [dreg:$0x0];
	s0 =	stileid.u32;
	s23 =	sand.u32 $0x1, s1  }
0x3: {  	s2 =	rddreg [dreg:$0x1];
	s4 =	sshll.u32 s0, $0xB;
	s5 =	sshll.u32 s23, $0xA  }
0x4: {  	s3 =	simm.s32 $0x0;
	s1 =	rddreg [dreg:$0x2];
	s21 =	sor.u32 s5, s4  }
0x5: {  	[smem:$0x7FF] =	sst s3;
	s20 =	sadd.s32 $0x801800, s11;
	s10 =	sshrl.u32 s21, $0x3  }
0x6: {  	_ =	strace $0x80000047;
	s4 =	simm.s32 $0x2;
	s5 =	sadd.s32 s20, s10  }
0x7: {  	[tilespmem:s3], [sflag:$0x2] =	stream.linear.gather [hbm4b:s5+s3], $0x100, $0x38;
	[tilespmem:$0x8100] =	vst v63  }
0x8: {  	_ =	swait.ge [sflag:s4], $0x100  }
0x9: {  	s7 =	simm.s32 $0x100;
	[sflag:s4] =	ssyncset.done $0x0  }
0xa: {  	s8 =	simm.s32 $0x1;
	s6 =	sadd.s32 $0x803800, s11;
	[sflag:s4] =	ssyncadd.s32 $0xFFFFFF00  }
0xb: {  	[tilespmem:s7], [sflag:$0x1] =	stream.indirect.gather [hbm4b:s6+s7], $0x80, s3, s7, $0xb8;
	[tilespmem:$0x8100] =	vst v63  }
0xc: {  	_ =	swait.ge [sflag:s8], $0x8000  }
0xd: {  	s22 =	sadd.s32 $0x1800, s11;
	s12 =	sshll.u32 s21, $0x4;
	[sflag:s8] =	ssyncset.done $0x0  }
0xe: {  	s9 =	sadd.s32 s22, s12;
	[sflag:s8] =	ssyncadd.s32 $0xFFFF8000  }
0xf: {  	[hbm4b:s9+s3] =	stream.linear.scatter [tilespmem:s7], [sflag:$0x2], $0x8000, $0x38;
	[tilespmem:$0x8100] =	vst v63  }
0x10: {  	_ =	swait.ge [sflag:s4], $0x8000  }
0x11: {  	s25 =	sadd.s32 $0x802800, s11;
	[sflag:s4] =	ssyncset.done $0x0  }
0x12: {  	s10 =	sadd.s32 s25, s10;
	[sflag:s4] =	ssyncadd.s32 $0xFFFF8000  }
0x13: {  	[tilespmem:s3], [sflag:$0x2] =	stream.linear.gather [hbm4b:s10+s3], $0x100, $0x38;
	[tilespmem:$0x8100] =	vst v63  }
0x14: {  	_ =	swait.ge [sflag:s4], $0x100  }
0x15: {  	[sflag:s4] =	ssyncset.done $0x0  }
0x16: {  	[sflag:s4] =	ssyncadd.s32 $0xFFFFFF00  }
0x17: {  	[tilespmem:s7], [sflag:$0x1] =	stream.indirect.gather [hbm4b:s2+s7], $0x80, s3, s7, $0xb8;
	[tilespmem:$0x8100] =	vst v63  }
0x18: {  	_ =	swait.ge [sflag:s8], $0x8000  }
0x19: {  	s24 =	sadd.s32 $0x81800, s11;
	[sflag:s8] =	ssyncset.done $0x0  }
0x1a: {  	s11 =	sadd.s32 s24, s12;
	[sflag:s8] =	ssyncadd.s32 $0xFFFF8000  }
0x1b: {  	[hbm4b:s11+s3] =	stream.linear.scatter [tilespmem:s7], [sflag:$0x2], $0x8000, $0x38;
	[tilespmem:$0x8100] =	vst v63  }
0x1c: {  	s13 =	sor.u32 $0x100, s21;
	_ =	swait.ge [sflag:s4], $0x8000  }
0x1d: {  	s14 =	sshrl.u32 s13, $0x3;
	[sflag:s4] =	ssyncset.done $0x0  }
0x1e: {  	s12 =	sadd.s32 s20, s14;
	[sflag:s4] =	ssyncadd.s32 $0xFFFF8000  }
0x1f: {  	[tilespmem:s3], [sflag:$0x2] =	stream.linear.gather [hbm4b:s12+s3], $0x100, $0x38;
	[tilespmem:$0x8100] =	vst v63  }
0x20: {  	_ =	swait.ge [sflag:s4], $0x100  }
0x21: {  	[sflag:s4] =	ssyncset.done $0x0  }
0x22: {  	[sflag:s4] =	ssyncadd.s32 $0xFFFFFF00  }
0x23: {  	[tilespmem:s7], [sflag:$0x1] =	stream.indirect.gather [hbm4b:s6+s7], $0x80, s3, s7, $0xb8;
	[tilespmem:$0x8100] =	vst v63  }
0x24: {  	_ =	swait.ge [sflag:s8], $0x8000  }
0x25: {  	s15 =	sshll.u32 s13, $0x4;
	[sflag:s8] =	ssyncset.done $0x0  }
0x26: {  	s13 =	sadd.s32 s22, s15;
	[sflag:s8] =	ssyncadd.s32 $0xFFFF8000  }
0x27: {  	[hbm4b:s13+s3] =	stream.linear.scatter [tilespmem:s7], [sflag:$0x2], $0x8000, $0x38;
	[tilespmem:$0x8100] =	vst v63  }
0x28: {  	_ =	swait.ge [sflag:s4], $0x8000  }
0x29: {  	[sflag:s4] =	ssyncset.done $0x0  }
0x2a: {  	s14 =	sadd.s32 s25, s14;
	[sflag:s4] =	ssyncadd.s32 $0xFFFF8000  }
0x2b: {  	[tilespmem:s3], [sflag:$0x2] =	stream.linear.gather [hbm4b:s14+s3], $0x100, $0x38;
	[tilespmem:$0x8100] =	vst v63  }
0x2c: {  	_ =	swait.ge [sflag:s4], $0x100  }
0x2d: {  	[sflag:s4] =	ssyncset.done $0x0  }
0x2e: {  	[sflag:s4] =	ssyncadd.s32 $0xFFFFFF00  }
0x2f: {  	[tilespmem:s7], [sflag:$0x1] =	stream.indirect.gather [hbm4b:s2+s7], $0x80, s3, s7, $0xb8;
	[tilespmem:$0x8100] =	vst v63  }
0x30: {  	_ =	swait.ge [sflag:s8], $0x8000  }
0x31: {  	[sflag:s8] =	ssyncset.done $0x0  }
0x32: {  	s15 =	sadd.s32 s24, s15;
	[sflag:s8] =	ssyncadd.s32 $0xFFFF8000  }
0x33: {  	[hbm4b:s15+s3] =	stream.linear.scatter [tilespmem:s7], [sflag:$0x2], $0x8000, $0x38;
	[tilespmem:$0x8100] =	vst v63  }
0x34: {  	s17 =	sor.u32 $0x200, s21;
	_ =	swait.ge [sflag:s4], $0x8000  }
0x35: {  	s18 =	sshrl.u32 s17, $0x3;
	[sflag:s4] =	ssyncset.done $0x0  }
0x36: {  	s16 =	sadd.s32 s20, s18;
	[sflag:s4] =	ssyncadd.s32 $0xFFFF8000  }
0x37: {  	[tilespmem:s3], [sflag:$0x2] =	stream.linear.gather [hbm4b:s16+s3], $0x100, $0x38;
	[tilespmem:$0x8100] =	vst v63  }
0x38: {  	_ =	swait.ge [sflag:s4], $0x100  }
0x39: {  	[sflag:s4] =	ssyncset.done $0x0  }
0x3a: {  	[sflag:s4] =	ssyncadd.s32 $0xFFFFFF00  }
0x3b: {  	[tilespmem:s7], [sflag:$0x1] =	stream.indirect.gather [hbm4b:s6+s7], $0x80, s3, s7, $0xb8;
	[tilespmem:$0x8100] =	vst v63  }
0x3c: {  	_ =	swait.ge [sflag:s8], $0x8000  }
0x3d: {  	s19 =	sshll.u32 s17, $0x4;
	[sflag:s8] =	ssyncset.done $0x0  }
0x3e: {  	s17 =	sadd.s32 s22, s19;
	[sflag:s8] =	ssyncadd.s32 $0xFFFF8000  }
0x3f: {  	[hbm4b:s17+s3] =	stream.linear.scatter [tilespmem:s7], [sflag:$0x2], $0x8000, $0x38;
	[tilespmem:$0x8100] =	vst v63  }
0x40: {  	_ =	swait.ge [sflag:s4], $0x8000  }
0x41: {  	[sflag:s4] =	ssyncset.done $0x0  }
0x42: {  	s18 =	sadd.s32 s25, s18;
	[sflag:s4] =	ssyncadd.s32 $0xFFFF8000  }
0x43: {  	[tilespmem:s3], [sflag:$0x2] =	stream.linear.gather [hbm4b:s18+s3], $0x100, $0x38;
	[tilespmem:$0x8100] =	vst v63  }
0x44: {  	_ =	swait.ge [sflag:s4], $0x100  }
0x45: {  	[sflag:s4] =	ssyncset.done $0x0  }
0x46: {  	[sflag:s4] =	ssyncadd.s32 $0xFFFFFF00  }
0x47: {  	[tilespmem:s7], [sflag:$0x1] =	stream.indirect.gather [hbm4b:s2+s7], $0x80, s3, s7, $0xb8;
	[tilespmem:$0x8100] =	vst v63  }
0x48: {  	_ =	swait.ge [sflag:s8], $0x8000  }
0x49: {  	[sflag:s8] =	ssyncset.done $0x0  }
0x4a: {  	s19 =	sadd.s32 s24, s19;
	[sflag:s8] =	ssyncadd.s32 $0xFFFF8000  }
0x4b: {  	[hbm4b:s19+s3] =	stream.linear.scatter [tilespmem:s7], [sflag:$0x2], $0x8000, $0x38;
	[tilespmem:$0x8100] =	vst v63  }
0x4c: {  	s21 =	sor.u32 $0x300, s21;
	_ =	swait.ge [sflag:s4], $0x8000  }
0x4d: {  	s26 =	sshrl.u32 s21, $0x3;
	[sflag:s4] =	ssyncset.done $0x0  }
0x4e: {  	s20 =	sadd.s32 s20, s26;
	[sflag:s4] =	ssyncadd.s32 $0xFFFF8000  }
0x4f: {  	[tilespmem:s3], [sflag:$0x2] =	stream.linear.gather [hbm4b:s20+s3], $0x100, $0x38;
	[tilespmem:$0x8100] =	vst v63  }
0x50: {  	_ =	swait.ge [sflag:s4], $0x100  }
0x51: {  	[sflag:s4] =	ssyncset.done $0x0  }
0x52: {  	[sflag:s4] =	ssyncadd.s32 $0xFFFFFF00  }
0x53: {  	[tilespmem:s7], [sflag:$0x1] =	stream.indirect.gather [hbm4b:s6+s7], $0x80, s3, s7, $0xb8;
	[tilespmem:$0x8100] =	vst v63  }
0x54: {  	_ =	swait.ge [sflag:s8], $0x8000  }
0x55: {  	s28 =	sshll.u32 s21, $0x4;
	[sflag:s8] =	ssyncset.done $0x0  }
0x56: {  	s21 =	sadd.s32 s22, s28;
	[sflag:s8] =	ssyncadd.s32 $0xFFFF8000  }
0x57: {  	[hbm4b:s21+s3] =	stream.linear.scatter [tilespmem:s7], [sflag:$0x2], $0x8000, $0x38;
	[tilespmem:$0x8100] =	vst v63  }
0x58: {  	_ =	swait.ge [sflag:s4], $0x8000  }
0x59: {  	[sflag:s4] =	ssyncset.done $0x0  }
0x5a: {  	s23 =	ssub.s32 $0x2, s23;
	s22 =	sadd.s32 s25, s26;
	[sflag:s4] =	ssyncadd.s32 $0xFFFF8000  }
0x5b: {  	[tilespmem:s3], [sflag:$0x2] =	stream.linear.gather [hbm4b:s22+s3], $0x100, $0x38;
	[tilespmem:$0x8100] =	vst v63  }
0x5c: {  	s30 =	sshrl.u32 s23, $0x1;
	_ =	swait.ge [sflag:s4], $0x100  }
0x5d: {  	s25 =	ssub.s32 s23, s30;
	[sflag:s4] =	ssyncset.done $0x0  }
0x5e: {  	s31 =	smax.u32 s25, $0x1;
	[sflag:s4] =	ssyncadd.s32 $0xFFFFFF00  }
0x5f: {  	[tilespmem:s7], [sflag:$0x1] =	stream.indirect.gather [hbm4b:s2+s7], $0x80, s3, s7, $0xb8;
	[tilespmem:$0x8100] =	vst v63  }
0x60: {  	p0 =	sne.s32 s31, $0x1;
	_ =	swait.ge [sflag:s8], $0x8000  }
.Ltmp0:
0x61: {  	[sflag:s8] =	ssyncset.done $0x0;
	(pc) =	sbr.rel @!p0 .LBB2_2-.Ltmp0, $4  }
0x62: {  	s23 =	sadd.s32 s24, s28;
	[sflag:s8] =	ssyncadd.s32 $0xFFFF8000  }
0x63: {  	[hbm4b:s23+s3] =	stream.linear.scatter [tilespmem:s7], [sflag:$0x2], $0x8000, $0x38;
	[tilespmem:$0x8100] =	vst v63  }
0x64: {  	_ =	swait.ge [sflag:s4], $0x8000  }
0x65: {  	s24 =	sadd.s32 $0xFFFFFFFF, s31;
	[sflag:s4] =	ssyncset.done $0x0  }
.LBB2_1:
0x66: {  	p0 =	sne.s32 s24, $0x1;
	s24 =	sadd.s32 $0xFFFFFFFF, s24;
	[sflag:s4] =	ssyncadd.s32 $0xFFFF8000  }
0x67: {  	[tilespmem:s3], [sflag:$0x2] =	stream.linear.gather [hbm4b:s5+s3], $0x100, $0x38;
	[tilespmem:$0x8100] =	vst v63  }
0x68: {  	_ =	swait.ge [sflag:s4], $0x100  }
0x69: {  	[sflag:s4] =	ssyncset.done $0x0  }
0x6a: {  	[sflag:s4] =	ssyncadd.s32 $0xFFFFFF00  }
0x6b: {  	[tilespmem:s7], [sflag:$0x1] =	stream.indirect.gather [hbm4b:s6+s7], $0x80, s3, s7, $0xb8;
	[tilespmem:$0x8100] =	vst v63  }
0x6c: {  	_ =	swait.ge [sflag:s8], $0x8000  }
0x6d: {  	[sflag:s8] =	ssyncset.done $0x0  }
0x6e: {  	[sflag:s8] =	ssyncadd.s32 $0xFFFF8000  }
0x6f: {  	[hbm4b:s9+s3] =	stream.linear.scatter [tilespmem:s7], [sflag:$0x2], $0x8000, $0x38;
	[tilespmem:$0x8100] =	vst v63  }
0x70: {  	_ =	swait.ge [sflag:s4], $0x8000  }
0x71: {  	[sflag:s4] =	ssyncset.done $0x0  }
0x72: {  	[sflag:s4] =	ssyncadd.s32 $0xFFFF8000  }
0x73: {  	[tilespmem:s3], [sflag:$0x2] =	stream.linear.gather [hbm4b:s10+s3], $0x100, $0x38;
	[tilespmem:$0x8100] =	vst v63  }
0x74: {  	_ =	swait.ge [sflag:s4], $0x100  }
0x75: {  	[sflag:s4] =	ssyncset.done $0x0  }
0x76: {  	[sflag:s4] =	ssyncadd.s32 $0xFFFFFF00  }
0x77: {  	[tilespmem:s7], [sflag:$0x1] =	stream.indirect.gather [hbm4b:s2+s7], $0x80, s3, s7, $0xb8;
	[tilespmem:$0x8100] =	vst v63  }
0x78: {  	_ =	swait.ge [sflag:s8], $0x8000  }
0x79: {  	[sflag:s8] =	ssyncset.done $0x0  }
0x7a: {  	[sflag:s8] =	ssyncadd.s32 $0xFFFF8000  }
0x7b: {  	[hbm4b:s11+s3] =	stream.linear.scatter [tilespmem:s7], [sflag:$0x2], $0x8000, $0x38;
	[tilespmem:$0x8100] =	vst v63  }
0x7c: {  	_ =	swait.ge [sflag:s4], $0x8000  }
0x7d: {  	[sflag:s4] =	ssyncset.done $0x0  }
0x7e: {  	[sflag:s4] =	ssyncadd.s32 $0xFFFF8000  }
0x7f: {  	[tilespmem:s3], [sflag:$0x2] =	stream.linear.gather [hbm4b:s12+s3], $0x100, $0x38;
	[tilespmem:$0x8100] =	vst v63  }
0x80: {  	_ =	swait.ge [sflag:s4], $0x100  }
0x81: {  	[sflag:s4] =	ssyncset.done $0x0  }
0x82: {  	[sflag:s4] =	ssyncadd.s32 $0xFFFFFF00  }
0x83: {  	[tilespmem:s7], [sflag:$0x1] =	stream.indirect.gather [hbm4b:s6+s7], $0x80, s3, s7, $0xb8;
	[tilespmem:$0x8100] =	vst v63  }
0x84: {  	_ =	swait.ge [sflag:s8], $0x8000  }
0x85: {  	[sflag:s8] =	ssyncset.done $0x0  }
0x86: {  	[sflag:s8] =	ssyncadd.s32 $0xFFFF8000  }
0x87: {  	[hbm4b:s13+s3] =	stream.linear.scatter [tilespmem:s7], [sflag:$0x2], $0x8000, $0x38;
	[tilespmem:$0x8100] =	vst v63  }
0x88: {  	_ =	swait.ge [sflag:s4], $0x8000  }
0x89: {  	[sflag:s4] =	ssyncset.done $0x0  }
0x8a: {  	[sflag:s4] =	ssyncadd.s32 $0xFFFF8000  }
0x8b: {  	[tilespmem:s3], [sflag:$0x2] =	stream.linear.gather [hbm4b:s14+s3], $0x100, $0x38;
	[tilespmem:$0x8100] =	vst v63  }
0x8c: {  	_ =	swait.ge [sflag:s4], $0x100  }
0x8d: {  	[sflag:s4] =	ssyncset.done $0x0  }
0x8e: {  	[sflag:s4] =	ssyncadd.s32 $0xFFFFFF00  }
0x8f: {  	[tilespmem:s7], [sflag:$0x1] =	stream.indirect.gather [hbm4b:s2+s7], $0x80, s3, s7, $0xb8;
	[tilespmem:$0x8100] =	vst v63  }
0x90: {  	_ =	swait.ge [sflag:s8], $0x8000  }
0x91: {  	[sflag:s8] =	ssyncset.done $0x0  }
0x92: {  	[sflag:s8] =	ssyncadd.s32 $0xFFFF8000  }
0x93: {  	[hbm4b:s15+s3] =	stream.linear.scatter [tilespmem:s7], [sflag:$0x2], $0x8000, $0x38;
	[tilespmem:$0x8100] =	vst v63  }
0x94: {  	_ =	swait.ge [sflag:s4], $0x8000  }
0x95: {  	[sflag:s4] =	ssyncset.done $0x0  }
0x96: {  	[sflag:s4] =	ssyncadd.s32 $0xFFFF8000  }
0x97: {  	[tilespmem:s3], [sflag:$0x2] =	stream.linear.gather [hbm4b:s16+s3], $0x100, $0x38;
	[tilespmem:$0x8100] =	vst v63  }
0x98: {  	_ =	swait.ge [sflag:s4], $0x100  }
0x99: {  	[sflag:s4] =	ssyncset.done $0x0  }
0x9a: {  	[sflag:s4] =	ssyncadd.s32 $0xFFFFFF00  }
0x9b: {  	[tilespmem:s7], [sflag:$0x1] =	stream.indirect.gather [hbm4b:s6+s7], $0x80, s3, s7, $0xb8;
	[tilespmem:$0x8100] =	vst v63  }
0x9c: {  	_ =	swait.ge [sflag:s8], $0x8000  }
0x9d: {  	[sflag:s8] =	ssyncset.done $0x0  }
0x9e: {  	[sflag:s8] =	ssyncadd.s32 $0xFFFF8000  }
0x9f: {  	[hbm4b:s17+s3] =	stream.linear.scatter [tilespmem:s7], [sflag:$0x2], $0x8000, $0x38;
	[tilespmem:$0x8100] =	vst v63  }
0xa0: {  	_ =	swait.ge [sflag:s4], $0x8000  }
0xa1: {  	[sflag:s4] =	ssyncset.done $0x0  }
0xa2: {  	[sflag:s4] =	ssyncadd.s32 $0xFFFF8000  }
0xa3: {  	[tilespmem:s3], [sflag:$0x2] =	stream.linear.gather [hbm4b:s18+s3], $0x100, $0x38;
	[tilespmem:$0x8100] =	vst v63  }
0xa4: {  	_ =	swait.ge [sflag:s4], $0x100  }
0xa5: {  	[sflag:s4] =	ssyncset.done $0x0  }
0xa6: {  	[sflag:s4] =	ssyncadd.s32 $0xFFFFFF00  }
0xa7: {  	[tilespmem:s7], [sflag:$0x1] =	stream.indirect.gather [hbm4b:s2+s7], $0x80, s3, s7, $0xb8;
	[tilespmem:$0x8100] =	vst v63  }
0xa8: {  	_ =	swait.ge [sflag:s8], $0x8000  }
0xa9: {  	[sflag:s8] =	ssyncset.done $0x0  }
0xaa: {  	[sflag:s8] =	ssyncadd.s32 $0xFFFF8000  }
0xab: {  	[hbm4b:s19+s3] =	stream.linear.scatter [tilespmem:s7], [sflag:$0x2], $0x8000, $0x38;
	[tilespmem:$0x8100] =	vst v63  }
0xac: {  	_ =	swait.ge [sflag:s4], $0x8000  }
0xad: {  	[sflag:s4] =	ssyncset.done $0x0  }
0xae: {  	[sflag:s4] =	ssyncadd.s32 $0xFFFF8000  }
0xaf: {  	[tilespmem:s3], [sflag:$0x2] =	stream.linear.gather [hbm4b:s20+s3], $0x100, $0x38;
	[tilespmem:$0x8100] =	vst v63  }
0xb0: {  	_ =	swait.ge [sflag:s4], $0x100  }
0xb1: {  	[sflag:s4] =	ssyncset.done $0x0  }
0xb2: {  	[sflag:s4] =	ssyncadd.s32 $0xFFFFFF00  }
0xb3: {  	[tilespmem:s7], [sflag:$0x1] =	stream.indirect.gather [hbm4b:s6+s7], $0x80, s3, s7, $0xb8;
	[tilespmem:$0x8100] =	vst v63  }
0xb4: {  	_ =	swait.ge [sflag:s8], $0x8000  }
0xb5: {  	[sflag:s8] =	ssyncset.done $0x0  }
0xb6: {  	[sflag:s8] =	ssyncadd.s32 $0xFFFF8000  }
0xb7: {  	[hbm4b:s21+s3] =	stream.linear.scatter [tilespmem:s7], [sflag:$0x2], $0x8000, $0x38;
	[tilespmem:$0x8100] =	vst v63  }
0xb8: {  	_ =	swait.ge [sflag:s4], $0x8000  }
0xb9: {  	[sflag:s4] =	ssyncset.done $0x0  }
0xba: {  	[sflag:s4] =	ssyncadd.s32 $0xFFFF8000  }
0xbb: {  	[tilespmem:s3], [sflag:$0x2] =	stream.linear.gather [hbm4b:s22+s3], $0x100, $0x38;
	[tilespmem:$0x8100] =	vst v63  }
0xbc: {  	_ =	swait.ge [sflag:s4], $0x100  }
0xbd: {  	[sflag:s4] =	ssyncset.done $0x0  }
0xbe: {  	[sflag:s4] =	ssyncadd.s32 $0xFFFFFF00  }
0xbf: {  	[tilespmem:s7], [sflag:$0x1] =	stream.indirect.gather [hbm4b:s2+s7], $0x80, s3, s7, $0xb8;
	[tilespmem:$0x8100] =	vst v63  }
0xc0: {  	_ =	swait.ge [sflag:s8], $0x8000  }
.Ltmp1:
0xc1: {  	[sflag:s8] =	ssyncset.done $0x0;
	(pc) =	sbr.rel @p0 .LBB2_1-.Ltmp1, $4  }
0xc2: {  	[sflag:s8] =	ssyncadd.s32 $0xFFFF8000  }
0xc3: {  	[hbm4b:s23+s3] =	stream.linear.scatter [tilespmem:s7], [sflag:$0x2], $0x8000, $0x38;
	[tilespmem:$0x8100] =	vst v63  }
0xc4: {  	_ =	swait.ge [sflag:s4], $0x8000  }
0xc5: {  	[sflag:s4] =	ssyncset.done $0x0  }
.LBB2_2:
0xc6: {  	[sflag:s4] =	ssyncadd.s32 $0xFFFF8000  }
0xc7: {  	_ =	sfence.sel $0x180000  }
0xc8: {  	[bflag:$0x0] =	sbarrier.arrive $0xFFFF  }
0xc9: {  	p0 =	sne.s32 s0, $0x0;
	_ =	strace $0x90000047  }
0xca: {  	s0 =	sadd.s32 @!p0 $0x100000, s1;
	[bflag:$0x2] =	sbarrier.arrive $0xFFFF  }
0xcb: {  	[sflag:s0] =	ssyncadd.tile.s32 @!p0 $0x1;
	_ =	shalt  }
.Lfunc_end2:
_tile_overlayer_lowered:
.L_overlay_start_2:
0xcc: {  	(tag) =	ssettag $0x2  }
0xcd: {  	s0 =	rddreg [dreg:$0x0];
	s2 =	stileid.u32  }
0xce: {  	s1 =	rddreg [dreg:$0x1];
	p0 =	sne.s32 s2, $0x0  }
0xcf: {  	s3 =	rddreg [dreg:$0x2];
	[bflag:$0x3] =	sbarrier.arrive $0xFFFF;
	s2 =	simm.s32 @!p0 $0x1C02  }
0xd0: {  	[timem:s3], [sflag:s2] =	dma.local @!p0 [hbm:s0], s1  }
0xd1: {  	s0 =	simm.s32 @!p0 $0x2  }
0xd2: {  	_ =	swait.ge @!p0 [sflag:s0], s1  }
0xd3: {  	s1 =	ssub.s32 @!p0 $0x0, s1;
	[sflag:s0] =	ssyncset.done @!p0 $0x0  }
0xd4: {  	[sflag:s0] =	ssyncadd.s32 @!p0 s1  }
0xd5: {  	[bflag:$0x3] =	sbarrier.arrive $0xFFFF  }
0xd6: {  	_ =	shalt  }

</sc_bundles>
